<compile_context>
chip_gen: v7x
topology: tpu7x:2x2x1
jax: 0.10.2.dev20260603
libtpu: 0.0.44.dev20260713+nightly
codegen_flags: <defaults>
</compile_context>

<pallas_src>
import functools

import jax
import jax.numpy as jnp
from jax import lax
from jax.experimental import pallas as pl
from jax.experimental.pallas import tpu as pltpu
from jax.experimental.pallas import tpu_sc as plsc

N = 10000
D = 128
E = 320000
NPAD = 10240
NC = 2
NS = 16
B = 128
G = 8
NGRP = 20
NPAIR = NGRP // 2
CH = G * NGRP
EPT = CH * B
E_PAD = NS * EPT
RPT = 624
TAIL = N - NS * RPT


def _tc_transform(x_user_p, x_item_p, W_msg_u2i, W_self_u2i, W_msg_i2u, W_self_i2u):
    BLK = 256

    def body(xu_ref, xi_ref, wm0_ref, ws0_ref, wm1_ref, ws1_ref, y_ref, b_ref):
        xu = xu_ref[...]
        xi = xi_ref[...]
        y_ref[0] = jnp.dot(xu, wm0_ref[...], preferred_element_type=jnp.float32)
        y_ref[1] = jnp.dot(xi, wm1_ref[...], preferred_element_type=jnp.float32)
        b_ref[0] = jnp.dot(xi, ws0_ref[...], preferred_element_type=jnp.float32)
        b_ref[1] = jnp.dot(xu, ws1_ref[...], preferred_element_type=jnp.float32)

    grid = (NPAD // BLK,)
    w_spec = pl.BlockSpec((D, D), lambda i: (0, 0))
    return pl.pallas_call(
        body,
        grid=grid,
        in_specs=[
            pl.BlockSpec((BLK, D), lambda i: (i, 0)),
            pl.BlockSpec((BLK, D), lambda i: (i, 0)),
            w_spec, w_spec, w_spec, w_spec,
        ],
        out_specs=[
            pl.BlockSpec((NC, BLK, D), lambda i: (0, i, 0)),
            pl.BlockSpec((NC, BLK, D), lambda i: (0, i, 0)),
        ],
        out_shape=[
            jax.ShapeDtypeStruct((NC, NPAD, D), jnp.float32),
            jax.ShapeDtypeStruct((NC, NPAD, D), jnp.float32),
        ],
    )(x_user_p, x_item_p, W_msg_u2i, W_self_u2i, W_msg_i2u, W_self_i2u)


def _sc_conv(y_flat, e_src, e_dst, base_all):
    mesh = plsc.VectorSubcoreMesh(core_axis_name="c", subcore_axis_name="s")

    @functools.partial(
        pl.kernel,
        out_type=(
            jax.ShapeDtypeStruct((N, D), jnp.float32),
            jax.ShapeDtypeStruct((N, D), jnp.float32),
        ),
        mesh=mesh,
        scratch_types=[
            pltpu.VMEM((G, B), jnp.int32),
            pltpu.VMEM((G, B), jnp.int32),
            pltpu.VMEM((G, B), jnp.int32),
            pltpu.VMEM((G, B), jnp.int32),
            pltpu.VMEM((B, D), jnp.float32),
            pltpu.VMEM((B, D), jnp.float32),
            pltpu.SemaphoreType.DMA,
            pltpu.SemaphoreType.DMA,
            pltpu.SemaphoreType.DMA,
            pltpu.SemaphoreType.DMA,
            pltpu.VMEM_SHARED((N, D), jnp.float32),
        ],
    )
    def k(y_ref, src_ref, dst_ref, base_ref, out_user, out_item,
          sidx0, sidx1, didx0, didx1, r0, r1,
          sg0, sg1, si0, si1, acc):
        cid = lax.axis_index("c")
        sid = lax.axis_index("s")
        row0 = pl.multiple_of(sid * RPT, 8)
        pltpu.sync_copy(base_ref.at[cid, pl.ds(row0, RPT)], acc.at[pl.ds(row0, RPT)])

        @pl.when(sid == NS - 1)
        def _():
            pltpu.sync_copy(base_ref.at[cid, pl.ds(NS * RPT, TAIL)],
                            acc.at[pl.ds(NS * RPT, TAIL)])

        plsc.subcore_barrier()

        RW = (r0, r1)
        SG = (sg0, sg1)
        SIDX = (sidx0, sidx1)
        DIDX = (didx0, didx1)
        SI = (si0, si1)

        def refill(slot, h):
            h0 = pl.multiple_of(h * G, 8)
            pltpu.async_copy(src_ref.at[cid, sid, pl.ds(h0, G)], SIDX[slot], SI[slot])
            pltpu.async_copy(dst_ref.at[cid, sid, pl.ds(h0, G)], DIDX[slot], SI[slot])

        def wait_refill(slot):
            pltpu.make_async_copy(src_ref.at[cid, sid, pl.ds(0, G)],
                                  SIDX[slot], SI[slot]).wait()
            pltpu.make_async_copy(dst_ref.at[cid, sid, pl.ds(0, G)],
                                  DIDX[slot], SI[slot]).wait()

        def gather(slot, p, b):
            pltpu.async_copy(y_ref.at[SIDX[slot].at[p]], RW[b], SG[b])

        def wait_gather(slot, p, b):
            pltpu.make_async_copy(y_ref.at[SIDX[slot].at[p]], RW[b], SG[b]).wait()

        def chunk(gip, p, i, pred, first_pair):
            kk = 8 * gip + p
            b = kk % 2
            slot = gip
            if p == 2:
                if gip == 0:
                    refill(1, 2 * i + 1)
                elif first_pair:
                    refill(0, 2 * i + 2)
                else:
                    @pl.when(pred)
                    def _():
                        refill(0, 2 * i + 2)
            if p == 6:
                if gip == 0 or first_pair:
                    wait_refill(1 - slot)
                else:
                    @pl.when(pred)
                    def _():
                        wait_refill(1 - slot)
            wait_gather(slot, p, b)
            pltpu.sync_copy(RW[b], acc.at[DIDX[slot].at[p]], add=True)
            if p < 6:
                gather(slot, p + 2, b)
            elif gip == 0 or first_pair:
                gather(1 - slot, p - 6, b)
            else:
                @pl.when(pred)
                def _():
                    gather(1 - slot, p - 6, b)

        refill(0, 0)
        wait_refill(0)
        gather(0, 0, 0)
        gather(0, 1, 1)
        for gip in range(2):
            for p in range(G):
                chunk(gip, p, 0, None, True)

        def pair(i, carry):
            pred = i < NPAIR - 1
            for gip in range(2):
                for p in range(G):
                    chunk(gip, p, i, pred, False)
            return carry

        lax.fori_loop(1, NPAIR, pair, 0)
        plsc.subcore_barrier()

        @pl.when(cid == 0)
        def _():
            pltpu.sync_copy(acc.at[pl.ds(row0, RPT)], out_item.at[pl.ds(row0, RPT)])

            @pl.when(sid == NS - 1)
            def _():
                pltpu.sync_copy(acc.at[pl.ds(NS * RPT, TAIL)],
                                out_item.at[pl.ds(NS * RPT, TAIL)])

        @pl.when(cid == 1)
        def _():
            pltpu.sync_copy(acc.at[pl.ds(row0, RPT)], out_user.at[pl.ds(row0, RPT)])

            @pl.when(sid == NS - 1)
            def _():
                pltpu.sync_copy(acc.at[pl.ds(NS * RPT, TAIL)],
                                out_user.at[pl.ds(NS * RPT, TAIL)])

    return k(y_flat, e_src, e_dst, base_all)


def _prep_edges(edge_index_u2i, edge_index_i2u):
    src0 = edge_index_u2i[0].astype(jnp.int32)
    dst0 = edge_index_u2i[1].astype(jnp.int32)
    src1 = edge_index_i2u[0].astype(jnp.int32) + NPAD
    dst1 = edge_index_i2u[1].astype(jnp.int32)
    npad = E_PAD - E
    pad0 = jnp.full((npad,), N, jnp.int32)
    pad1 = jnp.full((npad,), NPAD + N, jnp.int32)
    padd = jnp.zeros((npad,), jnp.int32)
    e_src = jnp.stack([jnp.concatenate([src0, pad0]),
                       jnp.concatenate([src1, pad1])]).reshape(NC, NS, CH, B)
    e_dst = jnp.stack([jnp.concatenate([dst0, padd]),
                       jnp.concatenate([dst1, padd])]).reshape(NC, NS, CH, B)
    return e_src, e_dst


def kernel(x_user, x_item, edge_index_u2i, edge_index_i2u,
           W_msg_u2i, W_self_u2i, W_msg_i2u, W_self_i2u):
    x_user_p = jnp.pad(x_user, ((0, NPAD - N), (0, 0)))
    x_item_p = jnp.pad(x_item, ((0, NPAD - N), (0, 0)))
    e_src, e_dst = _prep_edges(edge_index_u2i, edge_index_i2u)
    y_all, base_all = _tc_transform(x_user_p, x_item_p,
                                    W_msg_u2i, W_self_u2i, W_msg_i2u, W_self_i2u)
    y_flat = y_all.reshape(NC * NPAD, D)
    out_user, out_item = _sc_conv(y_flat, e_src, e_dst, base_all)
    return (out_user, out_item)

# --- scband reference (transcript-rebuilt; emitter-appended) ---
"""Pipeline reference for scband-hetero-conv-layer-1099511628120 (READ-ONLY COPY).

The authoritative reference and input builder live on the scoring server;
editing this copy changes nothing except your own understanding.
"""

import jax, jax.numpy as jnp
import numpy as np

N_USER = 10000
N_ITEM = 10000
E = 320000
D = 128


def setup_inputs(seed: int = 0) -> dict:
    key = jax.random.key(seed)
    ks = jax.random.split(key, 8)
    x_user = jax.random.normal(ks[0], (N_USER, D), dtype=jnp.float32)
    x_item = jax.random.normal(ks[1], (N_ITEM, D), dtype=jnp.float32)
    edge_index_u2i = jax.random.randint(ks[2], (2, E), 0, N_USER, dtype=jnp.int32).astype(jnp.int64)
    edge_index_i2u = jax.random.randint(ks[3], (2, E), 0, N_ITEM, dtype=jnp.int32).astype(jnp.int64)
    scale = 1.0 / np.sqrt(D)
    W_msg_u2i = jax.random.normal(ks[4], (D, D), dtype=jnp.float32) * scale
    W_self_u2i = jax.random.normal(ks[5], (D, D), dtype=jnp.float32) * scale
    W_msg_i2u = jax.random.normal(ks[6], (D, D), dtype=jnp.float32) * scale
    W_self_i2u = jax.random.normal(ks[7], (D, D), dtype=jnp.float32) * scale
    return {
        "x_user": x_user,
        "x_item": x_item,
        "edge_index_u2i": edge_index_u2i,
        "edge_index_i2u": edge_index_i2u,
        "W_msg_u2i": W_msg_u2i,
        "W_self_u2i": W_self_u2i,
        "W_msg_i2u": W_msg_i2u,
        "W_self_i2u": W_self_i2u,
    }


def _bipartite_sage_conv(x_src, x_dst, edge_index, W_msg, W_self, num_dst):
    # gather source features along edges (SparseCore gather)
    msg = jnp.take(x_src, edge_index[0], axis=0)
    # scatter-add messages to destination nodes (SparseCore scatter-add)
    agg = jax.ops.segment_sum(msg, edge_index[1], num_segments=num_dst)
    return agg @ W_msg + x_dst @ W_self


def reference(x_user, x_item, edge_index_u2i, edge_index_i2u,
              W_msg_u2i, W_self_u2i, W_msg_i2u, W_self_i2u):
    # HeteroConvLayer: run per-edge-type conv, sum outputs per dst node type.
    # edge type ('user','to','item') -> dst type 'item'
    out_item_list = [_bipartite_sage_conv(x_user, x_item, edge_index_u2i,
                                          W_msg_u2i, W_self_u2i, N_ITEM)]
    # edge type ('item','to','user') -> dst type 'user'
    out_user_list = [_bipartite_sage_conv(x_item, x_user, edge_index_i2u,
                                          W_msg_i2u, W_self_i2u, N_USER)]
    # torch.stack(outs).sum(dim=0) per destination node type
    out_user = jnp.sum(jnp.stack(out_user_list), axis=0)
    out_item = jnp.sum(jnp.stack(out_item_list), axis=0)
    # every node type received a conv output, so no passthrough needed
    return (out_user, out_item)

if __name__ == "__main__":
    import jax
    _d = setup_inputs()
    print(jax.jit(kernel)(*tuple(_d.values())))

</pallas_src>

<mosaic_0001>
#map = affine_map<(d0, d1) -> (0, 0)>
#map1 = affine_map<(d0, d1) -> (0, 0, 0, 0)>
#map2 = affine_map<(d0, d1) -> (0, 0, 0)>
module attributes {stable_mosaic.version = 14 : i64} {
  func.func @k(%arg0: i32, %arg1: i32, %arg2: memref<20480x128xf32, #tpu.memory_space<hbm>>, %arg3: memref<2x16x160x128xi32, #tpu.memory_space<hbm>>, %arg4: memref<2x16x160x128xi32, #tpu.memory_space<hbm>>, %arg5: memref<2x10240x128xf32, #tpu.memory_space<hbm>>, %arg6: memref<10000x128xf32, #tpu.memory_space<hbm>>, %arg7: memref<10000x128xf32, #tpu.memory_space<hbm>>, %arg8: memref<8x128xi32, #tpu.memory_space<vmem>>, %arg9: memref<8x128xi32, #tpu.memory_space<vmem>>, %arg10: memref<8x128xi32, #tpu.memory_space<vmem>>, %arg11: memref<8x128xi32, #tpu.memory_space<vmem>>, %arg12: memref<128x128xf32, #tpu.memory_space<vmem>>, %arg13: memref<128x128xf32, #tpu.memory_space<vmem>>, %arg14: memref<!tpu.dma_semaphore, #tpu.memory_space<semaphore_mem>>, %arg15: memref<!tpu.dma_semaphore, #tpu.memory_space<semaphore_mem>>, %arg16: memref<!tpu.dma_semaphore, #tpu.memory_space<semaphore_mem>>, %arg17: memref<!tpu.dma_semaphore, #tpu.memory_space<semaphore_mem>>, %arg18: memref<10000x128xf32, #tpu.memory_space<vmem_shared>>) attributes {dimension_semantics = [#tpu.dimension_semantics<core_parallel>, #tpu.dimension_semantics<subcore_parallel>], iteration_bounds = array<i64: 2, 16>, scalar_prefetch = 0 : i64, scratch_operands = 11 : i64, tpu.core_type = #tpu.core_type<sc_vector_subcore>, window_params = [{transform_indices = #map}, {transform_indices = #map1}, {transform_indices = #map1}, {transform_indices = #map2}, {transform_indices = #map}, {transform_indices = #map}]} {
    %mul3A = arith.constant 624 : i32
    %mul3A_0 = arith.muli %arg1, %mul3A : i32
    %multiple_of3A = tpu.assume_multiple %mul3A_0, 8 : i32
    "tpu.region"() ({
      %run_scoped3A_360 = tpu.sem_alloc : memref<!tpu.dma_semaphore, #tpu.memory_space<semaphore_mem>>
      %dma_start3A_361 = arith.constant 0 : i32
      %dma_start3A_362 = tpu.memref_slice %arg18[%multiple_of3A, %dma_start3A_361] : memref<10000x128xf32, #tpu.memory_space<vmem_shared>> -> memref<624x128xf32, #tpu.memory_space<vmem_shared>>
      %dma_start3A_363 = arith.constant 0 : i32
      %dma_start3A_364 = tpu.memref_slice %arg5[%arg0, %multiple_of3A, %dma_start3A_363] : memref<2x10240x128xf32, #tpu.memory_space<hbm>> -> memref<1x624x128xf32, #tpu.memory_space<hbm>>
      %dma_start3A_365 = tpu.memref_squeeze %dma_start3A_364 : memref<1x624x128xf32, #tpu.memory_space<hbm>> -> memref<624x128xf32, #tpu.memory_space<hbm>>
      tpu.enqueue_dma source(%dma_start3A_365 : memref<624x128xf32, #tpu.memory_space<hbm>>) target(%dma_start3A_362 : memref<624x128xf32, #tpu.memory_space<vmem_shared>>) target_semaphore(%run_scoped3A_360 : memref<!tpu.dma_semaphore, #tpu.memory_space<semaphore_mem>>)
      %dma_wait3A_366 = arith.constant 0 : i32
      %dma_wait3A_367 = tpu.memref_slice %arg18[%multiple_of3A, %dma_wait3A_366] : memref<10000x128xf32, #tpu.memory_space<vmem_shared>> -> memref<624x128xf32, #tpu.memory_space<vmem_shared>>
      %dma_wait3A_368 = arith.constant 0 : i32
      %dma_wait3A_369 = tpu.memref_slice %arg5[%arg0, %multiple_of3A, %dma_wait3A_368] : memref<2x10240x128xf32, #tpu.memory_space<hbm>> -> memref<1x624x128xf32, #tpu.memory_space<hbm>>
      %dma_wait3A_370 = tpu.memref_squeeze %dma_wait3A_369 : memref<1x624x128xf32, #tpu.memory_space<hbm>> -> memref<624x128xf32, #tpu.memory_space<hbm>>
      tpu.wait_dma2 semaphore(%run_scoped3A_360 : memref<!tpu.dma_semaphore, #tpu.memory_space<semaphore_mem>>) src(%dma_wait3A_370 : memref<624x128xf32, #tpu.memory_space<hbm>>) dst(%dma_wait3A_367 : memref<624x128xf32, #tpu.memory_space<vmem_shared>>)
      tpu.yield
    }) : () -> ()
    %eq3A = arith.constant 15 : i32
    %eq3A_1 = arith.cmpi eq, %arg1, %eq3A : i32
    %convert_element_type3A = arith.extui %eq3A_1 : i1 to i32
    %cond3A = arith.constant 0 : i32
    %cond3A_2 = arith.cmpi ne, %convert_element_type3A, %cond3A : i32
    scf.if %cond3A_2 {
      "tpu.region"() ({
        %run_scoped3A_360 = tpu.sem_alloc : memref<!tpu.dma_semaphore, #tpu.memory_space<semaphore_mem>>
        %dma_start3A_361 = arith.constant 9984 : i32
        %dma_start3A_362 = arith.constant 0 : i32
        %dma_start3A_363 = tpu.memref_slice %arg18[%dma_start3A_361, %dma_start3A_362] : memref<10000x128xf32, #tpu.memory_space<vmem_shared>> -> memref<16x128xf32, #tpu.memory_space<vmem_shared>>
        %dma_start3A_364 = arith.constant 9984 : i32
        %dma_start3A_365 = arith.constant 0 : i32
        %dma_start3A_366 = tpu.memref_slice %arg5[%arg0, %dma_start3A_364, %dma_start3A_365] : memref<2x10240x128xf32, #tpu.memory_space<hbm>> -> memref<1x16x128xf32, #tpu.memory_space<hbm>>
        %dma_start3A_367 = tpu.memref_squeeze %dma_start3A_366 : memref<1x16x128xf32, #tpu.memory_space<hbm>> -> memref<16x128xf32, #tpu.memory_space<hbm>>
        tpu.enqueue_dma source(%dma_start3A_367 : memref<16x128xf32, #tpu.memory_space<hbm>>) target(%dma_start3A_363 : memref<16x128xf32, #tpu.memory_space<vmem_shared>>) target_semaphore(%run_scoped3A_360 : memref<!tpu.dma_semaphore, #tpu.memory_space<semaphore_mem>>)
        %dma_wait3A_368 = arith.constant 9984 : i32
        %dma_wait3A_369 = arith.constant 0 : i32
        %dma_wait3A_370 = tpu.memref_slice %arg18[%dma_wait3A_368, %dma_wait3A_369] : memref<10000x128xf32, #tpu.memory_space<vmem_shared>> -> memref<16x128xf32, #tpu.memory_space<vmem_shared>>
        %dma_wait3A_371 = arith.constant 9984 : i32
        %dma_wait3A_372 = arith.constant 0 : i32
        %dma_wait3A_373 = tpu.memref_slice %arg5[%arg0, %dma_wait3A_371, %dma_wait3A_372] : memref<2x10240x128xf32, #tpu.memory_space<hbm>> -> memref<1x16x128xf32, #tpu.memory_space<hbm>>
        %dma_wait3A_374 = tpu.memref_squeeze %dma_wait3A_373 : memref<1x16x128xf32, #tpu.memory_space<hbm>> -> memref<16x128xf32, #tpu.memory_space<hbm>>
        tpu.wait_dma2 semaphore(%run_scoped3A_360 : memref<!tpu.dma_semaphore, #tpu.memory_space<semaphore_mem>>) src(%dma_wait3A_374 : memref<16x128xf32, #tpu.memory_space<hbm>>) dst(%dma_wait3A_370 : memref<16x128xf32, #tpu.memory_space<vmem_shared>>)
        tpu.yield
      }) : () -> ()
    } else {
    }
    %barrier3A = arith.constant 0 : index
    tpu.barrier barrier_id(%barrier3A)
    %multiple_of3A_3 = arith.constant 0 : i32
    %multiple_of3A_4 = tpu.assume_multiple %multiple_of3A_3, 8 : i32
    %dma_start3A = arith.constant 0 : i32
    %dma_start3A_5 = tpu.memref_slice %arg3[%arg0, %arg1, %multiple_of3A_4, %dma_start3A] : memref<2x16x160x128xi32, #tpu.memory_space<hbm>> -> memref<1x1x8x128xi32, #tpu.memory_space<hbm>>
    %dma_start3A_6 = tpu.memref_squeeze %dma_start3A_5 : memref<1x1x8x128xi32, #tpu.memory_space<hbm>> -> memref<8x128xi32, #tpu.memory_space<hbm>>
    %dma_start3A_7 = arith.constant 0 : i32
    %dma_start3A_8 = tpu.memref_slice %arg3[%arg0, %arg1, %multiple_of3A_4, %dma_start3A_7] : memref<2x16x160x128xi32, #tpu.memory_space<hbm>> -> memref<1x1x8x128xi32, #tpu.memory_space<hbm>>
    %dma_start3A_9 = tpu.memref_squeeze %dma_start3A_8 : memref<1x1x8x128xi32, #tpu.memory_space<hbm>> -> memref<8x128xi32, #tpu.memory_space<hbm>>
    tpu.enqueue_dma source(%dma_start3A_9 : memref<8x128xi32, #tpu.memory_space<hbm>>) target(%arg8 : memref<8x128xi32, #tpu.memory_space<vmem>>) target_semaphore(%arg16 : memref<!tpu.dma_semaphore, #tpu.memory_space<semaphore_mem>>)
    %dma_start3A_10 = arith.constant 0 : i32
    %dma_start3A_11 = tpu.memref_slice %arg4[%arg0, %arg1, %multiple_of3A_4, %dma_start3A_10] : memref<2x16x160x128xi32, #tpu.memory_space<hbm>> -> memref<1x1x8x128xi32, #tpu.memory_space<hbm>>
    %dma_start3A_12 = tpu.memref_squeeze %dma_start3A_11 : memref<1x1x8x128xi32, #tpu.memory_space<hbm>> -> memref<8x128xi32, #tpu.memory_space<hbm>>
    %dma_start3A_13 = arith.constant 0 : i32
    %dma_start3A_14 = tpu.memref_slice %arg4[%arg0, %arg1, %multiple_of3A_4, %dma_start3A_13] : memref<2x16x160x128xi32, #tpu.memory_space<hbm>> -> memref<1x1x8x128xi32, #tpu.memory_space<hbm>>
    %dma_start3A_15 = tpu.memref_squeeze %dma_start3A_14 : memref<1x1x8x128xi32, #tpu.memory_space<hbm>> -> memref<8x128xi32, #tpu.memory_space<hbm>>
    tpu.enqueue_dma source(%dma_start3A_15 : memref<8x128xi32, #tpu.memory_space<hbm>>) target(%arg10 : memref<8x128xi32, #tpu.memory_space<vmem>>) target_semaphore(%arg16 : memref<!tpu.dma_semaphore, #tpu.memory_space<semaphore_mem>>)
    %dma_wait3A = arith.constant 0 : i32
    %dma_wait3A_16 = arith.constant 0 : i32
    %dma_wait3A_17 = tpu.memref_slice %arg3[%arg0, %arg1, %dma_wait3A, %dma_wait3A_16] : memref<2x16x160x128xi32, #tpu.memory_space<hbm>> -> memref<1x1x8x128xi32, #tpu.memory_space<hbm>>
    %dma_wait3A_18 = tpu.memref_squeeze %dma_wait3A_17 : memref<1x1x8x128xi32, #tpu.memory_space<hbm>> -> memref<8x128xi32, #tpu.memory_space<hbm>>
    %dma_wait3A_19 = arith.constant 0 : i32
    %dma_wait3A_20 = arith.constant 0 : i32
    %dma_wait3A_21 = tpu.memref_slice %arg3[%arg0, %arg1, %dma_wait3A_19, %dma_wait3A_20] : memref<2x16x160x128xi32, #tpu.memory_space<hbm>> -> memref<1x1x8x128xi32, #tpu.memory_space<hbm>>
    %dma_wait3A_22 = tpu.memref_squeeze %dma_wait3A_21 : memref<1x1x8x128xi32, #tpu.memory_space<hbm>> -> memref<8x128xi32, #tpu.memory_space<hbm>>
    tpu.wait_dma2 semaphore(%arg16 : memref<!tpu.dma_semaphore, #tpu.memory_space<semaphore_mem>>) src(%dma_wait3A_22 : memref<8x128xi32, #tpu.memory_space<hbm>>) dst(%arg8 : memref<8x128xi32, #tpu.memory_space<vmem>>)
    %dma_wait3A_23 = arith.constant 0 : i32
    %dma_wait3A_24 = arith.constant 0 : i32
    %dma_wait3A_25 = tpu.memref_slice %arg4[%arg0, %arg1, %dma_wait3A_23, %dma_wait3A_24] : memref<2x16x160x128xi32, #tpu.memory_space<hbm>> -> memref<1x1x8x128xi32, #tpu.memory_space<hbm>>
    %dma_wait3A_26 = tpu.memref_squeeze %dma_wait3A_25 : memref<1x1x8x128xi32, #tpu.memory_space<hbm>> -> memref<8x128xi32, #tpu.memory_space<hbm>>
    %dma_wait3A_27 = arith.constant 0 : i32
    %dma_wait3A_28 = arith.constant 0 : i32
    %dma_wait3A_29 = tpu.memref_slice %arg4[%arg0, %arg1, %dma_wait3A_27, %dma_wait3A_28] : memref<2x16x160x128xi32, #tpu.memory_space<hbm>> -> memref<1x1x8x128xi32, #tpu.memory_space<hbm>>
    %dma_wait3A_30 = tpu.memref_squeeze %dma_wait3A_29 : memref<1x1x8x128xi32, #tpu.memory_space<hbm>> -> memref<8x128xi32, #tpu.memory_space<hbm>>
    tpu.wait_dma2 semaphore(%arg16 : memref<!tpu.dma_semaphore, #tpu.memory_space<semaphore_mem>>) src(%dma_wait3A_30 : memref<8x128xi32, #tpu.memory_space<hbm>>) dst(%arg10 : memref<8x128xi32, #tpu.memory_space<vmem>>)
    %dma_start3A_31 = arith.constant 0 : i32
    %dma_start3A_32 = arith.constant 0 : i32
    %dma_start3A_33 = tpu.memref_slice %arg8[%dma_start3A_31, %dma_start3A_32] : memref<8x128xi32, #tpu.memory_space<vmem>> -> memref<1x128xi32, #tpu.memory_space<vmem>>
    %dma_start3A_34 = tpu.memref_squeeze %dma_start3A_33 : memref<1x128xi32, #tpu.memory_space<vmem>> -> memref<128xi32, #tpu.memory_space<vmem>>
    %dma_start3A_35 = arith.constant 0 : i32
    %dma_start3A_36 = arith.constant 0 : i32
    %dma_start3A_37 = tpu.memref_slice %arg2[%dma_start3A_35, %dma_start3A_36] : memref<20480x128xf32, #tpu.memory_space<hbm>> -> memref<20480x128xf32, #tpu.memory_space<hbm>>
    tpu.enqueue_indirect_dma source(%dma_start3A_37 : memref<20480x128xf32, #tpu.memory_space<hbm>>) target(%arg12 : memref<128x128xf32, #tpu.memory_space<vmem>>) offsets(%dma_start3A_34 : memref<128xi32, #tpu.memory_space<vmem>>) semaphore(%arg14 : memref<!tpu.dma_semaphore, #tpu.memory_space<semaphore_mem>>)
    %dma_start3A_38 = arith.constant 1 : i32
    %dma_start3A_39 = arith.constant 0 : i32
    %dma_start3A_40 = tpu.memref_slice %arg8[%dma_start3A_38, %dma_start3A_39] : memref<8x128xi32, #tpu.memory_space<vmem>> -> memref<1x128xi32, #tpu.memory_space<vmem>>
    %dma_start3A_41 = tpu.memref_squeeze %dma_start3A_40 : memref<1x128xi32, #tpu.memory_space<vmem>> -> memref<128xi32, #tpu.memory_space<vmem>>
    %dma_start3A_42 = arith.constant 0 : i32
    %dma_start3A_43 = arith.constant 0 : i32
    %dma_start3A_44 = tpu.memref_slice %arg2[%dma_start3A_42, %dma_start3A_43] : memref<20480x128xf32, #tpu.memory_space<hbm>> -> memref<20480x128xf32, #tpu.memory_space<hbm>>
    tpu.enqueue_indirect_dma source(%dma_start3A_44 : memref<20480x128xf32, #tpu.memory_space<hbm>>) target(%arg13 : memref<128x128xf32, #tpu.memory_space<vmem>>) offsets(%dma_start3A_41 : memref<128xi32, #tpu.memory_space<vmem>>) semaphore(%arg15 : memref<!tpu.dma_semaphore, #tpu.memory_space<semaphore_mem>>)
    %dma_wait3A_45 = arith.constant 0 : i32
    %dma_wait3A_46 = arith.constant 0 : i32
    %dma_wait3A_47 = tpu.memref_slice %arg8[%dma_wait3A_45, %dma_wait3A_46] : memref<8x128xi32, #tpu.memory_space<vmem>> -> memref<1x128xi32, #tpu.memory_space<vmem>>
    %dma_wait3A_48 = tpu.memref_squeeze %dma_wait3A_47 : memref<1x128xi32, #tpu.memory_space<vmem>> -> memref<128xi32, #tpu.memory_space<vmem>>
    %dma_wait3A_49 = arith.constant 0 : i32
    %dma_wait3A_50 = arith.constant 0 : i32
    %dma_wait3A_51 = tpu.memref_slice %arg2[%dma_wait3A_49, %dma_wait3A_50] : memref<20480x128xf32, #tpu.memory_space<hbm>> -> memref<20480x128xf32, #tpu.memory_space<hbm>>
    tpu.wait_indirect_dma semaphore(%arg14 : memref<!tpu.dma_semaphore, #tpu.memory_space<semaphore_mem>>) src(%dma_wait3A_51 : memref<20480x128xf32, #tpu.memory_space<hbm>>) dst(%arg12 : memref<128x128xf32, #tpu.memory_space<vmem>>)
    %run_scoped3A = arith.constant 0 : i32
    "tpu.region"() ({
      %run_scoped3A_360 = tpu.sem_alloc : memref<!tpu.dma_semaphore, #tpu.memory_space<semaphore_mem>>
      %dma_start3A_361 = arith.constant 0 : i32
      %dma_start3A_362 = tpu.memref_slice %arg10[%run_scoped3A, %dma_start3A_361] : memref<8x128xi32, #tpu.memory_space<vmem>> -> memref<1x128xi32, #tpu.memory_space<vmem>>
      %dma_start3A_363 = tpu.memref_squeeze %dma_start3A_362 : memref<1x128xi32, #tpu.memory_space<vmem>> -> memref<128xi32, #tpu.memory_space<vmem>>
      %dma_start3A_364 = arith.constant 0 : i32
      %dma_start3A_365 = arith.constant 0 : i32
      %dma_start3A_366 = tpu.memref_slice %arg18[%dma_start3A_364, %dma_start3A_365] : memref<10000x128xf32, #tpu.memory_space<vmem_shared>> -> memref<10000x128xf32, #tpu.memory_space<vmem_shared>>
      tpu.enqueue_indirect_dma source(%arg12 : memref<128x128xf32, #tpu.memory_space<vmem>>) target(%dma_start3A_366 : memref<10000x128xf32, #tpu.memory_space<vmem_shared>>) offsets(%dma_start3A_363 : memref<128xi32, #tpu.memory_space<vmem>>) semaphore(%run_scoped3A_360 : memref<!tpu.dma_semaphore, #tpu.memory_space<semaphore_mem>>) {add = true}
      %dma_wait3A_367 = arith.constant 0 : i32
      %dma_wait3A_368 = tpu.memref_slice %arg10[%run_scoped3A, %dma_wait3A_367] : memref<8x128xi32, #tpu.memory_space<vmem>> -> memref<1x128xi32, #tpu.memory_space<vmem>>
      %dma_wait3A_369 = tpu.memref_squeeze %dma_wait3A_368 : memref<1x128xi32, #tpu.memory_space<vmem>> -> memref<128xi32, #tpu.memory_space<vmem>>
      %dma_wait3A_370 = arith.constant 0 : i32
      %dma_wait3A_371 = arith.constant 0 : i32
      %dma_wait3A_372 = tpu.memref_slice %arg18[%dma_wait3A_370, %dma_wait3A_371] : memref<10000x128xf32, #tpu.memory_space<vmem_shared>> -> memref<10000x128xf32, #tpu.memory_space<vmem_shared>>
      tpu.wait_indirect_dma semaphore(%run_scoped3A_360 : memref<!tpu.dma_semaphore, #tpu.memory_space<semaphore_mem>>) src(%arg12 : memref<128x128xf32, #tpu.memory_space<vmem>>) dst(%dma_wait3A_372 : memref<10000x128xf32, #tpu.memory_space<vmem_shared>>)
      tpu.yield
    }) : () -> ()
    %dma_start3A_52 = arith.constant 2 : i32
    %dma_start3A_53 = arith.constant 0 : i32
    %dma_start3A_54 = tpu.memref_slice %arg8[%dma_start3A_52, %dma_start3A_53] : memref<8x128xi32, #tpu.memory_space<vmem>> -> memref<1x128xi32, #tpu.memory_space<vmem>>
    %dma_start3A_55 = tpu.memref_squeeze %dma_start3A_54 : memref<1x128xi32, #tpu.memory_space<vmem>> -> memref<128xi32, #tpu.memory_space<vmem>>
    %dma_start3A_56 = arith.constant 0 : i32
    %dma_start3A_57 = arith.constant 0 : i32
    %dma_start3A_58 = tpu.memref_slice %arg2[%dma_start3A_56, %dma_start3A_57] : memref<20480x128xf32, #tpu.memory_space<hbm>> -> memref<20480x128xf32, #tpu.memory_space<hbm>>
    tpu.enqueue_indirect_dma source(%dma_start3A_58 : memref<20480x128xf32, #tpu.memory_space<hbm>>) target(%arg12 : memref<128x128xf32, #tpu.memory_space<vmem>>) offsets(%dma_start3A_55 : memref<128xi32, #tpu.memory_space<vmem>>) semaphore(%arg14 : memref<!tpu.dma_semaphore, #tpu.memory_space<semaphore_mem>>)
    %dma_wait3A_59 = arith.constant 1 : i32
    %dma_wait3A_60 = arith.constant 0 : i32
    %dma_wait3A_61 = tpu.memref_slice %arg8[%dma_wait3A_59, %dma_wait3A_60] : memref<8x128xi32, #tpu.memory_space<vmem>> -> memref<1x128xi32, #tpu.memory_space<vmem>>
    %dma_wait3A_62 = tpu.memref_squeeze %dma_wait3A_61 : memref<1x128xi32, #tpu.memory_space<vmem>> -> memref<128xi32, #tpu.memory_space<vmem>>
    %dma_wait3A_63 = arith.constant 0 : i32
    %dma_wait3A_64 = arith.constant 0 : i32
    %dma_wait3A_65 = tpu.memref_slice %arg2[%dma_wait3A_63, %dma_wait3A_64] : memref<20480x128xf32, #tpu.memory_space<hbm>> -> memref<20480x128xf32, #tpu.memory_space<hbm>>
    tpu.wait_indirect_dma semaphore(%arg15 : memref<!tpu.dma_semaphore, #tpu.memory_space<semaphore_mem>>) src(%dma_wait3A_65 : memref<20480x128xf32, #tpu.memory_space<hbm>>) dst(%arg13 : memref<128x128xf32, #tpu.memory_space<vmem>>)
    %run_scoped3A_66 = arith.constant 1 : i32
    "tpu.region"() ({
      %run_scoped3A_360 = tpu.sem_alloc : memref<!tpu.dma_semaphore, #tpu.memory_space<semaphore_mem>>
      %dma_start3A_361 = arith.constant 0 : i32
      %dma_start3A_362 = tpu.memref_slice %arg10[%run_scoped3A_66, %dma_start3A_361] : memref<8x128xi32, #tpu.memory_space<vmem>> -> memref<1x128xi32, #tpu.memory_space<vmem>>
      %dma_start3A_363 = tpu.memref_squeeze %dma_start3A_362 : memref<1x128xi32, #tpu.memory_space<vmem>> -> memref<128xi32, #tpu.memory_space<vmem>>
      %dma_start3A_364 = arith.constant 0 : i32
      %dma_start3A_365 = arith.constant 0 : i32
      %dma_start3A_366 = tpu.memref_slice %arg18[%dma_start3A_364, %dma_start3A_365] : memref<10000x128xf32, #tpu.memory_space<vmem_shared>> -> memref<10000x128xf32, #tpu.memory_space<vmem_shared>>
      tpu.enqueue_indirect_dma source(%arg13 : memref<128x128xf32, #tpu.memory_space<vmem>>) target(%dma_start3A_366 : memref<10000x128xf32, #tpu.memory_space<vmem_shared>>) offsets(%dma_start3A_363 : memref<128xi32, #tpu.memory_space<vmem>>) semaphore(%run_scoped3A_360 : memref<!tpu.dma_semaphore, #tpu.memory_space<semaphore_mem>>) {add = true}
      %dma_wait3A_367 = arith.constant 0 : i32
      %dma_wait3A_368 = tpu.memref_slice %arg10[%run_scoped3A_66, %dma_wait3A_367] : memref<8x128xi32, #tpu.memory_space<vmem>> -> memref<1x128xi32, #tpu.memory_space<vmem>>
      %dma_wait3A_369 = tpu.memref_squeeze %dma_wait3A_368 : memref<1x128xi32, #tpu.memory_space<vmem>> -> memref<128xi32, #tpu.memory_space<vmem>>
      %dma_wait3A_370 = arith.constant 0 : i32
      %dma_wait3A_371 = arith.constant 0 : i32
      %dma_wait3A_372 = tpu.memref_slice %arg18[%dma_wait3A_370, %dma_wait3A_371] : memref<10000x128xf32, #tpu.memory_space<vmem_shared>> -> memref<10000x128xf32, #tpu.memory_space<vmem_shared>>
      tpu.wait_indirect_dma semaphore(%run_scoped3A_360 : memref<!tpu.dma_semaphore, #tpu.memory_space<semaphore_mem>>) src(%arg13 : memref<128x128xf32, #tpu.memory_space<vmem>>) dst(%dma_wait3A_372 : memref<10000x128xf32, #tpu.memory_space<vmem_shared>>)
      tpu.yield
    }) : () -> ()
    %dma_start3A_67 = arith.constant 3 : i32
    %dma_start3A_68 = arith.constant 0 : i32
    %dma_start3A_69 = tpu.memref_slice %arg8[%dma_start3A_67, %dma_start3A_68] : memref<8x128xi32, #tpu.memory_space<vmem>> -> memref<1x128xi32, #tpu.memory_space<vmem>>
    %dma_start3A_70 = tpu.memref_squeeze %dma_start3A_69 : memref<1x128xi32, #tpu.memory_space<vmem>> -> memref<128xi32, #tpu.memory_space<vmem>>
    %dma_start3A_71 = arith.constant 0 : i32
    %dma_start3A_72 = arith.constant 0 : i32
    %dma_start3A_73 = tpu.memref_slice %arg2[%dma_start3A_71, %dma_start3A_72] : memref<20480x128xf32, #tpu.memory_space<hbm>> -> memref<20480x128xf32, #tpu.memory_space<hbm>>
    tpu.enqueue_indirect_dma source(%dma_start3A_73 : memref<20480x128xf32, #tpu.memory_space<hbm>>) target(%arg13 : memref<128x128xf32, #tpu.memory_space<vmem>>) offsets(%dma_start3A_70 : memref<128xi32, #tpu.memory_space<vmem>>) semaphore(%arg15 : memref<!tpu.dma_semaphore, #tpu.memory_space<semaphore_mem>>)
    %multiple_of3A_74 = arith.constant 8 : i32
    %multiple_of3A_75 = tpu.assume_multiple %multiple_of3A_74, 8 : i32
    %dma_start3A_76 = arith.constant 0 : i32
    %dma_start3A_77 = tpu.memref_slice %arg3[%arg0, %arg1, %multiple_of3A_75, %dma_start3A_76] : memref<2x16x160x128xi32, #tpu.memory_space<hbm>> -> memref<1x1x8x128xi32, #tpu.memory_space<hbm>>
    %dma_start3A_78 = tpu.memref_squeeze %dma_start3A_77 : memref<1x1x8x128xi32, #tpu.memory_space<hbm>> -> memref<8x128xi32, #tpu.memory_space<hbm>>
    %dma_start3A_79 = arith.constant 0 : i32
    %dma_start3A_80 = tpu.memref_slice %arg3[%arg0, %arg1, %multiple_of3A_75, %dma_start3A_79] : memref<2x16x160x128xi32, #tpu.memory_space<hbm>> -> memref<1x1x8x128xi32, #tpu.memory_space<hbm>>
    %dma_start3A_81 = tpu.memref_squeeze %dma_start3A_80 : memref<1x1x8x128xi32, #tpu.memory_space<hbm>> -> memref<8x128xi32, #tpu.memory_space<hbm>>
    tpu.enqueue_dma source(%dma_start3A_81 : memref<8x128xi32, #tpu.memory_space<hbm>>) target(%arg9 : memref<8x128xi32, #tpu.memory_space<vmem>>) target_semaphore(%arg17 : memref<!tpu.dma_semaphore, #tpu.memory_space<semaphore_mem>>)
    %dma_start3A_82 = arith.constant 0 : i32
    %dma_start3A_83 = tpu.memref_slice %arg4[%arg0, %arg1, %multiple_of3A_75, %dma_start3A_82] : memref<2x16x160x128xi32, #tpu.memory_space<hbm>> -> memref<1x1x8x128xi32, #tpu.memory_space<hbm>>
    %dma_start3A_84 = tpu.memref_squeeze %dma_start3A_83 : memref<1x1x8x128xi32, #tpu.memory_space<hbm>> -> memref<8x128xi32, #tpu.memory_space<hbm>>
    %dma_start3A_85 = arith.constant 0 : i32
    %dma_start3A_86 = tpu.memref_slice %arg4[%arg0, %arg1, %multiple_of3A_75, %dma_start3A_85] : memref<2x16x160x128xi32, #tpu.memory_space<hbm>> -> memref<1x1x8x128xi32, #tpu.memory_space<hbm>>
    %dma_start3A_87 = tpu.memref_squeeze %dma_start3A_86 : memref<1x1x8x128xi32, #tpu.memory_space<hbm>> -> memref<8x128xi32, #tpu.memory_space<hbm>>
    tpu.enqueue_dma source(%dma_start3A_87 : memref<8x128xi32, #tpu.memory_space<hbm>>) target(%arg11 : memref<8x128xi32, #tpu.memory_space<vmem>>) target_semaphore(%arg17 : memref<!tpu.dma_semaphore, #tpu.memory_space<semaphore_mem>>)
    %dma_wait3A_88 = arith.constant 2 : i32
    %dma_wait3A_89 = arith.constant 0 : i32
    %dma_wait3A_90 = tpu.memref_slice %arg8[%dma_wait3A_88, %dma_wait3A_89] : memref<8x128xi32, #tpu.memory_space<vmem>> -> memref<1x128xi32, #tpu.memory_space<vmem>>
    %dma_wait3A_91 = tpu.memref_squeeze %dma_wait3A_90 : memref<1x128xi32, #tpu.memory_space<vmem>> -> memref<128xi32, #tpu.memory_space<vmem>>
    %dma_wait3A_92 = arith.constant 0 : i32
    %dma_wait3A_93 = arith.constant 0 : i32
    %dma_wait3A_94 = tpu.memref_slice %arg2[%dma_wait3A_92, %dma_wait3A_93] : memref<20480x128xf32, #tpu.memory_space<hbm>> -> memref<20480x128xf32, #tpu.memory_space<hbm>>
    tpu.wait_indirect_dma semaphore(%arg14 : memref<!tpu.dma_semaphore, #tpu.memory_space<semaphore_mem>>) src(%dma_wait3A_94 : memref<20480x128xf32, #tpu.memory_space<hbm>>) dst(%arg12 : memref<128x128xf32, #tpu.memory_space<vmem>>)
    %run_scoped3A_95 = arith.constant 2 : i32
    "tpu.region"() ({
      %run_scoped3A_360 = tpu.sem_alloc : memref<!tpu.dma_semaphore, #tpu.memory_space<semaphore_mem>>
      %dma_start3A_361 = arith.constant 0 : i32
      %dma_start3A_362 = tpu.memref_slice %arg10[%run_scoped3A_95, %dma_start3A_361] : memref<8x128xi32, #tpu.memory_space<vmem>> -> memref<1x128xi32, #tpu.memory_space<vmem>>
      %dma_start3A_363 = tpu.memref_squeeze %dma_start3A_362 : memref<1x128xi32, #tpu.memory_space<vmem>> -> memref<128xi32, #tpu.memory_space<vmem>>
      %dma_start3A_364 = arith.constant 0 : i32
      %dma_start3A_365 = arith.constant 0 : i32
      %dma_start3A_366 = tpu.memref_slice %arg18[%dma_start3A_364, %dma_start3A_365] : memref<10000x128xf32, #tpu.memory_space<vmem_shared>> -> memref<10000x128xf32, #tpu.memory_space<vmem_shared>>
      tpu.enqueue_indirect_dma source(%arg12 : memref<128x128xf32, #tpu.memory_space<vmem>>) target(%dma_start3A_366 : memref<10000x128xf32, #tpu.memory_space<vmem_shared>>) offsets(%dma_start3A_363 : memref<128xi32, #tpu.memory_space<vmem>>) semaphore(%run_scoped3A_360 : memref<!tpu.dma_semaphore, #tpu.memory_space<semaphore_mem>>) {add = true}
      %dma_wait3A_367 = arith.constant 0 : i32
      %dma_wait3A_368 = tpu.memref_slice %arg10[%run_scoped3A_95, %dma_wait3A_367] : memref<8x128xi32, #tpu.memory_space<vmem>> -> memref<1x128xi32, #tpu.memory_space<vmem>>
      %dma_wait3A_369 = tpu.memref_squeeze %dma_wait3A_368 : memref<1x128xi32, #tpu.memory_space<vmem>> -> memref<128xi32, #tpu.memory_space<vmem>>
      %dma_wait3A_370 = arith.constant 0 : i32
      %dma_wait3A_371 = arith.constant 0 : i32
      %dma_wait3A_372 = tpu.memref_slice %arg18[%dma_wait3A_370, %dma_wait3A_371] : memref<10000x128xf32, #tpu.memory_space<vmem_shared>> -> memref<10000x128xf32, #tpu.memory_space<vmem_shared>>
      tpu.wait_indirect_dma semaphore(%run_scoped3A_360 : memref<!tpu.dma_semaphore, #tpu.memory_space<semaphore_mem>>) src(%arg12 : memref<128x128xf32, #tpu.memory_space<vmem>>) dst(%dma_wait3A_372 : memref<10000x128xf32, #tpu.memory_space<vmem_shared>>)
      tpu.yield
    }) : () -> ()
    %dma_start3A_96 = arith.constant 4 : i32
    %dma_start3A_97 = arith.constant 0 : i32
    %dma_start3A_98 = tpu.memref_slice %arg8[%dma_start3A_96, %dma_start3A_97] : memref<8x128xi32, #tpu.memory_space<vmem>> -> memref<1x128xi32, #tpu.memory_space<vmem>>
    %dma_start3A_99 = tpu.memref_squeeze %dma_start3A_98 : memref<1x128xi32, #tpu.memory_space<vmem>> -> memref<128xi32, #tpu.memory_space<vmem>>
    %dma_start3A_100 = arith.constant 0 : i32
    %dma_start3A_101 = arith.constant 0 : i32
    %dma_start3A_102 = tpu.memref_slice %arg2[%dma_start3A_100, %dma_start3A_101] : memref<20480x128xf32, #tpu.memory_space<hbm>> -> memref<20480x128xf32, #tpu.memory_space<hbm>>
    tpu.enqueue_indirect_dma source(%dma_start3A_102 : memref<20480x128xf32, #tpu.memory_space<hbm>>) target(%arg12 : memref<128x128xf32, #tpu.memory_space<vmem>>) offsets(%dma_start3A_99 : memref<128xi32, #tpu.memory_space<vmem>>) semaphore(%arg14 : memref<!tpu.dma_semaphore, #tpu.memory_space<semaphore_mem>>)
    %dma_wait3A_103 = arith.constant 3 : i32
    %dma_wait3A_104 = arith.constant 0 : i32
    %dma_wait3A_105 = tpu.memref_slice %arg8[%dma_wait3A_103, %dma_wait3A_104] : memref<8x128xi32, #tpu.memory_space<vmem>> -> memref<1x128xi32, #tpu.memory_space<vmem>>
    %dma_wait3A_106 = tpu.memref_squeeze %dma_wait3A_105 : memref<1x128xi32, #tpu.memory_space<vmem>> -> memref<128xi32, #tpu.memory_space<vmem>>
    %dma_wait3A_107 = arith.constant 0 : i32
    %dma_wait3A_108 = arith.constant 0 : i32
    %dma_wait3A_109 = tpu.memref_slice %arg2[%dma_wait3A_107, %dma_wait3A_108] : memref<20480x128xf32, #tpu.memory_space<hbm>> -> memref<20480x128xf32, #tpu.memory_space<hbm>>
    tpu.wait_indirect_dma semaphore(%arg15 : memref<!tpu.dma_semaphore, #tpu.memory_space<semaphore_mem>>) src(%dma_wait3A_109 : memref<20480x128xf32, #tpu.memory_space<hbm>>) dst(%arg13 : memref<128x128xf32, #tpu.memory_space<vmem>>)
    %run_scoped3A_110 = arith.constant 3 : i32
    "tpu.region"() ({
      %run_scoped3A_360 = tpu.sem_alloc : memref<!tpu.dma_semaphore, #tpu.memory_space<semaphore_mem>>
      %dma_start3A_361 = arith.constant 0 : i32
      %dma_start3A_362 = tpu.memref_slice %arg10[%run_scoped3A_110, %dma_start3A_361] : memref<8x128xi32, #tpu.memory_space<vmem>> -> memref<1x128xi32, #tpu.memory_space<vmem>>
      %dma_start3A_363 = tpu.memref_squeeze %dma_start3A_362 : memref<1x128xi32, #tpu.memory_space<vmem>> -> memref<128xi32, #tpu.memory_space<vmem>>
      %dma_start3A_364 = arith.constant 0 : i32
      %dma_start3A_365 = arith.constant 0 : i32
      %dma_start3A_366 = tpu.memref_slice %arg18[%dma_start3A_364, %dma_start3A_365] : memref<10000x128xf32, #tpu.memory_space<vmem_shared>> -> memref<10000x128xf32, #tpu.memory_space<vmem_shared>>
      tpu.enqueue_indirect_dma source(%arg13 : memref<128x128xf32, #tpu.memory_space<vmem>>) target(%dma_start3A_366 : memref<10000x128xf32, #tpu.memory_space<vmem_shared>>) offsets(%dma_start3A_363 : memref<128xi32, #tpu.memory_space<vmem>>) semaphore(%run_scoped3A_360 : memref<!tpu.dma_semaphore, #tpu.memory_space<semaphore_mem>>) {add = true}
      %dma_wait3A_367 = arith.constant 0 : i32
      %dma_wait3A_368 = tpu.memref_slice %arg10[%run_scoped3A_110, %dma_wait3A_367] : memref<8x128xi32, #tpu.memory_space<vmem>> -> memref<1x128xi32, #tpu.memory_space<vmem>>
      %dma_wait3A_369 = tpu.memref_squeeze %dma_wait3A_368 : memref<1x128xi32, #tpu.memory_space<vmem>> -> memref<128xi32, #tpu.memory_space<vmem>>
      %dma_wait3A_370 = arith.constant 0 : i32
      %dma_wait3A_371 = arith.constant 0 : i32
      %dma_wait3A_372 = tpu.memref_slice %arg18[%dma_wait3A_370, %dma_wait3A_371] : memref<10000x128xf32, #tpu.memory_space<vmem_shared>> -> memref<10000x128xf32, #tpu.memory_space<vmem_shared>>
      tpu.wait_indirect_dma semaphore(%run_scoped3A_360 : memref<!tpu.dma_semaphore, #tpu.memory_space<semaphore_mem>>) src(%arg13 : memref<128x128xf32, #tpu.memory_space<vmem>>) dst(%dma_wait3A_372 : memref<10000x128xf32, #tpu.memory_space<vmem_shared>>)
      tpu.yield
    }) : () -> ()
    %dma_start3A_111 = arith.constant 5 : i32
    %dma_start3A_112 = arith.constant 0 : i32
    %dma_start3A_113 = tpu.memref_slice %arg8[%dma_start3A_111, %dma_start3A_112] : memref<8x128xi32, #tpu.memory_space<vmem>> -> memref<1x128xi32, #tpu.memory_space<vmem>>
    %dma_start3A_114 = tpu.memref_squeeze %dma_start3A_113 : memref<1x128xi32, #tpu.memory_space<vmem>> -> memref<128xi32, #tpu.memory_space<vmem>>
    %dma_start3A_115 = arith.constant 0 : i32
    %dma_start3A_116 = arith.constant 0 : i32
    %dma_start3A_117 = tpu.memref_slice %arg2[%dma_start3A_115, %dma_start3A_116] : memref<20480x128xf32, #tpu.memory_space<hbm>> -> memref<20480x128xf32, #tpu.memory_space<hbm>>
    tpu.enqueue_indirect_dma source(%dma_start3A_117 : memref<20480x128xf32, #tpu.memory_space<hbm>>) target(%arg13 : memref<128x128xf32, #tpu.memory_space<vmem>>) offsets(%dma_start3A_114 : memref<128xi32, #tpu.memory_space<vmem>>) semaphore(%arg15 : memref<!tpu.dma_semaphore, #tpu.memory_space<semaphore_mem>>)
    %dma_wait3A_118 = arith.constant 4 : i32
    %dma_wait3A_119 = arith.constant 0 : i32
    %dma_wait3A_120 = tpu.memref_slice %arg8[%dma_wait3A_118, %dma_wait3A_119] : memref<8x128xi32, #tpu.memory_space<vmem>> -> memref<1x128xi32, #tpu.memory_space<vmem>>
    %dma_wait3A_121 = tpu.memref_squeeze %dma_wait3A_120 : memref<1x128xi32, #tpu.memory_space<vmem>> -> memref<128xi32, #tpu.memory_space<vmem>>
    %dma_wait3A_122 = arith.constant 0 : i32
    %dma_wait3A_123 = arith.constant 0 : i32
    %dma_wait3A_124 = tpu.memref_slice %arg2[%dma_wait3A_122, %dma_wait3A_123] : memref<20480x128xf32, #tpu.memory_space<hbm>> -> memref<20480x128xf32, #tpu.memory_space<hbm>>
    tpu.wait_indirect_dma semaphore(%arg14 : memref<!tpu.dma_semaphore, #tpu.memory_space<semaphore_mem>>) src(%dma_wait3A_124 : memref<20480x128xf32, #tpu.memory_space<hbm>>) dst(%arg12 : memref<128x128xf32, #tpu.memory_space<vmem>>)
    %run_scoped3A_125 = arith.constant 4 : i32
    "tpu.region"() ({
      %run_scoped3A_360 = tpu.sem_alloc : memref<!tpu.dma_semaphore, #tpu.memory_space<semaphore_mem>>
      %dma_start3A_361 = arith.constant 0 : i32
      %dma_start3A_362 = tpu.memref_slice %arg10[%run_scoped3A_125, %dma_start3A_361] : memref<8x128xi32, #tpu.memory_space<vmem>> -> memref<1x128xi32, #tpu.memory_space<vmem>>
      %dma_start3A_363 = tpu.memref_squeeze %dma_start3A_362 : memref<1x128xi32, #tpu.memory_space<vmem>> -> memref<128xi32, #tpu.memory_space<vmem>>
      %dma_start3A_364 = arith.constant 0 : i32
      %dma_start3A_365 = arith.constant 0 : i32
      %dma_start3A_366 = tpu.memref_slice %arg18[%dma_start3A_364, %dma_start3A_365] : memref<10000x128xf32, #tpu.memory_space<vmem_shared>> -> memref<10000x128xf32, #tpu.memory_space<vmem_shared>>
      tpu.enqueue_indirect_dma source(%arg12 : memref<128x128xf32, #tpu.memory_space<vmem>>) target(%dma_start3A_366 : memref<10000x128xf32, #tpu.memory_space<vmem_shared>>) offsets(%dma_start3A_363 : memref<128xi32, #tpu.memory_space<vmem>>) semaphore(%run_scoped3A_360 : memref<!tpu.dma_semaphore, #tpu.memory_space<semaphore_mem>>) {add = true}
      %dma_wait3A_367 = arith.constant 0 : i32
      %dma_wait3A_368 = tpu.memref_slice %arg10[%run_scoped3A_125, %dma_wait3A_367] : memref<8x128xi32, #tpu.memory_space<vmem>> -> memref<1x128xi32, #tpu.memory_space<vmem>>
      %dma_wait3A_369 = tpu.memref_squeeze %dma_wait3A_368 : memref<1x128xi32, #tpu.memory_space<vmem>> -> memref<128xi32, #tpu.memory_space<vmem>>
      %dma_wait3A_370 = arith.constant 0 : i32
      %dma_wait3A_371 = arith.constant 0 : i32
      %dma_wait3A_372 = tpu.memref_slice %arg18[%dma_wait3A_370, %dma_wait3A_371] : memref<10000x128xf32, #tpu.memory_space<vmem_shared>> -> memref<10000x128xf32, #tpu.memory_space<vmem_shared>>
      tpu.wait_indirect_dma semaphore(%run_scoped3A_360 : memref<!tpu.dma_semaphore, #tpu.memory_space<semaphore_mem>>) src(%arg12 : memref<128x128xf32, #tpu.memory_space<vmem>>) dst(%dma_wait3A_372 : memref<10000x128xf32, #tpu.memory_space<vmem_shared>>)
      tpu.yield
    }) : () -> ()
    %dma_start3A_126 = arith.constant 6 : i32
    %dma_start3A_127 = arith.constant 0 : i32
    %dma_start3A_128 = tpu.memref_slice %arg8[%dma_start3A_126, %dma_start3A_127] : memref<8x128xi32, #tpu.memory_space<vmem>> -> memref<1x128xi32, #tpu.memory_space<vmem>>
    %dma_start3A_129 = tpu.memref_squeeze %dma_start3A_128 : memref<1x128xi32, #tpu.memory_space<vmem>> -> memref<128xi32, #tpu.memory_space<vmem>>
    %dma_start3A_130 = arith.constant 0 : i32
    %dma_start3A_131 = arith.constant 0 : i32
    %dma_start3A_132 = tpu.memref_slice %arg2[%dma_start3A_130, %dma_start3A_131] : memref<20480x128xf32, #tpu.memory_space<hbm>> -> memref<20480x128xf32, #tpu.memory_space<hbm>>
    tpu.enqueue_indirect_dma source(%dma_start3A_132 : memref<20480x128xf32, #tpu.memory_space<hbm>>) target(%arg12 : memref<128x128xf32, #tpu.memory_space<vmem>>) offsets(%dma_start3A_129 : memref<128xi32, #tpu.memory_space<vmem>>) semaphore(%arg14 : memref<!tpu.dma_semaphore, #tpu.memory_space<semaphore_mem>>)
    %dma_wait3A_133 = arith.constant 5 : i32
    %dma_wait3A_134 = arith.constant 0 : i32
    %dma_wait3A_135 = tpu.memref_slice %arg8[%dma_wait3A_133, %dma_wait3A_134] : memref<8x128xi32, #tpu.memory_space<vmem>> -> memref<1x128xi32, #tpu.memory_space<vmem>>
    %dma_wait3A_136 = tpu.memref_squeeze %dma_wait3A_135 : memref<1x128xi32, #tpu.memory_space<vmem>> -> memref<128xi32, #tpu.memory_space<vmem>>
    %dma_wait3A_137 = arith.constant 0 : i32
    %dma_wait3A_138 = arith.constant 0 : i32
    %dma_wait3A_139 = tpu.memref_slice %arg2[%dma_wait3A_137, %dma_wait3A_138] : memref<20480x128xf32, #tpu.memory_space<hbm>> -> memref<20480x128xf32, #tpu.memory_space<hbm>>
    tpu.wait_indirect_dma semaphore(%arg15 : memref<!tpu.dma_semaphore, #tpu.memory_space<semaphore_mem>>) src(%dma_wait3A_139 : memref<20480x128xf32, #tpu.memory_space<hbm>>) dst(%arg13 : memref<128x128xf32, #tpu.memory_space<vmem>>)
    %run_scoped3A_140 = arith.constant 5 : i32
    "tpu.region"() ({
      %run_scoped3A_360 = tpu.sem_alloc : memref<!tpu.dma_semaphore, #tpu.memory_space<semaphore_mem>>
      %dma_start3A_361 = arith.constant 0 : i32
      %dma_start3A_362 = tpu.memref_slice %arg10[%run_scoped3A_140, %dma_start3A_361] : memref<8x128xi32, #tpu.memory_space<vmem>> -> memref<1x128xi32, #tpu.memory_space<vmem>>
      %dma_start3A_363 = tpu.memref_squeeze %dma_start3A_362 : memref<1x128xi32, #tpu.memory_space<vmem>> -> memref<128xi32, #tpu.memory_space<vmem>>
      %dma_start3A_364 = arith.constant 0 : i32
      %dma_start3A_365 = arith.constant 0 : i32
      %dma_start3A_366 = tpu.memref_slice %arg18[%dma_start3A_364, %dma_start3A_365] : memref<10000x128xf32, #tpu.memory_space<vmem_shared>> -> memref<10000x128xf32, #tpu.memory_space<vmem_shared>>
      tpu.enqueue_indirect_dma source(%arg13 : memref<128x128xf32, #tpu.memory_space<vmem>>) target(%dma_start3A_366 : memref<10000x128xf32, #tpu.memory_space<vmem_shared>>) offsets(%dma_start3A_363 : memref<128xi32, #tpu.memory_space<vmem>>) semaphore(%run_scoped3A_360 : memref<!tpu.dma_semaphore, #tpu.memory_space<semaphore_mem>>) {add = true}
      %dma_wait3A_367 = arith.constant 0 : i32
      %dma_wait3A_368 = tpu.memref_slice %arg10[%run_scoped3A_140, %dma_wait3A_367] : memref<8x128xi32, #tpu.memory_space<vmem>> -> memref<1x128xi32, #tpu.memory_space<vmem>>
      %dma_wait3A_369 = tpu.memref_squeeze %dma_wait3A_368 : memref<1x128xi32, #tpu.memory_space<vmem>> -> memref<128xi32, #tpu.memory_space<vmem>>
      %dma_wait3A_370 = arith.constant 0 : i32
      %dma_wait3A_371 = arith.constant 0 : i32
      %dma_wait3A_372 = tpu.memref_slice %arg18[%dma_wait3A_370, %dma_wait3A_371] : memref<10000x128xf32, #tpu.memory_space<vmem_shared>> -> memref<10000x128xf32, #tpu.memory_space<vmem_shared>>
      tpu.wait_indirect_dma semaphore(%run_scoped3A_360 : memref<!tpu.dma_semaphore, #tpu.memory_space<semaphore_mem>>) src(%arg13 : memref<128x128xf32, #tpu.memory_space<vmem>>) dst(%dma_wait3A_372 : memref<10000x128xf32, #tpu.memory_space<vmem_shared>>)
      tpu.yield
    }) : () -> ()
    %dma_start3A_141 = arith.constant 7 : i32
    %dma_start3A_142 = arith.constant 0 : i32
    %dma_start3A_143 = tpu.memref_slice %arg8[%dma_start3A_141, %dma_start3A_142] : memref<8x128xi32, #tpu.memory_space<vmem>> -> memref<1x128xi32, #tpu.memory_space<vmem>>
    %dma_start3A_144 = tpu.memref_squeeze %dma_start3A_143 : memref<1x128xi32, #tpu.memory_space<vmem>> -> memref<128xi32, #tpu.memory_space<vmem>>
    %dma_start3A_145 = arith.constant 0 : i32
    %dma_start3A_146 = arith.constant 0 : i32
    %dma_start3A_147 = tpu.memref_slice %arg2[%dma_start3A_145, %dma_start3A_146] : memref<20480x128xf32, #tpu.memory_space<hbm>> -> memref<20480x128xf32, #tpu.memory_space<hbm>>
    tpu.enqueue_indirect_dma source(%dma_start3A_147 : memref<20480x128xf32, #tpu.memory_space<hbm>>) target(%arg13 : memref<128x128xf32, #tpu.memory_space<vmem>>) offsets(%dma_start3A_144 : memref<128xi32, #tpu.memory_space<vmem>>) semaphore(%arg15 : memref<!tpu.dma_semaphore, #tpu.memory_space<semaphore_mem>>)
    %dma_wait3A_148 = arith.constant 0 : i32
    %dma_wait3A_149 = arith.constant 0 : i32
    %dma_wait3A_150 = tpu.memref_slice %arg3[%arg0, %arg1, %dma_wait3A_148, %dma_wait3A_149] : memref<2x16x160x128xi32, #tpu.memory_space<hbm>> -> memref<1x1x8x128xi32, #tpu.memory_space<hbm>>
    %dma_wait3A_151 = tpu.memref_squeeze %dma_wait3A_150 : memref<1x1x8x128xi32, #tpu.memory_space<hbm>> -> memref<8x128xi32, #tpu.memory_space<hbm>>
    %dma_wait3A_152 = arith.constant 0 : i32
    %dma_wait3A_153 = arith.constant 0 : i32
    %dma_wait3A_154 = tpu.memref_slice %arg3[%arg0, %arg1, %dma_wait3A_152, %dma_wait3A_153] : memref<2x16x160x128xi32, #tpu.memory_space<hbm>> -> memref<1x1x8x128xi32, #tpu.memory_space<hbm>>
    %dma_wait3A_155 = tpu.memref_squeeze %dma_wait3A_154 : memref<1x1x8x128xi32, #tpu.memory_space<hbm>> -> memref<8x128xi32, #tpu.memory_space<hbm>>
    tpu.wait_dma2 semaphore(%arg17 : memref<!tpu.dma_semaphore, #tpu.memory_space<semaphore_mem>>) src(%dma_wait3A_155 : memref<8x128xi32, #tpu.memory_space<hbm>>) dst(%arg9 : memref<8x128xi32, #tpu.memory_space<vmem>>)
    %dma_wait3A_156 = arith.constant 0 : i32
    %dma_wait3A_157 = arith.constant 0 : i32
    %dma_wait3A_158 = tpu.memref_slice %arg4[%arg0, %arg1, %dma_wait3A_156, %dma_wait3A_157] : memref<2x16x160x128xi32, #tpu.memory_space<hbm>> -> memref<1x1x8x128xi32, #tpu.memory_space<hbm>>
    %dma_wait3A_159 = tpu.memref_squeeze %dma_wait3A_158 : memref<1x1x8x128xi32, #tpu.memory_space<hbm>> -> memref<8x128xi32, #tpu.memory_space<hbm>>
    %dma_wait3A_160 = arith.constant 0 : i32
    %dma_wait3A_161 = arith.constant 0 : i32
    %dma_wait3A_162 = tpu.memref_slice %arg4[%arg0, %arg1, %dma_wait3A_160, %dma_wait3A_161] : memref<2x16x160x128xi32, #tpu.memory_space<hbm>> -> memref<1x1x8x128xi32, #tpu.memory_space<hbm>>
    %dma_wait3A_163 = tpu.memref_squeeze %dma_wait3A_162 : memref<1x1x8x128xi32, #tpu.memory_space<hbm>> -> memref<8x128xi32, #tpu.memory_space<hbm>>
    tpu.wait_dma2 semaphore(%arg17 : memref<!tpu.dma_semaphore, #tpu.memory_space<semaphore_mem>>) src(%dma_wait3A_163 : memref<8x128xi32, #tpu.memory_space<hbm>>) dst(%arg11 : memref<8x128xi32, #tpu.memory_space<vmem>>)
    %dma_wait3A_164 = arith.constant 6 : i32
    %dma_wait3A_165 = arith.constant 0 : i32
    %dma_wait3A_166 = tpu.memref_slice %arg8[%dma_wait3A_164, %dma_wait3A_165] : memref<8x128xi32, #tpu.memory_space<vmem>> -> memref<1x128xi32, #tpu.memory_space<vmem>>
    %dma_wait3A_167 = tpu.memref_squeeze %dma_wait3A_166 : memref<1x128xi32, #tpu.memory_space<vmem>> -> memref<128xi32, #tpu.memory_space<vmem>>
    %dma_wait3A_168 = arith.constant 0 : i32
    %dma_wait3A_169 = arith.constant 0 : i32
    %dma_wait3A_170 = tpu.memref_slice %arg2[%dma_wait3A_168, %dma_wait3A_169] : memref<20480x128xf32, #tpu.memory_space<hbm>> -> memref<20480x128xf32, #tpu.memory_space<hbm>>
    tpu.wait_indirect_dma semaphore(%arg14 : memref<!tpu.dma_semaphore, #tpu.memory_space<semaphore_mem>>) src(%dma_wait3A_170 : memref<20480x128xf32, #tpu.memory_space<hbm>>) dst(%arg12 : memref<128x128xf32, #tpu.memory_space<vmem>>)
    %run_scoped3A_171 = arith.constant 6 : i32
    "tpu.region"() ({
      %run_scoped3A_360 = tpu.sem_alloc : memref<!tpu.dma_semaphore, #tpu.memory_space<semaphore_mem>>
      %dma_start3A_361 = arith.constant 0 : i32
      %dma_start3A_362 = tpu.memref_slice %arg10[%run_scoped3A_171, %dma_start3A_361] : memref<8x128xi32, #tpu.memory_space<vmem>> -> memref<1x128xi32, #tpu.memory_space<vmem>>
      %dma_start3A_363 = tpu.memref_squeeze %dma_start3A_362 : memref<1x128xi32, #tpu.memory_space<vmem>> -> memref<128xi32, #tpu.memory_space<vmem>>
      %dma_start3A_364 = arith.constant 0 : i32
      %dma_start3A_365 = arith.constant 0 : i32
      %dma_start3A_366 = tpu.memref_slice %arg18[%dma_start3A_364, %dma_start3A_365] : memref<10000x128xf32, #tpu.memory_space<vmem_shared>> -> memref<10000x128xf32, #tpu.memory_space<vmem_shared>>
      tpu.enqueue_indirect_dma source(%arg12 : memref<128x128xf32, #tpu.memory_space<vmem>>) target(%dma_start3A_366 : memref<10000x128xf32, #tpu.memory_space<vmem_shared>>) offsets(%dma_start3A_363 : memref<128xi32, #tpu.memory_space<vmem>>) semaphore(%run_scoped3A_360 : memref<!tpu.dma_semaphore, #tpu.memory_space<semaphore_mem>>) {add = true}
      %dma_wait3A_367 = arith.constant 0 : i32
      %dma_wait3A_368 = tpu.memref_slice %arg10[%run_scoped3A_171, %dma_wait3A_367] : memref<8x128xi32, #tpu.memory_space<vmem>> -> memref<1x128xi32, #tpu.memory_space<vmem>>
      %dma_wait3A_369 = tpu.memref_squeeze %dma_wait3A_368 : memref<1x128xi32, #tpu.memory_space<vmem>> -> memref<128xi32, #tpu.memory_space<vmem>>
      %dma_wait3A_370 = arith.constant 0 : i32
      %dma_wait3A_371 = arith.constant 0 : i32
      %dma_wait3A_372 = tpu.memref_slice %arg18[%dma_wait3A_370, %dma_wait3A_371] : memref<10000x128xf32, #tpu.memory_space<vmem_shared>> -> memref<10000x128xf32, #tpu.memory_space<vmem_shared>>
      tpu.wait_indirect_dma semaphore(%run_scoped3A_360 : memref<!tpu.dma_semaphore, #tpu.memory_space<semaphore_mem>>) src(%arg12 : memref<128x128xf32, #tpu.memory_space<vmem>>) dst(%dma_wait3A_372 : memref<10000x128xf32, #tpu.memory_space<vmem_shared>>)
      tpu.yield
    }) : () -> ()
    %dma_start3A_172 = arith.constant 0 : i32
    %dma_start3A_173 = arith.constant 0 : i32
    %dma_start3A_174 = tpu.memref_slice %arg9[%dma_start3A_172, %dma_start3A_173] : memref<8x128xi32, #tpu.memory_space<vmem>> -> memref<1x128xi32, #tpu.memory_space<vmem>>
    %dma_start3A_175 = tpu.memref_squeeze %dma_start3A_174 : memref<1x128xi32, #tpu.memory_space<vmem>> -> memref<128xi32, #tpu.memory_space<vmem>>
    %dma_start3A_176 = arith.constant 0 : i32
    %dma_start3A_177 = arith.constant 0 : i32
    %dma_start3A_178 = tpu.memref_slice %arg2[%dma_start3A_176, %dma_start3A_177] : memref<20480x128xf32, #tpu.memory_space<hbm>> -> memref<20480x128xf32, #tpu.memory_space<hbm>>
    tpu.enqueue_indirect_dma source(%dma_start3A_178 : memref<20480x128xf32, #tpu.memory_space<hbm>>) target(%arg12 : memref<128x128xf32, #tpu.memory_space<vmem>>) offsets(%dma_start3A_175 : memref<128xi32, #tpu.memory_space<vmem>>) semaphore(%arg14 : memref<!tpu.dma_semaphore, #tpu.memory_space<semaphore_mem>>)
    %dma_wait3A_179 = arith.constant 7 : i32
    %dma_wait3A_180 = arith.constant 0 : i32
    %dma_wait3A_181 = tpu.memref_slice %arg8[%dma_wait3A_179, %dma_wait3A_180] : memref<8x128xi32, #tpu.memory_space<vmem>> -> memref<1x128xi32, #tpu.memory_space<vmem>>
    %dma_wait3A_182 = tpu.memref_squeeze %dma_wait3A_181 : memref<1x128xi32, #tpu.memory_space<vmem>> -> memref<128xi32, #tpu.memory_space<vmem>>
    %dma_wait3A_183 = arith.constant 0 : i32
    %dma_wait3A_184 = arith.constant 0 : i32
    %dma_wait3A_185 = tpu.memref_slice %arg2[%dma_wait3A_183, %dma_wait3A_184] : memref<20480x128xf32, #tpu.memory_space<hbm>> -> memref<20480x128xf32, #tpu.memory_space<hbm>>
    tpu.wait_indirect_dma semaphore(%arg15 : memref<!tpu.dma_semaphore, #tpu.memory_space<semaphore_mem>>) src(%dma_wait3A_185 : memref<20480x128xf32, #tpu.memory_space<hbm>>) dst(%arg13 : memref<128x128xf32, #tpu.memory_space<vmem>>)
    %run_scoped3A_186 = arith.constant 7 : i32
    "tpu.region"() ({
      %run_scoped3A_360 = tpu.sem_alloc : memref<!tpu.dma_semaphore, #tpu.memory_space<semaphore_mem>>
      %dma_start3A_361 = arith.constant 0 : i32
      %dma_start3A_362 = tpu.memref_slice %arg10[%run_scoped3A_186, %dma_start3A_361] : memref<8x128xi32, #tpu.memory_space<vmem>> -> memref<1x128xi32, #tpu.memory_space<vmem>>
      %dma_start3A_363 = tpu.memref_squeeze %dma_start3A_362 : memref<1x128xi32, #tpu.memory_space<vmem>> -> memref<128xi32, #tpu.memory_space<vmem>>
      %dma_start3A_364 = arith.constant 0 : i32
      %dma_start3A_365 = arith.constant 0 : i32
      %dma_start3A_366 = tpu.memref_slice %arg18[%dma_start3A_364, %dma_start3A_365] : memref<10000x128xf32, #tpu.memory_space<vmem_shared>> -> memref<10000x128xf32, #tpu.memory_space<vmem_shared>>
      tpu.enqueue_indirect_dma source(%arg13 : memref<128x128xf32, #tpu.memory_space<vmem>>) target(%dma_start3A_366 : memref<10000x128xf32, #tpu.memory_space<vmem_shared>>) offsets(%dma_start3A_363 : memref<128xi32, #tpu.memory_space<vmem>>) semaphore(%run_scoped3A_360 : memref<!tpu.dma_semaphore, #tpu.memory_space<semaphore_mem>>) {add = true}
      %dma_wait3A_367 = arith.constant 0 : i32
      %dma_wait3A_368 = tpu.memref_slice %arg10[%run_scoped3A_186, %dma_wait3A_367] : memref<8x128xi32, #tpu.memory_space<vmem>> -> memref<1x128xi32, #tpu.memory_space<vmem>>
      %dma_wait3A_369 = tpu.memref_squeeze %dma_wait3A_368 : memref<1x128xi32, #tpu.memory_space<vmem>> -> memref<128xi32, #tpu.memory_space<vmem>>
      %dma_wait3A_370 = arith.constant 0 : i32
      %dma_wait3A_371 = arith.constant 0 : i32
      %dma_wait3A_372 = tpu.memref_slice %arg18[%dma_wait3A_370, %dma_wait3A_371] : memref<10000x128xf32, #tpu.memory_space<vmem_shared>> -> memref<10000x128xf32, #tpu.memory_space<vmem_shared>>
      tpu.wait_indirect_dma semaphore(%run_scoped3A_360 : memref<!tpu.dma_semaphore, #tpu.memory_space<semaphore_mem>>) src(%arg13 : memref<128x128xf32, #tpu.memory_space<vmem>>) dst(%dma_wait3A_372 : memref<10000x128xf32, #tpu.memory_space<vmem_shared>>)
      tpu.yield
    }) : () -> ()
    %dma_start3A_187 = arith.constant 1 : i32
    %dma_start3A_188 = arith.constant 0 : i32
    %dma_start3A_189 = tpu.memref_slice %arg9[%dma_start3A_187, %dma_start3A_188] : memref<8x128xi32, #tpu.memory_space<vmem>> -> memref<1x128xi32, #tpu.memory_space<vmem>>
    %dma_start3A_190 = tpu.memref_squeeze %dma_start3A_189 : memref<1x128xi32, #tpu.memory_space<vmem>> -> memref<128xi32, #tpu.memory_space<vmem>>
    %dma_start3A_191 = arith.constant 0 : i32
    %dma_start3A_192 = arith.constant 0 : i32
    %dma_start3A_193 = tpu.memref_slice %arg2[%dma_start3A_191, %dma_start3A_192] : memref<20480x128xf32, #tpu.memory_space<hbm>> -> memref<20480x128xf32, #tpu.memory_space<hbm>>
    tpu.enqueue_indirect_dma source(%dma_start3A_193 : memref<20480x128xf32, #tpu.memory_space<hbm>>) target(%arg13 : memref<128x128xf32, #tpu.memory_space<vmem>>) offsets(%dma_start3A_190 : memref<128xi32, #tpu.memory_space<vmem>>) semaphore(%arg15 : memref<!tpu.dma_semaphore, #tpu.memory_space<semaphore_mem>>)
    %dma_wait3A_194 = arith.constant 0 : i32
    %dma_wait3A_195 = arith.constant 0 : i32
    %dma_wait3A_196 = tpu.memref_slice %arg9[%dma_wait3A_194, %dma_wait3A_195] : memref<8x128xi32, #tpu.memory_space<vmem>> -> memref<1x128xi32, #tpu.memory_space<vmem>>
    %dma_wait3A_197 = tpu.memref_squeeze %dma_wait3A_196 : memref<1x128xi32, #tpu.memory_space<vmem>> -> memref<128xi32, #tpu.memory_space<vmem>>
    %dma_wait3A_198 = arith.constant 0 : i32
    %dma_wait3A_199 = arith.constant 0 : i32
    %dma_wait3A_200 = tpu.memref_slice %arg2[%dma_wait3A_198, %dma_wait3A_199] : memref<20480x128xf32, #tpu.memory_space<hbm>> -> memref<20480x128xf32, #tpu.memory_space<hbm>>
    tpu.wait_indirect_dma semaphore(%arg14 : memref<!tpu.dma_semaphore, #tpu.memory_space<semaphore_mem>>) src(%dma_wait3A_200 : memref<20480x128xf32, #tpu.memory_space<hbm>>) dst(%arg12 : memref<128x128xf32, #tpu.memory_space<vmem>>)
    %run_scoped3A_201 = arith.constant 0 : i32
    "tpu.region"() ({
      %run_scoped3A_360 = tpu.sem_alloc : memref<!tpu.dma_semaphore, #tpu.memory_space<semaphore_mem>>
      %dma_start3A_361 = arith.constant 0 : i32
      %dma_start3A_362 = tpu.memref_slice %arg11[%run_scoped3A_201, %dma_start3A_361] : memref<8x128xi32, #tpu.memory_space<vmem>> -> memref<1x128xi32, #tpu.memory_space<vmem>>
      %dma_start3A_363 = tpu.memref_squeeze %dma_start3A_362 : memref<1x128xi32, #tpu.memory_space<vmem>> -> memref<128xi32, #tpu.memory_space<vmem>>
      %dma_start3A_364 = arith.constant 0 : i32
      %dma_start3A_365 = arith.constant 0 : i32
      %dma_start3A_366 = tpu.memref_slice %arg18[%dma_start3A_364, %dma_start3A_365] : memref<10000x128xf32, #tpu.memory_space<vmem_shared>> -> memref<10000x128xf32, #tpu.memory_space<vmem_shared>>
      tpu.enqueue_indirect_dma source(%arg12 : memref<128x128xf32, #tpu.memory_space<vmem>>) target(%dma_start3A_366 : memref<10000x128xf32, #tpu.memory_space<vmem_shared>>) offsets(%dma_start3A_363 : memref<128xi32, #tpu.memory_space<vmem>>) semaphore(%run_scoped3A_360 : memref<!tpu.dma_semaphore, #tpu.memory_space<semaphore_mem>>) {add = true}
      %dma_wait3A_367 = arith.constant 0 : i32
      %dma_wait3A_368 = tpu.memref_slice %arg11[%run_scoped3A_201, %dma_wait3A_367] : memref<8x128xi32, #tpu.memory_space<vmem>> -> memref<1x128xi32, #tpu.memory_space<vmem>>
      %dma_wait3A_369 = tpu.memref_squeeze %dma_wait3A_368 : memref<1x128xi32, #tpu.memory_space<vmem>> -> memref<128xi32, #tpu.memory_space<vmem>>
      %dma_wait3A_370 = arith.constant 0 : i32
      %dma_wait3A_371 = arith.constant 0 : i32
      %dma_wait3A_372 = tpu.memref_slice %arg18[%dma_wait3A_370, %dma_wait3A_371] : memref<10000x128xf32, #tpu.memory_space<vmem_shared>> -> memref<10000x128xf32, #tpu.memory_space<vmem_shared>>
      tpu.wait_indirect_dma semaphore(%run_scoped3A_360 : memref<!tpu.dma_semaphore, #tpu.memory_space<semaphore_mem>>) src(%arg12 : memref<128x128xf32, #tpu.memory_space<vmem>>) dst(%dma_wait3A_372 : memref<10000x128xf32, #tpu.memory_space<vmem_shared>>)
      tpu.yield
    }) : () -> ()
    %dma_start3A_202 = arith.constant 2 : i32
    %dma_start3A_203 = arith.constant 0 : i32
    %dma_start3A_204 = tpu.memref_slice %arg9[%dma_start3A_202, %dma_start3A_203] : memref<8x128xi32, #tpu.memory_space<vmem>> -> memref<1x128xi32, #tpu.memory_space<vmem>>
    %dma_start3A_205 = tpu.memref_squeeze %dma_start3A_204 : memref<1x128xi32, #tpu.memory_space<vmem>> -> memref<128xi32, #tpu.memory_space<vmem>>
    %dma_start3A_206 = arith.constant 0 : i32
    %dma_start3A_207 = arith.constant 0 : i32
    %dma_start3A_208 = tpu.memref_slice %arg2[%dma_start3A_206, %dma_start3A_207] : memref<20480x128xf32, #tpu.memory_space<hbm>> -> memref<20480x128xf32, #tpu.memory_space<hbm>>
    tpu.enqueue_indirect_dma source(%dma_start3A_208 : memref<20480x128xf32, #tpu.memory_space<hbm>>) target(%arg12 : memref<128x128xf32, #tpu.memory_space<vmem>>) offsets(%dma_start3A_205 : memref<128xi32, #tpu.memory_space<vmem>>) semaphore(%arg14 : memref<!tpu.dma_semaphore, #tpu.memory_space<semaphore_mem>>)
    %dma_wait3A_209 = arith.constant 1 : i32
    %dma_wait3A_210 = arith.constant 0 : i32
    %dma_wait3A_211 = tpu.memref_slice %arg9[%dma_wait3A_209, %dma_wait3A_210] : memref<8x128xi32, #tpu.memory_space<vmem>> -> memref<1x128xi32, #tpu.memory_space<vmem>>
    %dma_wait3A_212 = tpu.memref_squeeze %dma_wait3A_211 : memref<1x128xi32, #tpu.memory_space<vmem>> -> memref<128xi32, #tpu.memory_space<vmem>>
    %dma_wait3A_213 = arith.constant 0 : i32
    %dma_wait3A_214 = arith.constant 0 : i32
    %dma_wait3A_215 = tpu.memref_slice %arg2[%dma_wait3A_213, %dma_wait3A_214] : memref<20480x128xf32, #tpu.memory_space<hbm>> -> memref<20480x128xf32, #tpu.memory_space<hbm>>
    tpu.wait_indirect_dma semaphore(%arg15 : memref<!tpu.dma_semaphore, #tpu.memory_space<semaphore_mem>>) src(%dma_wait3A_215 : memref<20480x128xf32, #tpu.memory_space<hbm>>) dst(%arg13 : memref<128x128xf32, #tpu.memory_space<vmem>>)
    %run_scoped3A_216 = arith.constant 1 : i32
    "tpu.region"() ({
      %run_scoped3A_360 = tpu.sem_alloc : memref<!tpu.dma_semaphore, #tpu.memory_space<semaphore_mem>>
      %dma_start3A_361 = arith.constant 0 : i32
      %dma_start3A_362 = tpu.memref_slice %arg11[%run_scoped3A_216, %dma_start3A_361] : memref<8x128xi32, #tpu.memory_space<vmem>> -> memref<1x128xi32, #tpu.memory_space<vmem>>
      %dma_start3A_363 = tpu.memref_squeeze %dma_start3A_362 : memref<1x128xi32, #tpu.memory_space<vmem>> -> memref<128xi32, #tpu.memory_space<vmem>>
      %dma_start3A_364 = arith.constant 0 : i32
      %dma_start3A_365 = arith.constant 0 : i32
      %dma_start3A_366 = tpu.memref_slice %arg18[%dma_start3A_364, %dma_start3A_365] : memref<10000x128xf32, #tpu.memory_space<vmem_shared>> -> memref<10000x128xf32, #tpu.memory_space<vmem_shared>>
      tpu.enqueue_indirect_dma source(%arg13 : memref<128x128xf32, #tpu.memory_space<vmem>>) target(%dma_start3A_366 : memref<10000x128xf32, #tpu.memory_space<vmem_shared>>) offsets(%dma_start3A_363 : memref<128xi32, #tpu.memory_space<vmem>>) semaphore(%run_scoped3A_360 : memref<!tpu.dma_semaphore, #tpu.memory_space<semaphore_mem>>) {add = true}
      %dma_wait3A_367 = arith.constant 0 : i32
      %dma_wait3A_368 = tpu.memref_slice %arg11[%run_scoped3A_216, %dma_wait3A_367] : memref<8x128xi32, #tpu.memory_space<vmem>> -> memref<1x128xi32, #tpu.memory_space<vmem>>
      %dma_wait3A_369 = tpu.memref_squeeze %dma_wait3A_368 : memref<1x128xi32, #tpu.memory_space<vmem>> -> memref<128xi32, #tpu.memory_space<vmem>>
      %dma_wait3A_370 = arith.constant 0 : i32
      %dma_wait3A_371 = arith.constant 0 : i32
      %dma_wait3A_372 = tpu.memref_slice %arg18[%dma_wait3A_370, %dma_wait3A_371] : memref<10000x128xf32, #tpu.memory_space<vmem_shared>> -> memref<10000x128xf32, #tpu.memory_space<vmem_shared>>
      tpu.wait_indirect_dma semaphore(%run_scoped3A_360 : memref<!tpu.dma_semaphore, #tpu.memory_space<semaphore_mem>>) src(%arg13 : memref<128x128xf32, #tpu.memory_space<vmem>>) dst(%dma_wait3A_372 : memref<10000x128xf32, #tpu.memory_space<vmem_shared>>)
      tpu.yield
    }) : () -> ()
    %dma_start3A_217 = arith.constant 3 : i32
    %dma_start3A_218 = arith.constant 0 : i32
    %dma_start3A_219 = tpu.memref_slice %arg9[%dma_start3A_217, %dma_start3A_218] : memref<8x128xi32, #tpu.memory_space<vmem>> -> memref<1x128xi32, #tpu.memory_space<vmem>>
    %dma_start3A_220 = tpu.memref_squeeze %dma_start3A_219 : memref<1x128xi32, #tpu.memory_space<vmem>> -> memref<128xi32, #tpu.memory_space<vmem>>
    %dma_start3A_221 = arith.constant 0 : i32
    %dma_start3A_222 = arith.constant 0 : i32
    %dma_start3A_223 = tpu.memref_slice %arg2[%dma_start3A_221, %dma_start3A_222] : memref<20480x128xf32, #tpu.memory_space<hbm>> -> memref<20480x128xf32, #tpu.memory_space<hbm>>
    tpu.enqueue_indirect_dma source(%dma_start3A_223 : memref<20480x128xf32, #tpu.memory_space<hbm>>) target(%arg13 : memref<128x128xf32, #tpu.memory_space<vmem>>) offsets(%dma_start3A_220 : memref<128xi32, #tpu.memory_space<vmem>>) semaphore(%arg15 : memref<!tpu.dma_semaphore, #tpu.memory_space<semaphore_mem>>)
    %multiple_of3A_224 = arith.constant 16 : i32
    %multiple_of3A_225 = tpu.assume_multiple %multiple_of3A_224, 8 : i32
    %dma_start3A_226 = arith.constant 0 : i32
    %dma_start3A_227 = tpu.memref_slice %arg3[%arg0, %arg1, %multiple_of3A_225, %dma_start3A_226] : memref<2x16x160x128xi32, #tpu.memory_space<hbm>> -> memref<1x1x8x128xi32, #tpu.memory_space<hbm>>
    %dma_start3A_228 = tpu.memref_squeeze %dma_start3A_227 : memref<1x1x8x128xi32, #tpu.memory_space<hbm>> -> memref<8x128xi32, #tpu.memory_space<hbm>>
    %dma_start3A_229 = arith.constant 0 : i32
    %dma_start3A_230 = tpu.memref_slice %arg3[%arg0, %arg1, %multiple_of3A_225, %dma_start3A_229] : memref<2x16x160x128xi32, #tpu.memory_space<hbm>> -> memref<1x1x8x128xi32, #tpu.memory_space<hbm>>
    %dma_start3A_231 = tpu.memref_squeeze %dma_start3A_230 : memref<1x1x8x128xi32, #tpu.memory_space<hbm>> -> memref<8x128xi32, #tpu.memory_space<hbm>>
    tpu.enqueue_dma source(%dma_start3A_231 : memref<8x128xi32, #tpu.memory_space<hbm>>) target(%arg8 : memref<8x128xi32, #tpu.memory_space<vmem>>) target_semaphore(%arg16 : memref<!tpu.dma_semaphore, #tpu.memory_space<semaphore_mem>>)
    %dma_start3A_232 = arith.constant 0 : i32
    %dma_start3A_233 = tpu.memref_slice %arg4[%arg0, %arg1, %multiple_of3A_225, %dma_start3A_232] : memref<2x16x160x128xi32, #tpu.memory_space<hbm>> -> memref<1x1x8x128xi32, #tpu.memory_space<hbm>>
    %dma_start3A_234 = tpu.memref_squeeze %dma_start3A_233 : memref<1x1x8x128xi32, #tpu.memory_space<hbm>> -> memref<8x128xi32, #tpu.memory_space<hbm>>
    %dma_start3A_235 = arith.constant 0 : i32
    %dma_start3A_236 = tpu.memref_slice %arg4[%arg0, %arg1, %multiple_of3A_225, %dma_start3A_235] : memref<2x16x160x128xi32, #tpu.memory_space<hbm>> -> memref<1x1x8x128xi32, #tpu.memory_space<hbm>>
    %dma_start3A_237 = tpu.memref_squeeze %dma_start3A_236 : memref<1x1x8x128xi32, #tpu.memory_space<hbm>> -> memref<8x128xi32, #tpu.memory_space<hbm>>
    tpu.enqueue_dma source(%dma_start3A_237 : memref<8x128xi32, #tpu.memory_space<hbm>>) target(%arg10 : memref<8x128xi32, #tpu.memory_space<vmem>>) target_semaphore(%arg16 : memref<!tpu.dma_semaphore, #tpu.memory_space<semaphore_mem>>)
    %dma_wait3A_238 = arith.constant 2 : i32
    %dma_wait3A_239 = arith.constant 0 : i32
    %dma_wait3A_240 = tpu.memref_slice %arg9[%dma_wait3A_238, %dma_wait3A_239] : memref<8x128xi32, #tpu.memory_space<vmem>> -> memref<1x128xi32, #tpu.memory_space<vmem>>
    %dma_wait3A_241 = tpu.memref_squeeze %dma_wait3A_240 : memref<1x128xi32, #tpu.memory_space<vmem>> -> memref<128xi32, #tpu.memory_space<vmem>>
    %dma_wait3A_242 = arith.constant 0 : i32
    %dma_wait3A_243 = arith.constant 0 : i32
    %dma_wait3A_244 = tpu.memref_slice %arg2[%dma_wait3A_242, %dma_wait3A_243] : memref<20480x128xf32, #tpu.memory_space<hbm>> -> memref<20480x128xf32, #tpu.memory_space<hbm>>
    tpu.wait_indirect_dma semaphore(%arg14 : memref<!tpu.dma_semaphore, #tpu.memory_space<semaphore_mem>>) src(%dma_wait3A_244 : memref<20480x128xf32, #tpu.memory_space<hbm>>) dst(%arg12 : memref<128x128xf32, #tpu.memory_space<vmem>>)
    %run_scoped3A_245 = arith.constant 2 : i32
    "tpu.region"() ({
      %run_scoped3A_360 = tpu.sem_alloc : memref<!tpu.dma_semaphore, #tpu.memory_space<semaphore_mem>>
      %dma_start3A_361 = arith.constant 0 : i32
      %dma_start3A_362 = tpu.memref_slice %arg11[%run_scoped3A_245, %dma_start3A_361] : memref<8x128xi32, #tpu.memory_space<vmem>> -> memref<1x128xi32, #tpu.memory_space<vmem>>
      %dma_start3A_363 = tpu.memref_squeeze %dma_start3A_362 : memref<1x128xi32, #tpu.memory_space<vmem>> -> memref<128xi32, #tpu.memory_space<vmem>>
      %dma_start3A_364 = arith.constant 0 : i32
      %dma_start3A_365 = arith.constant 0 : i32
      %dma_start3A_366 = tpu.memref_slice %arg18[%dma_start3A_364, %dma_start3A_365] : memref<10000x128xf32, #tpu.memory_space<vmem_shared>> -> memref<10000x128xf32, #tpu.memory_space<vmem_shared>>
      tpu.enqueue_indirect_dma source(%arg12 : memref<128x128xf32, #tpu.memory_space<vmem>>) target(%dma_start3A_366 : memref<10000x128xf32, #tpu.memory_space<vmem_shared>>) offsets(%dma_start3A_363 : memref<128xi32, #tpu.memory_space<vmem>>) semaphore(%run_scoped3A_360 : memref<!tpu.dma_semaphore, #tpu.memory_space<semaphore_mem>>) {add = true}
      %dma_wait3A_367 = arith.constant 0 : i32
      %dma_wait3A_368 = tpu.memref_slice %arg11[%run_scoped3A_245, %dma_wait3A_367] : memref<8x128xi32, #tpu.memory_space<vmem>> -> memref<1x128xi32, #tpu.memory_space<vmem>>
      %dma_wait3A_369 = tpu.memref_squeeze %dma_wait3A_368 : memref<1x128xi32, #tpu.memory_space<vmem>> -> memref<128xi32, #tpu.memory_space<vmem>>
      %dma_wait3A_370 = arith.constant 0 : i32
      %dma_wait3A_371 = arith.constant 0 : i32
      %dma_wait3A_372 = tpu.memref_slice %arg18[%dma_wait3A_370, %dma_wait3A_371] : memref<10000x128xf32, #tpu.memory_space<vmem_shared>> -> memref<10000x128xf32, #tpu.memory_space<vmem_shared>>
      tpu.wait_indirect_dma semaphore(%run_scoped3A_360 : memref<!tpu.dma_semaphore, #tpu.memory_space<semaphore_mem>>) src(%arg12 : memref<128x128xf32, #tpu.memory_space<vmem>>) dst(%dma_wait3A_372 : memref<10000x128xf32, #tpu.memory_space<vmem_shared>>)
      tpu.yield
    }) : () -> ()
    %dma_start3A_246 = arith.constant 4 : i32
    %dma_start3A_247 = arith.constant 0 : i32
    %dma_start3A_248 = tpu.memref_slice %arg9[%dma_start3A_246, %dma_start3A_247] : memref<8x128xi32, #tpu.memory_space<vmem>> -> memref<1x128xi32, #tpu.memory_space<vmem>>
    %dma_start3A_249 = tpu.memref_squeeze %dma_start3A_248 : memref<1x128xi32, #tpu.memory_space<vmem>> -> memref<128xi32, #tpu.memory_space<vmem>>
    %dma_start3A_250 = arith.constant 0 : i32
    %dma_start3A_251 = arith.constant 0 : i32
    %dma_start3A_252 = tpu.memref_slice %arg2[%dma_start3A_250, %dma_start3A_251] : memref<20480x128xf32, #tpu.memory_space<hbm>> -> memref<20480x128xf32, #tpu.memory_space<hbm>>
    tpu.enqueue_indirect_dma source(%dma_start3A_252 : memref<20480x128xf32, #tpu.memory_space<hbm>>) target(%arg12 : memref<128x128xf32, #tpu.memory_space<vmem>>) offsets(%dma_start3A_249 : memref<128xi32, #tpu.memory_space<vmem>>) semaphore(%arg14 : memref<!tpu.dma_semaphore, #tpu.memory_space<semaphore_mem>>)
    %dma_wait3A_253 = arith.constant 3 : i32
    %dma_wait3A_254 = arith.constant 0 : i32
    %dma_wait3A_255 = tpu.memref_slice %arg9[%dma_wait3A_253, %dma_wait3A_254] : memref<8x128xi32, #tpu.memory_space<vmem>> -> memref<1x128xi32, #tpu.memory_space<vmem>>
    %dma_wait3A_256 = tpu.memref_squeeze %dma_wait3A_255 : memref<1x128xi32, #tpu.memory_space<vmem>> -> memref<128xi32, #tpu.memory_space<vmem>>
    %dma_wait3A_257 = arith.constant 0 : i32
    %dma_wait3A_258 = arith.constant 0 : i32
    %dma_wait3A_259 = tpu.memref_slice %arg2[%dma_wait3A_257, %dma_wait3A_258] : memref<20480x128xf32, #tpu.memory_space<hbm>> -> memref<20480x128xf32, #tpu.memory_space<hbm>>
    tpu.wait_indirect_dma semaphore(%arg15 : memref<!tpu.dma_semaphore, #tpu.memory_space<semaphore_mem>>) src(%dma_wait3A_259 : memref<20480x128xf32, #tpu.memory_space<hbm>>) dst(%arg13 : memref<128x128xf32, #tpu.memory_space<vmem>>)
    %run_scoped3A_260 = arith.constant 3 : i32
    "tpu.region"() ({
      %run_scoped3A_360 = tpu.sem_alloc : memref<!tpu.dma_semaphore, #tpu.memory_space<semaphore_mem>>
      %dma_start3A_361 = arith.constant 0 : i32
      %dma_start3A_362 = tpu.memref_slice %arg11[%run_scoped3A_260, %dma_start3A_361] : memref<8x128xi32, #tpu.memory_space<vmem>> -> memref<1x128xi32, #tpu.memory_space<vmem>>
      %dma_start3A_363 = tpu.memref_squeeze %dma_start3A_362 : memref<1x128xi32, #tpu.memory_space<vmem>> -> memref<128xi32, #tpu.memory_space<vmem>>
      %dma_start3A_364 = arith.constant 0 : i32
      %dma_start3A_365 = arith.constant 0 : i32
      %dma_start3A_366 = tpu.memref_slice %arg18[%dma_start3A_364, %dma_start3A_365] : memref<10000x128xf32, #tpu.memory_space<vmem_shared>> -> memref<10000x128xf32, #tpu.memory_space<vmem_shared>>
      tpu.enqueue_indirect_dma source(%arg13 : memref<128x128xf32, #tpu.memory_space<vmem>>) target(%dma_start3A_366 : memref<10000x128xf32, #tpu.memory_space<vmem_shared>>) offsets(%dma_start3A_363 : memref<128xi32, #tpu.memory_space<vmem>>) semaphore(%run_scoped3A_360 : memref<!tpu.dma_semaphore, #tpu.memory_space<semaphore_mem>>) {add = true}
      %dma_wait3A_367 = arith.constant 0 : i32
      %dma_wait3A_368 = tpu.memref_slice %arg11[%run_scoped3A_260, %dma_wait3A_367] : memref<8x128xi32, #tpu.memory_space<vmem>> -> memref<1x128xi32, #tpu.memory_space<vmem>>
      %dma_wait3A_369 = tpu.memref_squeeze %dma_wait3A_368 : memref<1x128xi32, #tpu.memory_space<vmem>> -> memref<128xi32, #tpu.memory_space<vmem>>
      %dma_wait3A_370 = arith.constant 0 : i32
      %dma_wait3A_371 = arith.constant 0 : i32
      %dma_wait3A_372 = tpu.memref_slice %arg18[%dma_wait3A_370, %dma_wait3A_371] : memref<10000x128xf32, #tpu.memory_space<vmem_shared>> -> memref<10000x128xf32, #tpu.memory_space<vmem_shared>>
      tpu.wait_indirect_dma semaphore(%run_scoped3A_360 : memref<!tpu.dma_semaphore, #tpu.memory_space<semaphore_mem>>) src(%arg13 : memref<128x128xf32, #tpu.memory_space<vmem>>) dst(%dma_wait3A_372 : memref<10000x128xf32, #tpu.memory_space<vmem_shared>>)
      tpu.yield
    }) : () -> ()
    %dma_start3A_261 = arith.constant 5 : i32
    %dma_start3A_262 = arith.constant 0 : i32
    %dma_start3A_263 = tpu.memref_slice %arg9[%dma_start3A_261, %dma_start3A_262] : memref<8x128xi32, #tpu.memory_space<vmem>> -> memref<1x128xi32, #tpu.memory_space<vmem>>
    %dma_start3A_264 = tpu.memref_squeeze %dma_start3A_263 : memref<1x128xi32, #tpu.memory_space<vmem>> -> memref<128xi32, #tpu.memory_space<vmem>>
    %dma_start3A_265 = arith.constant 0 : i32
    %dma_start3A_266 = arith.constant 0 : i32
    %dma_start3A_267 = tpu.memref_slice %arg2[%dma_start3A_265, %dma_start3A_266] : memref<20480x128xf32, #tpu.memory_space<hbm>> -> memref<20480x128xf32, #tpu.memory_space<hbm>>
    tpu.enqueue_indirect_dma source(%dma_start3A_267 : memref<20480x128xf32, #tpu.memory_space<hbm>>) target(%arg13 : memref<128x128xf32, #tpu.memory_space<vmem>>) offsets(%dma_start3A_264 : memref<128xi32, #tpu.memory_space<vmem>>) semaphore(%arg15 : memref<!tpu.dma_semaphore, #tpu.memory_space<semaphore_mem>>)
    %dma_wait3A_268 = arith.constant 4 : i32
    %dma_wait3A_269 = arith.constant 0 : i32
    %dma_wait3A_270 = tpu.memref_slice %arg9[%dma_wait3A_268, %dma_wait3A_269] : memref<8x128xi32, #tpu.memory_space<vmem>> -> memref<1x128xi32, #tpu.memory_space<vmem>>
    %dma_wait3A_271 = tpu.memref_squeeze %dma_wait3A_270 : memref<1x128xi32, #tpu.memory_space<vmem>> -> memref<128xi32, #tpu.memory_space<vmem>>
    %dma_wait3A_272 = arith.constant 0 : i32
    %dma_wait3A_273 = arith.constant 0 : i32
    %dma_wait3A_274 = tpu.memref_slice %arg2[%dma_wait3A_272, %dma_wait3A_273] : memref<20480x128xf32, #tpu.memory_space<hbm>> -> memref<20480x128xf32, #tpu.memory_space<hbm>>
    tpu.wait_indirect_dma semaphore(%arg14 : memref<!tpu.dma_semaphore, #tpu.memory_space<semaphore_mem>>) src(%dma_wait3A_274 : memref<20480x128xf32, #tpu.memory_space<hbm>>) dst(%arg12 : memref<128x128xf32, #tpu.memory_space<vmem>>)
    %run_scoped3A_275 = arith.constant 4 : i32
    "tpu.region"() ({
      %run_scoped3A_360 = tpu.sem_alloc : memref<!tpu.dma_semaphore, #tpu.memory_space<semaphore_mem>>
      %dma_start3A_361 = arith.constant 0 : i32
      %dma_start3A_362 = tpu.memref_slice %arg11[%run_scoped3A_275, %dma_start3A_361] : memref<8x128xi32, #tpu.memory_space<vmem>> -> memref<1x128xi32, #tpu.memory_space<vmem>>
      %dma_start3A_363 = tpu.memref_squeeze %dma_start3A_362 : memref<1x128xi32, #tpu.memory_space<vmem>> -> memref<128xi32, #tpu.memory_space<vmem>>
      %dma_start3A_364 = arith.constant 0 : i32
      %dma_start3A_365 = arith.constant 0 : i32
      %dma_start3A_366 = tpu.memref_slice %arg18[%dma_start3A_364, %dma_start3A_365] : memref<10000x128xf32, #tpu.memory_space<vmem_shared>> -> memref<10000x128xf32, #tpu.memory_space<vmem_shared>>
      tpu.enqueue_indirect_dma source(%arg12 : memref<128x128xf32, #tpu.memory_space<vmem>>) target(%dma_start3A_366 : memref<10000x128xf32, #tpu.memory_space<vmem_shared>>) offsets(%dma_start3A_363 : memref<128xi32, #tpu.memory_space<vmem>>) semaphore(%run_scoped3A_360 : memref<!tpu.dma_semaphore, #tpu.memory_space<semaphore_mem>>) {add = true}
      %dma_wait3A_367 = arith.constant 0 : i32
      %dma_wait3A_368 = tpu.memref_slice %arg11[%run_scoped3A_275, %dma_wait3A_367] : memref<8x128xi32, #tpu.memory_space<vmem>> -> memref<1x128xi32, #tpu.memory_space<vmem>>
      %dma_wait3A_369 = tpu.memref_squeeze %dma_wait3A_368 : memref<1x128xi32, #tpu.memory_space<vmem>> -> memref<128xi32, #tpu.memory_space<vmem>>
      %dma_wait3A_370 = arith.constant 0 : i32
      %dma_wait3A_371 = arith.constant 0 : i32
      %dma_wait3A_372 = tpu.memref_slice %arg18[%dma_wait3A_370, %dma_wait3A_371] : memref<10000x128xf32, #tpu.memory_space<vmem_shared>> -> memref<10000x128xf32, #tpu.memory_space<vmem_shared>>
      tpu.wait_indirect_dma semaphore(%run_scoped3A_360 : memref<!tpu.dma_semaphore, #tpu.memory_space<semaphore_mem>>) src(%arg12 : memref<128x128xf32, #tpu.memory_space<vmem>>) dst(%dma_wait3A_372 : memref<10000x128xf32, #tpu.memory_space<vmem_shared>>)
      tpu.yield
    }) : () -> ()
    %dma_start3A_276 = arith.constant 6 : i32
    %dma_start3A_277 = arith.constant 0 : i32
    %dma_start3A_278 = tpu.memref_slice %arg9[%dma_start3A_276, %dma_start3A_277] : memref<8x128xi32, #tpu.memory_space<vmem>> -> memref<1x128xi32, #tpu.memory_space<vmem>>
    %dma_start3A_279 = tpu.memref_squeeze %dma_start3A_278 : memref<1x128xi32, #tpu.memory_space<vmem>> -> memref<128xi32, #tpu.memory_space<vmem>>
    %dma_start3A_280 = arith.constant 0 : i32
    %dma_start3A_281 = arith.constant 0 : i32
    %dma_start3A_282 = tpu.memref_slice %arg2[%dma_start3A_280, %dma_start3A_281] : memref<20480x128xf32, #tpu.memory_space<hbm>> -> memref<20480x128xf32, #tpu.memory_space<hbm>>
    tpu.enqueue_indirect_dma source(%dma_start3A_282 : memref<20480x128xf32, #tpu.memory_space<hbm>>) target(%arg12 : memref<128x128xf32, #tpu.memory_space<vmem>>) offsets(%dma_start3A_279 : memref<128xi32, #tpu.memory_space<vmem>>) semaphore(%arg14 : memref<!tpu.dma_semaphore, #tpu.memory_space<semaphore_mem>>)
    %dma_wait3A_283 = arith.constant 5 : i32
    %dma_wait3A_284 = arith.constant 0 : i32
    %dma_wait3A_285 = tpu.memref_slice %arg9[%dma_wait3A_283, %dma_wait3A_284] : memref<8x128xi32, #tpu.memory_space<vmem>> -> memref<1x128xi32, #tpu.memory_space<vmem>>
    %dma_wait3A_286 = tpu.memref_squeeze %dma_wait3A_285 : memref<1x128xi32, #tpu.memory_space<vmem>> -> memref<128xi32, #tpu.memory_space<vmem>>
    %dma_wait3A_287 = arith.constant 0 : i32
    %dma_wait3A_288 = arith.constant 0 : i32
    %dma_wait3A_289 = tpu.memref_slice %arg2[%dma_wait3A_287, %dma_wait3A_288] : memref<20480x128xf32, #tpu.memory_space<hbm>> -> memref<20480x128xf32, #tpu.memory_space<hbm>>
    tpu.wait_indirect_dma semaphore(%arg15 : memref<!tpu.dma_semaphore, #tpu.memory_space<semaphore_mem>>) src(%dma_wait3A_289 : memref<20480x128xf32, #tpu.memory_space<hbm>>) dst(%arg13 : memref<128x128xf32, #tpu.memory_space<vmem>>)
    %run_scoped3A_290 = arith.constant 5 : i32
    "tpu.region"() ({
      %run_scoped3A_360 = tpu.sem_alloc : memref<!tpu.dma_semaphore, #tpu.memory_space<semaphore_mem>>
      %dma_start3A_361 = arith.constant 0 : i32
      %dma_start3A_362 = tpu.memref_slice %arg11[%run_scoped3A_290, %dma_start3A_361] : memref<8x128xi32, #tpu.memory_space<vmem>> -> memref<1x128xi32, #tpu.memory_space<vmem>>
      %dma_start3A_363 = tpu.memref_squeeze %dma_start3A_362 : memref<1x128xi32, #tpu.memory_space<vmem>> -> memref<128xi32, #tpu.memory_space<vmem>>
      %dma_start3A_364 = arith.constant 0 : i32
      %dma_start3A_365 = arith.constant 0 : i32
      %dma_start3A_366 = tpu.memref_slice %arg18[%dma_start3A_364, %dma_start3A_365] : memref<10000x128xf32, #tpu.memory_space<vmem_shared>> -> memref<10000x128xf32, #tpu.memory_space<vmem_shared>>
      tpu.enqueue_indirect_dma source(%arg13 : memref<128x128xf32, #tpu.memory_space<vmem>>) target(%dma_start3A_366 : memref<10000x128xf32, #tpu.memory_space<vmem_shared>>) offsets(%dma_start3A_363 : memref<128xi32, #tpu.memory_space<vmem>>) semaphore(%run_scoped3A_360 : memref<!tpu.dma_semaphore, #tpu.memory_space<semaphore_mem>>) {add = true}
      %dma_wait3A_367 = arith.constant 0 : i32
      %dma_wait3A_368 = tpu.memref_slice %arg11[%run_scoped3A_290, %dma_wait3A_367] : memref<8x128xi32, #tpu.memory_space<vmem>> -> memref<1x128xi32, #tpu.memory_space<vmem>>
      %dma_wait3A_369 = tpu.memref_squeeze %dma_wait3A_368 : memref<1x128xi32, #tpu.memory_space<vmem>> -> memref<128xi32, #tpu.memory_space<vmem>>
      %dma_wait3A_370 = arith.constant 0 : i32
      %dma_wait3A_371 = arith.constant 0 : i32
      %dma_wait3A_372 = tpu.memref_slice %arg18[%dma_wait3A_370, %dma_wait3A_371] : memref<10000x128xf32, #tpu.memory_space<vmem_shared>> -> memref<10000x128xf32, #tpu.memory_space<vmem_shared>>
      tpu.wait_indirect_dma semaphore(%run_scoped3A_360 : memref<!tpu.dma_semaphore, #tpu.memory_space<semaphore_mem>>) src(%arg13 : memref<128x128xf32, #tpu.memory_space<vmem>>) dst(%dma_wait3A_372 : memref<10000x128xf32, #tpu.memory_space<vmem_shared>>)
      tpu.yield
    }) : () -> ()
    %dma_start3A_291 = arith.constant 7 : i32
    %dma_start3A_292 = arith.constant 0 : i32
    %dma_start3A_293 = tpu.memref_slice %arg9[%dma_start3A_291, %dma_start3A_292] : memref<8x128xi32, #tpu.memory_space<vmem>> -> memref<1x128xi32, #tpu.memory_space<vmem>>
    %dma_start3A_294 = tpu.memref_squeeze %dma_start3A_293 : memref<1x128xi32, #tpu.memory_space<vmem>> -> memref<128xi32, #tpu.memory_space<vmem>>
    %dma_start3A_295 = arith.constant 0 : i32
    %dma_start3A_296 = arith.constant 0 : i32
    %dma_start3A_297 = tpu.memref_slice %arg2[%dma_start3A_295, %dma_start3A_296] : memref<20480x128xf32, #tpu.memory_space<hbm>> -> memref<20480x128xf32, #tpu.memory_space<hbm>>
    tpu.enqueue_indirect_dma source(%dma_start3A_297 : memref<20480x128xf32, #tpu.memory_space<hbm>>) target(%arg13 : memref<128x128xf32, #tpu.memory_space<vmem>>) offsets(%dma_start3A_294 : memref<128xi32, #tpu.memory_space<vmem>>) semaphore(%arg15 : memref<!tpu.dma_semaphore, #tpu.memory_space<semaphore_mem>>)
    %dma_wait3A_298 = arith.constant 0 : i32
    %dma_wait3A_299 = arith.constant 0 : i32
    %dma_wait3A_300 = tpu.memref_slice %arg3[%arg0, %arg1, %dma_wait3A_298, %dma_wait3A_299] : memref<2x16x160x128xi32, #tpu.memory_space<hbm>> -> memref<1x1x8x128xi32, #tpu.memory_space<hbm>>
    %dma_wait3A_301 = tpu.memref_squeeze %dma_wait3A_300 : memref<1x1x8x128xi32, #tpu.memory_space<hbm>> -> memref<8x128xi32, #tpu.memory_space<hbm>>
    %dma_wait3A_302 = arith.constant 0 : i32
    %dma_wait3A_303 = arith.constant 0 : i32
    %dma_wait3A_304 = tpu.memref_slice %arg3[%arg0, %arg1, %dma_wait3A_302, %dma_wait3A_303] : memref<2x16x160x128xi32, #tpu.memory_space<hbm>> -> memref<1x1x8x128xi32, #tpu.memory_space<hbm>>
    %dma_wait3A_305 = tpu.memref_squeeze %dma_wait3A_304 : memref<1x1x8x128xi32, #tpu.memory_space<hbm>> -> memref<8x128xi32, #tpu.memory_space<hbm>>
    tpu.wait_dma2 semaphore(%arg16 : memref<!tpu.dma_semaphore, #tpu.memory_space<semaphore_mem>>) src(%dma_wait3A_305 : memref<8x128xi32, #tpu.memory_space<hbm>>) dst(%arg8 : memref<8x128xi32, #tpu.memory_space<vmem>>)
    %dma_wait3A_306 = arith.constant 0 : i32
    %dma_wait3A_307 = arith.constant 0 : i32
    %dma_wait3A_308 = tpu.memref_slice %arg4[%arg0, %arg1, %dma_wait3A_306, %dma_wait3A_307] : memref<2x16x160x128xi32, #tpu.memory_space<hbm>> -> memref<1x1x8x128xi32, #tpu.memory_space<hbm>>
    %dma_wait3A_309 = tpu.memref_squeeze %dma_wait3A_308 : memref<1x1x8x128xi32, #tpu.memory_space<hbm>> -> memref<8x128xi32, #tpu.memory_space<hbm>>
    %dma_wait3A_310 = arith.constant 0 : i32
    %dma_wait3A_311 = arith.constant 0 : i32
    %dma_wait3A_312 = tpu.memref_slice %arg4[%arg0, %arg1, %dma_wait3A_310, %dma_wait3A_311] : memref<2x16x160x128xi32, #tpu.memory_space<hbm>> -> memref<1x1x8x128xi32, #tpu.memory_space<hbm>>
    %dma_wait3A_313 = tpu.memref_squeeze %dma_wait3A_312 : memref<1x1x8x128xi32, #tpu.memory_space<hbm>> -> memref<8x128xi32, #tpu.memory_space<hbm>>
    tpu.wait_dma2 semaphore(%arg16 : memref<!tpu.dma_semaphore, #tpu.memory_space<semaphore_mem>>) src(%dma_wait3A_313 : memref<8x128xi32, #tpu.memory_space<hbm>>) dst(%arg10 : memref<8x128xi32, #tpu.memory_space<vmem>>)
    %dma_wait3A_314 = arith.constant 6 : i32
    %dma_wait3A_315 = arith.constant 0 : i32
    %dma_wait3A_316 = tpu.memref_slice %arg9[%dma_wait3A_314, %dma_wait3A_315] : memref<8x128xi32, #tpu.memory_space<vmem>> -> memref<1x128xi32, #tpu.memory_space<vmem>>
    %dma_wait3A_317 = tpu.memref_squeeze %dma_wait3A_316 : memref<1x128xi32, #tpu.memory_space<vmem>> -> memref<128xi32, #tpu.memory_space<vmem>>
    %dma_wait3A_318 = arith.constant 0 : i32
    %dma_wait3A_319 = arith.constant 0 : i32
    %dma_wait3A_320 = tpu.memref_slice %arg2[%dma_wait3A_318, %dma_wait3A_319] : memref<20480x128xf32, #tpu.memory_space<hbm>> -> memref<20480x128xf32, #tpu.memory_space<hbm>>
    tpu.wait_indirect_dma semaphore(%arg14 : memref<!tpu.dma_semaphore, #tpu.memory_space<semaphore_mem>>) src(%dma_wait3A_320 : memref<20480x128xf32, #tpu.memory_space<hbm>>) dst(%arg12 : memref<128x128xf32, #tpu.memory_space<vmem>>)
    %run_scoped3A_321 = arith.constant 6 : i32
    "tpu.region"() ({
      %run_scoped3A_360 = tpu.sem_alloc : memref<!tpu.dma_semaphore, #tpu.memory_space<semaphore_mem>>
      %dma_start3A_361 = arith.constant 0 : i32
      %dma_start3A_362 = tpu.memref_slice %arg11[%run_scoped3A_321, %dma_start3A_361] : memref<8x128xi32, #tpu.memory_space<vmem>> -> memref<1x128xi32, #tpu.memory_space<vmem>>
      %dma_start3A_363 = tpu.memref_squeeze %dma_start3A_362 : memref<1x128xi32, #tpu.memory_space<vmem>> -> memref<128xi32, #tpu.memory_space<vmem>>
      %dma_start3A_364 = arith.constant 0 : i32
      %dma_start3A_365 = arith.constant 0 : i32
      %dma_start3A_366 = tpu.memref_slice %arg18[%dma_start3A_364, %dma_start3A_365] : memref<10000x128xf32, #tpu.memory_space<vmem_shared>> -> memref<10000x128xf32, #tpu.memory_space<vmem_shared>>
      tpu.enqueue_indirect_dma source(%arg12 : memref<128x128xf32, #tpu.memory_space<vmem>>) target(%dma_start3A_366 : memref<10000x128xf32, #tpu.memory_space<vmem_shared>>) offsets(%dma_start3A_363 : memref<128xi32, #tpu.memory_space<vmem>>) semaphore(%run_scoped3A_360 : memref<!tpu.dma_semaphore, #tpu.memory_space<semaphore_mem>>) {add = true}
      %dma_wait3A_367 = arith.constant 0 : i32
      %dma_wait3A_368 = tpu.memref_slice %arg11[%run_scoped3A_321, %dma_wait3A_367] : memref<8x128xi32, #tpu.memory_space<vmem>> -> memref<1x128xi32, #tpu.memory_space<vmem>>
      %dma_wait3A_369 = tpu.memref_squeeze %dma_wait3A_368 : memref<1x128xi32, #tpu.memory_space<vmem>> -> memref<128xi32, #tpu.memory_space<vmem>>
      %dma_wait3A_370 = arith.constant 0 : i32
      %dma_wait3A_371 = arith.constant 0 : i32
      %dma_wait3A_372 = tpu.memref_slice %arg18[%dma_wait3A_370, %dma_wait3A_371] : memref<10000x128xf32, #tpu.memory_space<vmem_shared>> -> memref<10000x128xf32, #tpu.memory_space<vmem_shared>>
      tpu.wait_indirect_dma semaphore(%run_scoped3A_360 : memref<!tpu.dma_semaphore, #tpu.memory_space<semaphore_mem>>) src(%arg12 : memref<128x128xf32, #tpu.memory_space<vmem>>) dst(%dma_wait3A_372 : memref<10000x128xf32, #tpu.memory_space<vmem_shared>>)
      tpu.yield
    }) : () -> ()
    %dma_start3A_322 = arith.constant 0 : i32
    %dma_start3A_323 = arith.constant 0 : i32
    %dma_start3A_324 = tpu.memref_slice %arg8[%dma_start3A_322, %dma_start3A_323] : memref<8x128xi32, #tpu.memory_space<vmem>> -> memref<1x128xi32, #tpu.memory_space<vmem>>
    %dma_start3A_325 = tpu.memref_squeeze %dma_start3A_324 : memref<1x128xi32, #tpu.memory_space<vmem>> -> memref<128xi32, #tpu.memory_space<vmem>>
    %dma_start3A_326 = arith.constant 0 : i32
    %dma_start3A_327 = arith.constant 0 : i32
    %dma_start3A_328 = tpu.memref_slice %arg2[%dma_start3A_326, %dma_start3A_327] : memref<20480x128xf32, #tpu.memory_space<hbm>> -> memref<20480x128xf32, #tpu.memory_space<hbm>>
    tpu.enqueue_indirect_dma source(%dma_start3A_328 : memref<20480x128xf32, #tpu.memory_space<hbm>>) target(%arg12 : memref<128x128xf32, #tpu.memory_space<vmem>>) offsets(%dma_start3A_325 : memref<128xi32, #tpu.memory_space<vmem>>) semaphore(%arg14 : memref<!tpu.dma_semaphore, #tpu.memory_space<semaphore_mem>>)
    %dma_wait3A_329 = arith.constant 7 : i32
    %dma_wait3A_330 = arith.constant 0 : i32
    %dma_wait3A_331 = tpu.memref_slice %arg9[%dma_wait3A_329, %dma_wait3A_330] : memref<8x128xi32, #tpu.memory_space<vmem>> -> memref<1x128xi32, #tpu.memory_space<vmem>>
    %dma_wait3A_332 = tpu.memref_squeeze %dma_wait3A_331 : memref<1x128xi32, #tpu.memory_space<vmem>> -> memref<128xi32, #tpu.memory_space<vmem>>
    %dma_wait3A_333 = arith.constant 0 : i32
    %dma_wait3A_334 = arith.constant 0 : i32
    %dma_wait3A_335 = tpu.memref_slice %arg2[%dma_wait3A_333, %dma_wait3A_334] : memref<20480x128xf32, #tpu.memory_space<hbm>> -> memref<20480x128xf32, #tpu.memory_space<hbm>>
    tpu.wait_indirect_dma semaphore(%arg15 : memref<!tpu.dma_semaphore, #tpu.memory_space<semaphore_mem>>) src(%dma_wait3A_335 : memref<20480x128xf32, #tpu.memory_space<hbm>>) dst(%arg13 : memref<128x128xf32, #tpu.memory_space<vmem>>)
    %run_scoped3A_336 = arith.constant 7 : i32
    "tpu.region"() ({
      %run_scoped3A_360 = tpu.sem_alloc : memref<!tpu.dma_semaphore, #tpu.memory_space<semaphore_mem>>
      %dma_start3A_361 = arith.constant 0 : i32
      %dma_start3A_362 = tpu.memref_slice %arg11[%run_scoped3A_336, %dma_start3A_361] : memref<8x128xi32, #tpu.memory_space<vmem>> -> memref<1x128xi32, #tpu.memory_space<vmem>>
      %dma_start3A_363 = tpu.memref_squeeze %dma_start3A_362 : memref<1x128xi32, #tpu.memory_space<vmem>> -> memref<128xi32, #tpu.memory_space<vmem>>
      %dma_start3A_364 = arith.constant 0 : i32
      %dma_start3A_365 = arith.constant 0 : i32
      %dma_start3A_366 = tpu.memref_slice %arg18[%dma_start3A_364, %dma_start3A_365] : memref<10000x128xf32, #tpu.memory_space<vmem_shared>> -> memref<10000x128xf32, #tpu.memory_space<vmem_shared>>
      tpu.enqueue_indirect_dma source(%arg13 : memref<128x128xf32, #tpu.memory_space<vmem>>) target(%dma_start3A_366 : memref<10000x128xf32, #tpu.memory_space<vmem_shared>>) offsets(%dma_start3A_363 : memref<128xi32, #tpu.memory_space<vmem>>) semaphore(%run_scoped3A_360 : memref<!tpu.dma_semaphore, #tpu.memory_space<semaphore_mem>>) {add = true}
      %dma_wait3A_367 = arith.constant 0 : i32
      %dma_wait3A_368 = tpu.memref_slice %arg11[%run_scoped3A_336, %dma_wait3A_367] : memref<8x128xi32, #tpu.memory_space<vmem>> -> memref<1x128xi32, #tpu.memory_space<vmem>>
      %dma_wait3A_369 = tpu.memref_squeeze %dma_wait3A_368 : memref<1x128xi32, #tpu.memory_space<vmem>> -> memref<128xi32, #tpu.memory_space<vmem>>
      %dma_wait3A_370 = arith.constant 0 : i32
      %dma_wait3A_371 = arith.constant 0 : i32
      %dma_wait3A_372 = tpu.memref_slice %arg18[%dma_wait3A_370, %dma_wait3A_371] : memref<10000x128xf32, #tpu.memory_space<vmem_shared>> -> memref<10000x128xf32, #tpu.memory_space<vmem_shared>>
      tpu.wait_indirect_dma semaphore(%run_scoped3A_360 : memref<!tpu.dma_semaphore, #tpu.memory_space<semaphore_mem>>) src(%arg13 : memref<128x128xf32, #tpu.memory_space<vmem>>) dst(%dma_wait3A_372 : memref<10000x128xf32, #tpu.memory_space<vmem_shared>>)
      tpu.yield
    }) : () -> ()
    %dma_start3A_337 = arith.constant 1 : i32
    %dma_start3A_338 = arith.constant 0 : i32
    %dma_start3A_339 = tpu.memref_slice %arg8[%dma_start3A_337, %dma_start3A_338] : memref<8x128xi32, #tpu.memory_space<vmem>> -> memref<1x128xi32, #tpu.memory_space<vmem>>
    %dma_start3A_340 = tpu.memref_squeeze %dma_start3A_339 : memref<1x128xi32, #tpu.memory_space<vmem>> -> memref<128xi32, #tpu.memory_space<vmem>>
    %dma_start3A_341 = arith.constant 0 : i32
    %dma_start3A_342 = arith.constant 0 : i32
    %dma_start3A_343 = tpu.memref_slice %arg2[%dma_start3A_341, %dma_start3A_342] : memref<20480x128xf32, #tpu.memory_space<hbm>> -> memref<20480x128xf32, #tpu.memory_space<hbm>>
    tpu.enqueue_indirect_dma source(%dma_start3A_343 : memref<20480x128xf32, #tpu.memory_space<hbm>>) target(%arg13 : memref<128x128xf32, #tpu.memory_space<vmem>>) offsets(%dma_start3A_340 : memref<128xi32, #tpu.memory_space<vmem>>) semaphore(%arg15 : memref<!tpu.dma_semaphore, #tpu.memory_space<semaphore_mem>>)
    %scan3A = arith.constant 0 : i32
    %scan3A_344 = arith.constant 1 : i32
    %scan3A_345 = arith.constant 9 : i32
    %scan3A_346 = arith.addi %scan3A_344, %scan3A_345 : i32
    %scan3A_347 = arith.constant 1 : i32
    scf.for %scan3A_360 = %scan3A_344 to %scan3A_346 step %scan3A_347  : i32 {
      %lt3A = arith.constant 9 : i32
      %lt3A_361 = arith.cmpi slt, %scan3A_360, %lt3A : i32
      %dma_wait3A_362 = arith.constant 0 : i32
      %dma_wait3A_363 = arith.constant 0 : i32
      %dma_wait3A_364 = tpu.memref_slice %arg8[%dma_wait3A_362, %dma_wait3A_363] : memref<8x128xi32, #tpu.memory_space<vmem>> -> memref<1x128xi32, #tpu.memory_space<vmem>>
      %dma_wait3A_365 = tpu.memref_squeeze %dma_wait3A_364 : memref<1x128xi32, #tpu.memory_space<vmem>> -> memref<128xi32, #tpu.memory_space<vmem>>
      %dma_wait3A_366 = arith.constant 0 : i32
      %dma_wait3A_367 = arith.constant 0 : i32
      %dma_wait3A_368 = tpu.memref_slice %arg2[%dma_wait3A_366, %dma_wait3A_367] : memref<20480x128xf32, #tpu.memory_space<hbm>> -> memref<20480x128xf32, #tpu.memory_space<hbm>>
      tpu.wait_indirect_dma semaphore(%arg14 : memref<!tpu.dma_semaphore, #tpu.memory_space<semaphore_mem>>) src(%dma_wait3A_368 : memref<20480x128xf32, #tpu.memory_space<hbm>>) dst(%arg12 : memref<128x128xf32, #tpu.memory_space<vmem>>)
      %run_scoped3A_369 = arith.constant 0 : i32
      "tpu.region"() ({
        %run_scoped3A_634 = tpu.sem_alloc : memref<!tpu.dma_semaphore, #tpu.memory_space<semaphore_mem>>
        %dma_start3A_635 = arith.constant 0 : i32
        %dma_start3A_636 = tpu.memref_slice %arg10[%run_scoped3A_369, %dma_start3A_635] : memref<8x128xi32, #tpu.memory_space<vmem>> -> memref<1x128xi32, #tpu.memory_space<vmem>>
        %dma_start3A_637 = tpu.memref_squeeze %dma_start3A_636 : memref<1x128xi32, #tpu.memory_space<vmem>> -> memref<128xi32, #tpu.memory_space<vmem>>
        %dma_start3A_638 = arith.constant 0 : i32
        %dma_start3A_639 = arith.constant 0 : i32
        %dma_start3A_640 = tpu.memref_slice %arg18[%dma_start3A_638, %dma_start3A_639] : memref<10000x128xf32, #tpu.memory_space<vmem_shared>> -> memref<10000x128xf32, #tpu.memory_space<vmem_shared>>
        tpu.enqueue_indirect_dma source(%arg12 : memref<128x128xf32, #tpu.memory_space<vmem>>) target(%dma_start3A_640 : memref<10000x128xf32, #tpu.memory_space<vmem_shared>>) offsets(%dma_start3A_637 : memref<128xi32, #tpu.memory_space<vmem>>) semaphore(%run_scoped3A_634 : memref<!tpu.dma_semaphore, #tpu.memory_space<semaphore_mem>>) {add = true}
        %dma_wait3A_641 = arith.constant 0 : i32
        %dma_wait3A_642 = tpu.memref_slice %arg10[%run_scoped3A_369, %dma_wait3A_641] : memref<8x128xi32, #tpu.memory_space<vmem>> -> memref<1x128xi32, #tpu.memory_space<vmem>>
        %dma_wait3A_643 = tpu.memref_squeeze %dma_wait3A_642 : memref<1x128xi32, #tpu.memory_space<vmem>> -> memref<128xi32, #tpu.memory_space<vmem>>
        %dma_wait3A_644 = arith.constant 0 : i32
        %dma_wait3A_645 = arith.constant 0 : i32
        %dma_wait3A_646 = tpu.memref_slice %arg18[%dma_wait3A_644, %dma_wait3A_645] : memref<10000x128xf32, #tpu.memory_space<vmem_shared>> -> memref<10000x128xf32, #tpu.memory_space<vmem_shared>>
        tpu.wait_indirect_dma semaphore(%run_scoped3A_634 : memref<!tpu.dma_semaphore, #tpu.memory_space<semaphore_mem>>) src(%arg12 : memref<128x128xf32, #tpu.memory_space<vmem>>) dst(%dma_wait3A_646 : memref<10000x128xf32, #tpu.memory_space<vmem_shared>>)
        tpu.yield
      }) : () -> ()
      %dma_start3A_370 = arith.constant 2 : i32
      %dma_start3A_371 = arith.constant 0 : i32
      %dma_start3A_372 = tpu.memref_slice %arg8[%dma_start3A_370, %dma_start3A_371] : memref<8x128xi32, #tpu.memory_space<vmem>> -> memref<1x128xi32, #tpu.memory_space<vmem>>
      %dma_start3A_373 = tpu.memref_squeeze %dma_start3A_372 : memref<1x128xi32, #tpu.memory_space<vmem>> -> memref<128xi32, #tpu.memory_space<vmem>>
      %dma_start3A_374 = arith.constant 0 : i32
      %dma_start3A_375 = arith.constant 0 : i32
      %dma_start3A_376 = tpu.memref_slice %arg2[%dma_start3A_374, %dma_start3A_375] : memref<20480x128xf32, #tpu.memory_space<hbm>> -> memref<20480x128xf32, #tpu.memory_space<hbm>>
      tpu.enqueue_indirect_dma source(%dma_start3A_376 : memref<20480x128xf32, #tpu.memory_space<hbm>>) target(%arg12 : memref<128x128xf32, #tpu.memory_space<vmem>>) offsets(%dma_start3A_373 : memref<128xi32, #tpu.memory_space<vmem>>) semaphore(%arg14 : memref<!tpu.dma_semaphore, #tpu.memory_space<semaphore_mem>>)
      %dma_wait3A_377 = arith.constant 1 : i32
      %dma_wait3A_378 = arith.constant 0 : i32
      %dma_wait3A_379 = tpu.memref_slice %arg8[%dma_wait3A_377, %dma_wait3A_378] : memref<8x128xi32, #tpu.memory_space<vmem>> -> memref<1x128xi32, #tpu.memory_space<vmem>>
      %dma_wait3A_380 = tpu.memref_squeeze %dma_wait3A_379 : memref<1x128xi32, #tpu.memory_space<vmem>> -> memref<128xi32, #tpu.memory_space<vmem>>
      %dma_wait3A_381 = arith.constant 0 : i32
      %dma_wait3A_382 = arith.constant 0 : i32
      %dma_wait3A_383 = tpu.memref_slice %arg2[%dma_wait3A_381, %dma_wait3A_382] : memref<20480x128xf32, #tpu.memory_space<hbm>> -> memref<20480x128xf32, #tpu.memory_space<hbm>>
      tpu.wait_indirect_dma semaphore(%arg15 : memref<!tpu.dma_semaphore, #tpu.memory_space<semaphore_mem>>) src(%dma_wait3A_383 : memref<20480x128xf32, #tpu.memory_space<hbm>>) dst(%arg13 : memref<128x128xf32, #tpu.memory_space<vmem>>)
      %run_scoped3A_384 = arith.constant 1 : i32
      "tpu.region"() ({
        %run_scoped3A_634 = tpu.sem_alloc : memref<!tpu.dma_semaphore, #tpu.memory_space<semaphore_mem>>
        %dma_start3A_635 = arith.constant 0 : i32
        %dma_start3A_636 = tpu.memref_slice %arg10[%run_scoped3A_384, %dma_start3A_635] : memref<8x128xi32, #tpu.memory_space<vmem>> -> memref<1x128xi32, #tpu.memory_space<vmem>>
        %dma_start3A_637 = tpu.memref_squeeze %dma_start3A_636 : memref<1x128xi32, #tpu.memory_space<vmem>> -> memref<128xi32, #tpu.memory_space<vmem>>
        %dma_start3A_638 = arith.constant 0 : i32
        %dma_start3A_639 = arith.constant 0 : i32
        %dma_start3A_640 = tpu.memref_slice %arg18[%dma_start3A_638, %dma_start3A_639] : memref<10000x128xf32, #tpu.memory_space<vmem_shared>> -> memref<10000x128xf32, #tpu.memory_space<vmem_shared>>
        tpu.enqueue_indirect_dma source(%arg13 : memref<128x128xf32, #tpu.memory_space<vmem>>) target(%dma_start3A_640 : memref<10000x128xf32, #tpu.memory_space<vmem_shared>>) offsets(%dma_start3A_637 : memref<128xi32, #tpu.memory_space<vmem>>) semaphore(%run_scoped3A_634 : memref<!tpu.dma_semaphore, #tpu.memory_space<semaphore_mem>>) {add = true}
        %dma_wait3A_641 = arith.constant 0 : i32
        %dma_wait3A_642 = tpu.memref_slice %arg10[%run_scoped3A_384, %dma_wait3A_641] : memref<8x128xi32, #tpu.memory_space<vmem>> -> memref<1x128xi32, #tpu.memory_space<vmem>>
        %dma_wait3A_643 = tpu.memref_squeeze %dma_wait3A_642 : memref<1x128xi32, #tpu.memory_space<vmem>> -> memref<128xi32, #tpu.memory_space<vmem>>
        %dma_wait3A_644 = arith.constant 0 : i32
        %dma_wait3A_645 = arith.constant 0 : i32
        %dma_wait3A_646 = tpu.memref_slice %arg18[%dma_wait3A_644, %dma_wait3A_645] : memref<10000x128xf32, #tpu.memory_space<vmem_shared>> -> memref<10000x128xf32, #tpu.memory_space<vmem_shared>>
        tpu.wait_indirect_dma semaphore(%run_scoped3A_634 : memref<!tpu.dma_semaphore, #tpu.memory_space<semaphore_mem>>) src(%arg13 : memref<128x128xf32, #tpu.memory_space<vmem>>) dst(%dma_wait3A_646 : memref<10000x128xf32, #tpu.memory_space<vmem_shared>>)
        tpu.yield
      }) : () -> ()
      %dma_start3A_385 = arith.constant 3 : i32
      %dma_start3A_386 = arith.constant 0 : i32
      %dma_start3A_387 = tpu.memref_slice %arg8[%dma_start3A_385, %dma_start3A_386] : memref<8x128xi32, #tpu.memory_space<vmem>> -> memref<1x128xi32, #tpu.memory_space<vmem>>
      %dma_start3A_388 = tpu.memref_squeeze %dma_start3A_387 : memref<1x128xi32, #tpu.memory_space<vmem>> -> memref<128xi32, #tpu.memory_space<vmem>>
      %dma_start3A_389 = arith.constant 0 : i32
      %dma_start3A_390 = arith.constant 0 : i32
      %dma_start3A_391 = tpu.memref_slice %arg2[%dma_start3A_389, %dma_start3A_390] : memref<20480x128xf32, #tpu.memory_space<hbm>> -> memref<20480x128xf32, #tpu.memory_space<hbm>>
      tpu.enqueue_indirect_dma source(%dma_start3A_391 : memref<20480x128xf32, #tpu.memory_space<hbm>>) target(%arg13 : memref<128x128xf32, #tpu.memory_space<vmem>>) offsets(%dma_start3A_388 : memref<128xi32, #tpu.memory_space<vmem>>) semaphore(%arg15 : memref<!tpu.dma_semaphore, #tpu.memory_space<semaphore_mem>>)
      %mul3A_392 = arith.constant 2 : i32
      %mul3A_393 = arith.muli %mul3A_392, %scan3A_360 : i32
      %add3A = arith.constant 1 : i32
      %add3A_394 = arith.addi %mul3A_393, %add3A : i32
      %mul3A_395 = arith.constant 8 : i32
      %mul3A_396 = arith.muli %add3A_394, %mul3A_395 : i32
      %multiple_of3A_397 = tpu.assume_multiple %mul3A_396, 8 : i32
      %dma_start3A_398 = arith.constant 0 : i32
      %dma_start3A_399 = tpu.memref_slice %arg3[%arg0, %arg1, %multiple_of3A_397, %dma_start3A_398] : memref<2x16x160x128xi32, #tpu.memory_space<hbm>> -> memref<1x1x8x128xi32, #tpu.memory_space<hbm>>
      %dma_start3A_400 = tpu.memref_squeeze %dma_start3A_399 : memref<1x1x8x128xi32, #tpu.memory_space<hbm>> -> memref<8x128xi32, #tpu.memory_space<hbm>>
      %dma_start3A_401 = arith.constant 0 : i32
      %dma_start3A_402 = tpu.memref_slice %arg3[%arg0, %arg1, %multiple_of3A_397, %dma_start3A_401] : memref<2x16x160x128xi32, #tpu.memory_space<hbm>> -> memref<1x1x8x128xi32, #tpu.memory_space<hbm>>
      %dma_start3A_403 = tpu.memref_squeeze %dma_start3A_402 : memref<1x1x8x128xi32, #tpu.memory_space<hbm>> -> memref<8x128xi32, #tpu.memory_space<hbm>>
      tpu.enqueue_dma source(%dma_start3A_403 : memref<8x128xi32, #tpu.memory_space<hbm>>) target(%arg9 : memref<8x128xi32, #tpu.memory_space<vmem>>) target_semaphore(%arg17 : memref<!tpu.dma_semaphore, #tpu.memory_space<semaphore_mem>>)
      %dma_start3A_404 = arith.constant 0 : i32
      %dma_start3A_405 = tpu.memref_slice %arg4[%arg0, %arg1, %multiple_of3A_397, %dma_start3A_404] : memref<2x16x160x128xi32, #tpu.memory_space<hbm>> -> memref<1x1x8x128xi32, #tpu.memory_space<hbm>>
      %dma_start3A_406 = tpu.memref_squeeze %dma_start3A_405 : memref<1x1x8x128xi32, #tpu.memory_space<hbm>> -> memref<8x128xi32, #tpu.memory_space<hbm>>
      %dma_start3A_407 = arith.constant 0 : i32
      %dma_start3A_408 = tpu.memref_slice %arg4[%arg0, %arg1, %multiple_of3A_397, %dma_start3A_407] : memref<2x16x160x128xi32, #tpu.memory_space<hbm>> -> memref<1x1x8x128xi32, #tpu.memory_space<hbm>>
      %dma_start3A_409 = tpu.memref_squeeze %dma_start3A_408 : memref<1x1x8x128xi32, #tpu.memory_space<hbm>> -> memref<8x128xi32, #tpu.memory_space<hbm>>
      tpu.enqueue_dma source(%dma_start3A_409 : memref<8x128xi32, #tpu.memory_space<hbm>>) target(%arg11 : memref<8x128xi32, #tpu.memory_space<vmem>>) target_semaphore(%arg17 : memref<!tpu.dma_semaphore, #tpu.memory_space<semaphore_mem>>)
      %dma_wait3A_410 = arith.constant 2 : i32
      %dma_wait3A_411 = arith.constant 0 : i32
      %dma_wait3A_412 = tpu.memref_slice %arg8[%dma_wait3A_410, %dma_wait3A_411] : memref<8x128xi32, #tpu.memory_space<vmem>> -> memref<1x128xi32, #tpu.memory_space<vmem>>
      %dma_wait3A_413 = tpu.memref_squeeze %dma_wait3A_412 : memref<1x128xi32, #tpu.memory_space<vmem>> -> memref<128xi32, #tpu.memory_space<vmem>>
      %dma_wait3A_414 = arith.constant 0 : i32
      %dma_wait3A_415 = arith.constant 0 : i32
      %dma_wait3A_416 = tpu.memref_slice %arg2[%dma_wait3A_414, %dma_wait3A_415] : memref<20480x128xf32, #tpu.memory_space<hbm>> -> memref<20480x128xf32, #tpu.memory_space<hbm>>
      tpu.wait_indirect_dma semaphore(%arg14 : memref<!tpu.dma_semaphore, #tpu.memory_space<semaphore_mem>>) src(%dma_wait3A_416 : memref<20480x128xf32, #tpu.memory_space<hbm>>) dst(%arg12 : memref<128x128xf32, #tpu.memory_space<vmem>>)
      %run_scoped3A_417 = arith.constant 2 : i32
      "tpu.region"() ({
        %run_scoped3A_634 = tpu.sem_alloc : memref<!tpu.dma_semaphore, #tpu.memory_space<semaphore_mem>>
        %dma_start3A_635 = arith.constant 0 : i32
        %dma_start3A_636 = tpu.memref_slice %arg10[%run_scoped3A_417, %dma_start3A_635] : memref<8x128xi32, #tpu.memory_space<vmem>> -> memref<1x128xi32, #tpu.memory_space<vmem>>
        %dma_start3A_637 = tpu.memref_squeeze %dma_start3A_636 : memref<1x128xi32, #tpu.memory_space<vmem>> -> memref<128xi32, #tpu.memory_space<vmem>>
        %dma_start3A_638 = arith.constant 0 : i32
        %dma_start3A_639 = arith.constant 0 : i32
        %dma_start3A_640 = tpu.memref_slice %arg18[%dma_start3A_638, %dma_start3A_639] : memref<10000x128xf32, #tpu.memory_space<vmem_shared>> -> memref<10000x128xf32, #tpu.memory_space<vmem_shared>>
        tpu.enqueue_indirect_dma source(%arg12 : memref<128x128xf32, #tpu.memory_space<vmem>>) target(%dma_start3A_640 : memref<10000x128xf32, #tpu.memory_space<vmem_shared>>) offsets(%dma_start3A_637 : memref<128xi32, #tpu.memory_space<vmem>>) semaphore(%run_scoped3A_634 : memref<!tpu.dma_semaphore, #tpu.memory_space<semaphore_mem>>) {add = true}
        %dma_wait3A_641 = arith.constant 0 : i32
        %dma_wait3A_642 = tpu.memref_slice %arg10[%run_scoped3A_417, %dma_wait3A_641] : memref<8x128xi32, #tpu.memory_space<vmem>> -> memref<1x128xi32, #tpu.memory_space<vmem>>
        %dma_wait3A_643 = tpu.memref_squeeze %dma_wait3A_642 : memref<1x128xi32, #tpu.memory_space<vmem>> -> memref<128xi32, #tpu.memory_space<vmem>>
        %dma_wait3A_644 = arith.constant 0 : i32
        %dma_wait3A_645 = arith.constant 0 : i32
        %dma_wait3A_646 = tpu.memref_slice %arg18[%dma_wait3A_644, %dma_wait3A_645] : memref<10000x128xf32, #tpu.memory_space<vmem_shared>> -> memref<10000x128xf32, #tpu.memory_space<vmem_shared>>
        tpu.wait_indirect_dma semaphore(%run_scoped3A_634 : memref<!tpu.dma_semaphore, #tpu.memory_space<semaphore_mem>>) src(%arg12 : memref<128x128xf32, #tpu.memory_space<vmem>>) dst(%dma_wait3A_646 : memref<10000x128xf32, #tpu.memory_space<vmem_shared>>)
        tpu.yield
      }) : () -> ()
      %dma_start3A_418 = arith.constant 4 : i32
      %dma_start3A_419 = arith.constant 0 : i32
      %dma_start3A_420 = tpu.memref_slice %arg8[%dma_start3A_418, %dma_start3A_419] : memref<8x128xi32, #tpu.memory_space<vmem>> -> memref<1x128xi32, #tpu.memory_space<vmem>>
      %dma_start3A_421 = tpu.memref_squeeze %dma_start3A_420 : memref<1x128xi32, #tpu.memory_space<vmem>> -> memref<128xi32, #tpu.memory_space<vmem>>
      %dma_start3A_422 = arith.constant 0 : i32
      %dma_start3A_423 = arith.constant 0 : i32
      %dma_start3A_424 = tpu.memref_slice %arg2[%dma_start3A_422, %dma_start3A_423] : memref<20480x128xf32, #tpu.memory_space<hbm>> -> memref<20480x128xf32, #tpu.memory_space<hbm>>
      tpu.enqueue_indirect_dma source(%dma_start3A_424 : memref<20480x128xf32, #tpu.memory_space<hbm>>) target(%arg12 : memref<128x128xf32, #tpu.memory_space<vmem>>) offsets(%dma_start3A_421 : memref<128xi32, #tpu.memory_space<vmem>>) semaphore(%arg14 : memref<!tpu.dma_semaphore, #tpu.memory_space<semaphore_mem>>)
      %dma_wait3A_425 = arith.constant 3 : i32
      %dma_wait3A_426 = arith.constant 0 : i32
      %dma_wait3A_427 = tpu.memref_slice %arg8[%dma_wait3A_425, %dma_wait3A_426] : memref<8x128xi32, #tpu.memory_space<vmem>> -> memref<1x128xi32, #tpu.memory_space<vmem>>
      %dma_wait3A_428 = tpu.memref_squeeze %dma_wait3A_427 : memref<1x128xi32, #tpu.memory_space<vmem>> -> memref<128xi32, #tpu.memory_space<vmem>>
      %dma_wait3A_429 = arith.constant 0 : i32
      %dma_wait3A_430 = arith.constant 0 : i32
      %dma_wait3A_431 = tpu.memref_slice %arg2[%dma_wait3A_429, %dma_wait3A_430] : memref<20480x128xf32, #tpu.memory_space<hbm>> -> memref<20480x128xf32, #tpu.memory_space<hbm>>
      tpu.wait_indirect_dma semaphore(%arg15 : memref<!tpu.dma_semaphore, #tpu.memory_space<semaphore_mem>>) src(%dma_wait3A_431 : memref<20480x128xf32, #tpu.memory_space<hbm>>) dst(%arg13 : memref<128x128xf32, #tpu.memory_space<vmem>>)
      %run_scoped3A_432 = arith.constant 3 : i32
      "tpu.region"() ({
        %run_scoped3A_634 = tpu.sem_alloc : memref<!tpu.dma_semaphore, #tpu.memory_space<semaphore_mem>>
        %dma_start3A_635 = arith.constant 0 : i32
        %dma_start3A_636 = tpu.memref_slice %arg10[%run_scoped3A_432, %dma_start3A_635] : memref<8x128xi32, #tpu.memory_space<vmem>> -> memref<1x128xi32, #tpu.memory_space<vmem>>
        %dma_start3A_637 = tpu.memref_squeeze %dma_start3A_636 : memref<1x128xi32, #tpu.memory_space<vmem>> -> memref<128xi32, #tpu.memory_space<vmem>>
        %dma_start3A_638 = arith.constant 0 : i32
        %dma_start3A_639 = arith.constant 0 : i32
        %dma_start3A_640 = tpu.memref_slice %arg18[%dma_start3A_638, %dma_start3A_639] : memref<10000x128xf32, #tpu.memory_space<vmem_shared>> -> memref<10000x128xf32, #tpu.memory_space<vmem_shared>>
        tpu.enqueue_indirect_dma source(%arg13 : memref<128x128xf32, #tpu.memory_space<vmem>>) target(%dma_start3A_640 : memref<10000x128xf32, #tpu.memory_space<vmem_shared>>) offsets(%dma_start3A_637 : memref<128xi32, #tpu.memory_space<vmem>>) semaphore(%run_scoped3A_634 : memref<!tpu.dma_semaphore, #tpu.memory_space<semaphore_mem>>) {add = true}
        %dma_wait3A_641 = arith.constant 0 : i32
        %dma_wait3A_642 = tpu.memref_slice %arg10[%run_scoped3A_432, %dma_wait3A_641] : memref<8x128xi32, #tpu.memory_space<vmem>> -> memref<1x128xi32, #tpu.memory_space<vmem>>
        %dma_wait3A_643 = tpu.memref_squeeze %dma_wait3A_642 : memref<1x128xi32, #tpu.memory_space<vmem>> -> memref<128xi32, #tpu.memory_space<vmem>>
        %dma_wait3A_644 = arith.constant 0 : i32
        %dma_wait3A_645 = arith.constant 0 : i32
        %dma_wait3A_646 = tpu.memref_slice %arg18[%dma_wait3A_644, %dma_wait3A_645] : memref<10000x128xf32, #tpu.memory_space<vmem_shared>> -> memref<10000x128xf32, #tpu.memory_space<vmem_shared>>
        tpu.wait_indirect_dma semaphore(%run_scoped3A_634 : memref<!tpu.dma_semaphore, #tpu.memory_space<semaphore_mem>>) src(%arg13 : memref<128x128xf32, #tpu.memory_space<vmem>>) dst(%dma_wait3A_646 : memref<10000x128xf32, #tpu.memory_space<vmem_shared>>)
        tpu.yield
      }) : () -> ()
      %dma_start3A_433 = arith.constant 5 : i32
      %dma_start3A_434 = arith.constant 0 : i32
      %dma_start3A_435 = tpu.memref_slice %arg8[%dma_start3A_433, %dma_start3A_434] : memref<8x128xi32, #tpu.memory_space<vmem>> -> memref<1x128xi32, #tpu.memory_space<vmem>>
      %dma_start3A_436 = tpu.memref_squeeze %dma_start3A_435 : memref<1x128xi32, #tpu.memory_space<vmem>> -> memref<128xi32, #tpu.memory_space<vmem>>
      %dma_start3A_437 = arith.constant 0 : i32
      %dma_start3A_438 = arith.constant 0 : i32
      %dma_start3A_439 = tpu.memref_slice %arg2[%dma_start3A_437, %dma_start3A_438] : memref<20480x128xf32, #tpu.memory_space<hbm>> -> memref<20480x128xf32, #tpu.memory_space<hbm>>
      tpu.enqueue_indirect_dma source(%dma_start3A_439 : memref<20480x128xf32, #tpu.memory_space<hbm>>) target(%arg13 : memref<128x128xf32, #tpu.memory_space<vmem>>) offsets(%dma_start3A_436 : memref<128xi32, #tpu.memory_space<vmem>>) semaphore(%arg15 : memref<!tpu.dma_semaphore, #tpu.memory_space<semaphore_mem>>)
      %dma_wait3A_440 = arith.constant 4 : i32
      %dma_wait3A_441 = arith.constant 0 : i32
      %dma_wait3A_442 = tpu.memref_slice %arg8[%dma_wait3A_440, %dma_wait3A_441] : memref<8x128xi32, #tpu.memory_space<vmem>> -> memref<1x128xi32, #tpu.memory_space<vmem>>
      %dma_wait3A_443 = tpu.memref_squeeze %dma_wait3A_442 : memref<1x128xi32, #tpu.memory_space<vmem>> -> memref<128xi32, #tpu.memory_space<vmem>>
      %dma_wait3A_444 = arith.constant 0 : i32
      %dma_wait3A_445 = arith.constant 0 : i32
      %dma_wait3A_446 = tpu.memref_slice %arg2[%dma_wait3A_444, %dma_wait3A_445] : memref<20480x128xf32, #tpu.memory_space<hbm>> -> memref<20480x128xf32, #tpu.memory_space<hbm>>
      tpu.wait_indirect_dma semaphore(%arg14 : memref<!tpu.dma_semaphore, #tpu.memory_space<semaphore_mem>>) src(%dma_wait3A_446 : memref<20480x128xf32, #tpu.memory_space<hbm>>) dst(%arg12 : memref<128x128xf32, #tpu.memory_space<vmem>>)
      %run_scoped3A_447 = arith.constant 4 : i32
      "tpu.region"() ({
        %run_scoped3A_634 = tpu.sem_alloc : memref<!tpu.dma_semaphore, #tpu.memory_space<semaphore_mem>>
        %dma_start3A_635 = arith.constant 0 : i32
        %dma_start3A_636 = tpu.memref_slice %arg10[%run_scoped3A_447, %dma_start3A_635] : memref<8x128xi32, #tpu.memory_space<vmem>> -> memref<1x128xi32, #tpu.memory_space<vmem>>
        %dma_start3A_637 = tpu.memref_squeeze %dma_start3A_636 : memref<1x128xi32, #tpu.memory_space<vmem>> -> memref<128xi32, #tpu.memory_space<vmem>>
        %dma_start3A_638 = arith.constant 0 : i32
        %dma_start3A_639 = arith.constant 0 : i32
        %dma_start3A_640 = tpu.memref_slice %arg18[%dma_start3A_638, %dma_start3A_639] : memref<10000x128xf32, #tpu.memory_space<vmem_shared>> -> memref<10000x128xf32, #tpu.memory_space<vmem_shared>>
        tpu.enqueue_indirect_dma source(%arg12 : memref<128x128xf32, #tpu.memory_space<vmem>>) target(%dma_start3A_640 : memref<10000x128xf32, #tpu.memory_space<vmem_shared>>) offsets(%dma_start3A_637 : memref<128xi32, #tpu.memory_space<vmem>>) semaphore(%run_scoped3A_634 : memref<!tpu.dma_semaphore, #tpu.memory_space<semaphore_mem>>) {add = true}
        %dma_wait3A_641 = arith.constant 0 : i32
        %dma_wait3A_642 = tpu.memref_slice %arg10[%run_scoped3A_447, %dma_wait3A_641] : memref<8x128xi32, #tpu.memory_space<vmem>> -> memref<1x128xi32, #tpu.memory_space<vmem>>
        %dma_wait3A_643 = tpu.memref_squeeze %dma_wait3A_642 : memref<1x128xi32, #tpu.memory_space<vmem>> -> memref<128xi32, #tpu.memory_space<vmem>>
        %dma_wait3A_644 = arith.constant 0 : i32
        %dma_wait3A_645 = arith.constant 0 : i32
        %dma_wait3A_646 = tpu.memref_slice %arg18[%dma_wait3A_644, %dma_wait3A_645] : memref<10000x128xf32, #tpu.memory_space<vmem_shared>> -> memref<10000x128xf32, #tpu.memory_space<vmem_shared>>
        tpu.wait_indirect_dma semaphore(%run_scoped3A_634 : memref<!tpu.dma_semaphore, #tpu.memory_space<semaphore_mem>>) src(%arg12 : memref<128x128xf32, #tpu.memory_space<vmem>>) dst(%dma_wait3A_646 : memref<10000x128xf32, #tpu.memory_space<vmem_shared>>)
        tpu.yield
      }) : () -> ()
      %dma_start3A_448 = arith.constant 6 : i32
      %dma_start3A_449 = arith.constant 0 : i32
      %dma_start3A_450 = tpu.memref_slice %arg8[%dma_start3A_448, %dma_start3A_449] : memref<8x128xi32, #tpu.memory_space<vmem>> -> memref<1x128xi32, #tpu.memory_space<vmem>>
      %dma_start3A_451 = tpu.memref_squeeze %dma_start3A_450 : memref<1x128xi32, #tpu.memory_space<vmem>> -> memref<128xi32, #tpu.memory_space<vmem>>
      %dma_start3A_452 = arith.constant 0 : i32
      %dma_start3A_453 = arith.constant 0 : i32
      %dma_start3A_454 = tpu.memref_slice %arg2[%dma_start3A_452, %dma_start3A_453] : memref<20480x128xf32, #tpu.memory_space<hbm>> -> memref<20480x128xf32, #tpu.memory_space<hbm>>
      tpu.enqueue_indirect_dma source(%dma_start3A_454 : memref<20480x128xf32, #tpu.memory_space<hbm>>) target(%arg12 : memref<128x128xf32, #tpu.memory_space<vmem>>) offsets(%dma_start3A_451 : memref<128xi32, #tpu.memory_space<vmem>>) semaphore(%arg14 : memref<!tpu.dma_semaphore, #tpu.memory_space<semaphore_mem>>)
      %dma_wait3A_455 = arith.constant 5 : i32
      %dma_wait3A_456 = arith.constant 0 : i32
      %dma_wait3A_457 = tpu.memref_slice %arg8[%dma_wait3A_455, %dma_wait3A_456] : memref<8x128xi32, #tpu.memory_space<vmem>> -> memref<1x128xi32, #tpu.memory_space<vmem>>
      %dma_wait3A_458 = tpu.memref_squeeze %dma_wait3A_457 : memref<1x128xi32, #tpu.memory_space<vmem>> -> memref<128xi32, #tpu.memory_space<vmem>>
      %dma_wait3A_459 = arith.constant 0 : i32
      %dma_wait3A_460 = arith.constant 0 : i32
      %dma_wait3A_461 = tpu.memref_slice %arg2[%dma_wait3A_459, %dma_wait3A_460] : memref<20480x128xf32, #tpu.memory_space<hbm>> -> memref<20480x128xf32, #tpu.memory_space<hbm>>
      tpu.wait_indirect_dma semaphore(%arg15 : memref<!tpu.dma_semaphore, #tpu.memory_space<semaphore_mem>>) src(%dma_wait3A_461 : memref<20480x128xf32, #tpu.memory_space<hbm>>) dst(%arg13 : memref<128x128xf32, #tpu.memory_space<vmem>>)
      %run_scoped3A_462 = arith.constant 5 : i32
      "tpu.region"() ({
        %run_scoped3A_634 = tpu.sem_alloc : memref<!tpu.dma_semaphore, #tpu.memory_space<semaphore_mem>>
        %dma_start3A_635 = arith.constant 0 : i32
        %dma_start3A_636 = tpu.memref_slice %arg10[%run_scoped3A_462, %dma_start3A_635] : memref<8x128xi32, #tpu.memory_space<vmem>> -> memref<1x128xi32, #tpu.memory_space<vmem>>
        %dma_start3A_637 = tpu.memref_squeeze %dma_start3A_636 : memref<1x128xi32, #tpu.memory_space<vmem>> -> memref<128xi32, #tpu.memory_space<vmem>>
        %dma_start3A_638 = arith.constant 0 : i32
        %dma_start3A_639 = arith.constant 0 : i32
        %dma_start3A_640 = tpu.memref_slice %arg18[%dma_start3A_638, %dma_start3A_639] : memref<10000x128xf32, #tpu.memory_space<vmem_shared>> -> memref<10000x128xf32, #tpu.memory_space<vmem_shared>>
        tpu.enqueue_indirect_dma source(%arg13 : memref<128x128xf32, #tpu.memory_space<vmem>>) target(%dma_start3A_640 : memref<10000x128xf32, #tpu.memory_space<vmem_shared>>) offsets(%dma_start3A_637 : memref<128xi32, #tpu.memory_space<vmem>>) semaphore(%run_scoped3A_634 : memref<!tpu.dma_semaphore, #tpu.memory_space<semaphore_mem>>) {add = true}
        %dma_wait3A_641 = arith.constant 0 : i32
        %dma_wait3A_642 = tpu.memref_slice %arg10[%run_scoped3A_462, %dma_wait3A_641] : memref<8x128xi32, #tpu.memory_space<vmem>> -> memref<1x128xi32, #tpu.memory_space<vmem>>
        %dma_wait3A_643 = tpu.memref_squeeze %dma_wait3A_642 : memref<1x128xi32, #tpu.memory_space<vmem>> -> memref<128xi32, #tpu.memory_space<vmem>>
        %dma_wait3A_644 = arith.constant 0 : i32
        %dma_wait3A_645 = arith.constant 0 : i32
        %dma_wait3A_646 = tpu.memref_slice %arg18[%dma_wait3A_644, %dma_wait3A_645] : memref<10000x128xf32, #tpu.memory_space<vmem_shared>> -> memref<10000x128xf32, #tpu.memory_space<vmem_shared>>
        tpu.wait_indirect_dma semaphore(%run_scoped3A_634 : memref<!tpu.dma_semaphore, #tpu.memory_space<semaphore_mem>>) src(%arg13 : memref<128x128xf32, #tpu.memory_space<vmem>>) dst(%dma_wait3A_646 : memref<10000x128xf32, #tpu.memory_space<vmem_shared>>)
        tpu.yield
      }) : () -> ()
      %dma_start3A_463 = arith.constant 7 : i32
      %dma_start3A_464 = arith.constant 0 : i32
      %dma_start3A_465 = tpu.memref_slice %arg8[%dma_start3A_463, %dma_start3A_464] : memref<8x128xi32, #tpu.memory_space<vmem>> -> memref<1x128xi32, #tpu.memory_space<vmem>>
      %dma_start3A_466 = tpu.memref_squeeze %dma_start3A_465 : memref<1x128xi32, #tpu.memory_space<vmem>> -> memref<128xi32, #tpu.memory_space<vmem>>
      %dma_start3A_467 = arith.constant 0 : i32
      %dma_start3A_468 = arith.constant 0 : i32
      %dma_start3A_469 = tpu.memref_slice %arg2[%dma_start3A_467, %dma_start3A_468] : memref<20480x128xf32, #tpu.memory_space<hbm>> -> memref<20480x128xf32, #tpu.memory_space<hbm>>
      tpu.enqueue_indirect_dma source(%dma_start3A_469 : memref<20480x128xf32, #tpu.memory_space<hbm>>) target(%arg13 : memref<128x128xf32, #tpu.memory_space<vmem>>) offsets(%dma_start3A_466 : memref<128xi32, #tpu.memory_space<vmem>>) semaphore(%arg15 : memref<!tpu.dma_semaphore, #tpu.memory_space<semaphore_mem>>)
      %dma_wait3A_470 = arith.constant 0 : i32
      %dma_wait3A_471 = arith.constant 0 : i32
      %dma_wait3A_472 = tpu.memref_slice %arg3[%arg0, %arg1, %dma_wait3A_470, %dma_wait3A_471] : memref<2x16x160x128xi32, #tpu.memory_space<hbm>> -> memref<1x1x8x128xi32, #tpu.memory_space<hbm>>
      %dma_wait3A_473 = tpu.memref_squeeze %dma_wait3A_472 : memref<1x1x8x128xi32, #tpu.memory_space<hbm>> -> memref<8x128xi32, #tpu.memory_space<hbm>>
      %dma_wait3A_474 = arith.constant 0 : i32
      %dma_wait3A_475 = arith.constant 0 : i32
      %dma_wait3A_476 = tpu.memref_slice %arg3[%arg0, %arg1, %dma_wait3A_474, %dma_wait3A_475] : memref<2x16x160x128xi32, #tpu.memory_space<hbm>> -> memref<1x1x8x128xi32, #tpu.memory_space<hbm>>
      %dma_wait3A_477 = tpu.memref_squeeze %dma_wait3A_476 : memref<1x1x8x128xi32, #tpu.memory_space<hbm>> -> memref<8x128xi32, #tpu.memory_space<hbm>>
      tpu.wait_dma2 semaphore(%arg17 : memref<!tpu.dma_semaphore, #tpu.memory_space<semaphore_mem>>) src(%dma_wait3A_477 : memref<8x128xi32, #tpu.memory_space<hbm>>) dst(%arg9 : memref<8x128xi32, #tpu.memory_space<vmem>>)
      %dma_wait3A_478 = arith.constant 0 : i32
      %dma_wait3A_479 = arith.constant 0 : i32
      %dma_wait3A_480 = tpu.memref_slice %arg4[%arg0, %arg1, %dma_wait3A_478, %dma_wait3A_479] : memref<2x16x160x128xi32, #tpu.memory_space<hbm>> -> memref<1x1x8x128xi32, #tpu.memory_space<hbm>>
      %dma_wait3A_481 = tpu.memref_squeeze %dma_wait3A_480 : memref<1x1x8x128xi32, #tpu.memory_space<hbm>> -> memref<8x128xi32, #tpu.memory_space<hbm>>
      %dma_wait3A_482 = arith.constant 0 : i32
      %dma_wait3A_483 = arith.constant 0 : i32
      %dma_wait3A_484 = tpu.memref_slice %arg4[%arg0, %arg1, %dma_wait3A_482, %dma_wait3A_483] : memref<2x16x160x128xi32, #tpu.memory_space<hbm>> -> memref<1x1x8x128xi32, #tpu.memory_space<hbm>>
      %dma_wait3A_485 = tpu.memref_squeeze %dma_wait3A_484 : memref<1x1x8x128xi32, #tpu.memory_space<hbm>> -> memref<8x128xi32, #tpu.memory_space<hbm>>
      tpu.wait_dma2 semaphore(%arg17 : memref<!tpu.dma_semaphore, #tpu.memory_space<semaphore_mem>>) src(%dma_wait3A_485 : memref<8x128xi32, #tpu.memory_space<hbm>>) dst(%arg11 : memref<8x128xi32, #tpu.memory_space<vmem>>)
      %dma_wait3A_486 = arith.constant 6 : i32
      %dma_wait3A_487 = arith.constant 0 : i32
      %dma_wait3A_488 = tpu.memref_slice %arg8[%dma_wait3A_486, %dma_wait3A_487] : memref<8x128xi32, #tpu.memory_space<vmem>> -> memref<1x128xi32, #tpu.memory_space<vmem>>
      %dma_wait3A_489 = tpu.memref_squeeze %dma_wait3A_488 : memref<1x128xi32, #tpu.memory_space<vmem>> -> memref<128xi32, #tpu.memory_space<vmem>>
      %dma_wait3A_490 = arith.constant 0 : i32
      %dma_wait3A_491 = arith.constant 0 : i32
      %dma_wait3A_492 = tpu.memref_slice %arg2[%dma_wait3A_490, %dma_wait3A_491] : memref<20480x128xf32, #tpu.memory_space<hbm>> -> memref<20480x128xf32, #tpu.memory_space<hbm>>
      tpu.wait_indirect_dma semaphore(%arg14 : memref<!tpu.dma_semaphore, #tpu.memory_space<semaphore_mem>>) src(%dma_wait3A_492 : memref<20480x128xf32, #tpu.memory_space<hbm>>) dst(%arg12 : memref<128x128xf32, #tpu.memory_space<vmem>>)
      %run_scoped3A_493 = arith.constant 6 : i32
      "tpu.region"() ({
        %run_scoped3A_634 = tpu.sem_alloc : memref<!tpu.dma_semaphore, #tpu.memory_space<semaphore_mem>>
        %dma_start3A_635 = arith.constant 0 : i32
        %dma_start3A_636 = tpu.memref_slice %arg10[%run_scoped3A_493, %dma_start3A_635] : memref<8x128xi32, #tpu.memory_space<vmem>> -> memref<1x128xi32, #tpu.memory_space<vmem>>
        %dma_start3A_637 = tpu.memref_squeeze %dma_start3A_636 : memref<1x128xi32, #tpu.memory_space<vmem>> -> memref<128xi32, #tpu.memory_space<vmem>>
        %dma_start3A_638 = arith.constant 0 : i32
        %dma_start3A_639 = arith.constant 0 : i32
        %dma_start3A_640 = tpu.memref_slice %arg18[%dma_start3A_638, %dma_start3A_639] : memref<10000x128xf32, #tpu.memory_space<vmem_shared>> -> memref<10000x128xf32, #tpu.memory_space<vmem_shared>>
        tpu.enqueue_indirect_dma source(%arg12 : memref<128x128xf32, #tpu.memory_space<vmem>>) target(%dma_start3A_640 : memref<10000x128xf32, #tpu.memory_space<vmem_shared>>) offsets(%dma_start3A_637 : memref<128xi32, #tpu.memory_space<vmem>>) semaphore(%run_scoped3A_634 : memref<!tpu.dma_semaphore, #tpu.memory_space<semaphore_mem>>) {add = true}
        %dma_wait3A_641 = arith.constant 0 : i32
        %dma_wait3A_642 = tpu.memref_slice %arg10[%run_scoped3A_493, %dma_wait3A_641] : memref<8x128xi32, #tpu.memory_space<vmem>> -> memref<1x128xi32, #tpu.memory_space<vmem>>
        %dma_wait3A_643 = tpu.memref_squeeze %dma_wait3A_642 : memref<1x128xi32, #tpu.memory_space<vmem>> -> memref<128xi32, #tpu.memory_space<vmem>>
        %dma_wait3A_644 = arith.constant 0 : i32
        %dma_wait3A_645 = arith.constant 0 : i32
        %dma_wait3A_646 = tpu.memref_slice %arg18[%dma_wait3A_644, %dma_wait3A_645] : memref<10000x128xf32, #tpu.memory_space<vmem_shared>> -> memref<10000x128xf32, #tpu.memory_space<vmem_shared>>
        tpu.wait_indirect_dma semaphore(%run_scoped3A_634 : memref<!tpu.dma_semaphore, #tpu.memory_space<semaphore_mem>>) src(%arg12 : memref<128x128xf32, #tpu.memory_space<vmem>>) dst(%dma_wait3A_646 : memref<10000x128xf32, #tpu.memory_space<vmem_shared>>)
        tpu.yield
      }) : () -> ()
      %dma_start3A_494 = arith.constant 0 : i32
      %dma_start3A_495 = arith.constant 0 : i32
      %dma_start3A_496 = tpu.memref_slice %arg9[%dma_start3A_494, %dma_start3A_495] : memref<8x128xi32, #tpu.memory_space<vmem>> -> memref<1x128xi32, #tpu.memory_space<vmem>>
      %dma_start3A_497 = tpu.memref_squeeze %dma_start3A_496 : memref<1x128xi32, #tpu.memory_space<vmem>> -> memref<128xi32, #tpu.memory_space<vmem>>
      %dma_start3A_498 = arith.constant 0 : i32
      %dma_start3A_499 = arith.constant 0 : i32
      %dma_start3A_500 = tpu.memref_slice %arg2[%dma_start3A_498, %dma_start3A_499] : memref<20480x128xf32, #tpu.memory_space<hbm>> -> memref<20480x128xf32, #tpu.memory_space<hbm>>
      tpu.enqueue_indirect_dma source(%dma_start3A_500 : memref<20480x128xf32, #tpu.memory_space<hbm>>) target(%arg12 : memref<128x128xf32, #tpu.memory_space<vmem>>) offsets(%dma_start3A_497 : memref<128xi32, #tpu.memory_space<vmem>>) semaphore(%arg14 : memref<!tpu.dma_semaphore, #tpu.memory_space<semaphore_mem>>)
      %dma_wait3A_501 = arith.constant 7 : i32
      %dma_wait3A_502 = arith.constant 0 : i32
      %dma_wait3A_503 = tpu.memref_slice %arg8[%dma_wait3A_501, %dma_wait3A_502] : memref<8x128xi32, #tpu.memory_space<vmem>> -> memref<1x128xi32, #tpu.memory_space<vmem>>
      %dma_wait3A_504 = tpu.memref_squeeze %dma_wait3A_503 : memref<1x128xi32, #tpu.memory_space<vmem>> -> memref<128xi32, #tpu.memory_space<vmem>>
      %dma_wait3A_505 = arith.constant 0 : i32
      %dma_wait3A_506 = arith.constant 0 : i32
      %dma_wait3A_507 = tpu.memref_slice %arg2[%dma_wait3A_505, %dma_wait3A_506] : memref<20480x128xf32, #tpu.memory_space<hbm>> -> memref<20480x128xf32, #tpu.memory_space<hbm>>
      tpu.wait_indirect_dma semaphore(%arg15 : memref<!tpu.dma_semaphore, #tpu.memory_space<semaphore_mem>>) src(%dma_wait3A_507 : memref<20480x128xf32, #tpu.memory_space<hbm>>) dst(%arg13 : memref<128x128xf32, #tpu.memory_space<vmem>>)
      %run_scoped3A_508 = arith.constant 7 : i32
      "tpu.region"() ({
        %run_scoped3A_634 = tpu.sem_alloc : memref<!tpu.dma_semaphore, #tpu.memory_space<semaphore_mem>>
        %dma_start3A_635 = arith.constant 0 : i32
        %dma_start3A_636 = tpu.memref_slice %arg10[%run_scoped3A_508, %dma_start3A_635] : memref<8x128xi32, #tpu.memory_space<vmem>> -> memref<1x128xi32, #tpu.memory_space<vmem>>
        %dma_start3A_637 = tpu.memref_squeeze %dma_start3A_636 : memref<1x128xi32, #tpu.memory_space<vmem>> -> memref<128xi32, #tpu.memory_space<vmem>>
        %dma_start3A_638 = arith.constant 0 : i32
        %dma_start3A_639 = arith.constant 0 : i32
        %dma_start3A_640 = tpu.memref_slice %arg18[%dma_start3A_638, %dma_start3A_639] : memref<10000x128xf32, #tpu.memory_space<vmem_shared>> -> memref<10000x128xf32, #tpu.memory_space<vmem_shared>>
        tpu.enqueue_indirect_dma source(%arg13 : memref<128x128xf32, #tpu.memory_space<vmem>>) target(%dma_start3A_640 : memref<10000x128xf32, #tpu.memory_space<vmem_shared>>) offsets(%dma_start3A_637 : memref<128xi32, #tpu.memory_space<vmem>>) semaphore(%run_scoped3A_634 : memref<!tpu.dma_semaphore, #tpu.memory_space<semaphore_mem>>) {add = true}
        %dma_wait3A_641 = arith.constant 0 : i32
        %dma_wait3A_642 = tpu.memref_slice %arg10[%run_scoped3A_508, %dma_wait3A_641] : memref<8x128xi32, #tpu.memory_space<vmem>> -> memref<1x128xi32, #tpu.memory_space<vmem>>
        %dma_wait3A_643 = tpu.memref_squeeze %dma_wait3A_642 : memref<1x128xi32, #tpu.memory_space<vmem>> -> memref<128xi32, #tpu.memory_space<vmem>>
        %dma_wait3A_644 = arith.constant 0 : i32
        %dma_wait3A_645 = arith.constant 0 : i32
        %dma_wait3A_646 = tpu.memref_slice %arg18[%dma_wait3A_644, %dma_wait3A_645] : memref<10000x128xf32, #tpu.memory_space<vmem_shared>> -> memref<10000x128xf32, #tpu.memory_space<vmem_shared>>
        tpu.wait_indirect_dma semaphore(%run_scoped3A_634 : memref<!tpu.dma_semaphore, #tpu.memory_space<semaphore_mem>>) src(%arg13 : memref<128x128xf32, #tpu.memory_space<vmem>>) dst(%dma_wait3A_646 : memref<10000x128xf32, #tpu.memory_space<vmem_shared>>)
        tpu.yield
      }) : () -> ()
      %dma_start3A_509 = arith.constant 1 : i32
      %dma_start3A_510 = arith.constant 0 : i32
      %dma_start3A_511 = tpu.memref_slice %arg9[%dma_start3A_509, %dma_start3A_510] : memref<8x128xi32, #tpu.memory_space<vmem>> -> memref<1x128xi32, #tpu.memory_space<vmem>>
      %dma_start3A_512 = tpu.memref_squeeze %dma_start3A_511 : memref<1x128xi32, #tpu.memory_space<vmem>> -> memref<128xi32, #tpu.memory_space<vmem>>
      %dma_start3A_513 = arith.constant 0 : i32
      %dma_start3A_514 = arith.constant 0 : i32
      %dma_start3A_515 = tpu.memref_slice %arg2[%dma_start3A_513, %dma_start3A_514] : memref<20480x128xf32, #tpu.memory_space<hbm>> -> memref<20480x128xf32, #tpu.memory_space<hbm>>
      tpu.enqueue_indirect_dma source(%dma_start3A_515 : memref<20480x128xf32, #tpu.memory_space<hbm>>) target(%arg13 : memref<128x128xf32, #tpu.memory_space<vmem>>) offsets(%dma_start3A_512 : memref<128xi32, #tpu.memory_space<vmem>>) semaphore(%arg15 : memref<!tpu.dma_semaphore, #tpu.memory_space<semaphore_mem>>)
      %dma_wait3A_516 = arith.constant 0 : i32
      %dma_wait3A_517 = arith.constant 0 : i32
      %dma_wait3A_518 = tpu.memref_slice %arg9[%dma_wait3A_516, %dma_wait3A_517] : memref<8x128xi32, #tpu.memory_space<vmem>> -> memref<1x128xi32, #tpu.memory_space<vmem>>
      %dma_wait3A_519 = tpu.memref_squeeze %dma_wait3A_518 : memref<1x128xi32, #tpu.memory_space<vmem>> -> memref<128xi32, #tpu.memory_space<vmem>>
      %dma_wait3A_520 = arith.constant 0 : i32
      %dma_wait3A_521 = arith.constant 0 : i32
      %dma_wait3A_522 = tpu.memref_slice %arg2[%dma_wait3A_520, %dma_wait3A_521] : memref<20480x128xf32, #tpu.memory_space<hbm>> -> memref<20480x128xf32, #tpu.memory_space<hbm>>
      tpu.wait_indirect_dma semaphore(%arg14 : memref<!tpu.dma_semaphore, #tpu.memory_space<semaphore_mem>>) src(%dma_wait3A_522 : memref<20480x128xf32, #tpu.memory_space<hbm>>) dst(%arg12 : memref<128x128xf32, #tpu.memory_space<vmem>>)
      %run_scoped3A_523 = arith.constant 0 : i32
      "tpu.region"() ({
        %run_scoped3A_634 = tpu.sem_alloc : memref<!tpu.dma_semaphore, #tpu.memory_space<semaphore_mem>>
        %dma_start3A_635 = arith.constant 0 : i32
        %dma_start3A_636 = tpu.memref_slice %arg11[%run_scoped3A_523, %dma_start3A_635] : memref<8x128xi32, #tpu.memory_space<vmem>> -> memref<1x128xi32, #tpu.memory_space<vmem>>
        %dma_start3A_637 = tpu.memref_squeeze %dma_start3A_636 : memref<1x128xi32, #tpu.memory_space<vmem>> -> memref<128xi32, #tpu.memory_space<vmem>>
        %dma_start3A_638 = arith.constant 0 : i32
        %dma_start3A_639 = arith.constant 0 : i32
        %dma_start3A_640 = tpu.memref_slice %arg18[%dma_start3A_638, %dma_start3A_639] : memref<10000x128xf32, #tpu.memory_space<vmem_shared>> -> memref<10000x128xf32, #tpu.memory_space<vmem_shared>>
        tpu.enqueue_indirect_dma source(%arg12 : memref<128x128xf32, #tpu.memory_space<vmem>>) target(%dma_start3A_640 : memref<10000x128xf32, #tpu.memory_space<vmem_shared>>) offsets(%dma_start3A_637 : memref<128xi32, #tpu.memory_space<vmem>>) semaphore(%run_scoped3A_634 : memref<!tpu.dma_semaphore, #tpu.memory_space<semaphore_mem>>) {add = true}
        %dma_wait3A_641 = arith.constant 0 : i32
        %dma_wait3A_642 = tpu.memref_slice %arg11[%run_scoped3A_523, %dma_wait3A_641] : memref<8x128xi32, #tpu.memory_space<vmem>> -> memref<1x128xi32, #tpu.memory_space<vmem>>
        %dma_wait3A_643 = tpu.memref_squeeze %dma_wait3A_642 : memref<1x128xi32, #tpu.memory_space<vmem>> -> memref<128xi32, #tpu.memory_space<vmem>>
        %dma_wait3A_644 = arith.constant 0 : i32
        %dma_wait3A_645 = arith.constant 0 : i32
        %dma_wait3A_646 = tpu.memref_slice %arg18[%dma_wait3A_644, %dma_wait3A_645] : memref<10000x128xf32, #tpu.memory_space<vmem_shared>> -> memref<10000x128xf32, #tpu.memory_space<vmem_shared>>
        tpu.wait_indirect_dma semaphore(%run_scoped3A_634 : memref<!tpu.dma_semaphore, #tpu.memory_space<semaphore_mem>>) src(%arg12 : memref<128x128xf32, #tpu.memory_space<vmem>>) dst(%dma_wait3A_646 : memref<10000x128xf32, #tpu.memory_space<vmem_shared>>)
        tpu.yield
      }) : () -> ()
      %dma_start3A_524 = arith.constant 2 : i32
      %dma_start3A_525 = arith.constant 0 : i32
      %dma_start3A_526 = tpu.memref_slice %arg9[%dma_start3A_524, %dma_start3A_525] : memref<8x128xi32, #tpu.memory_space<vmem>> -> memref<1x128xi32, #tpu.memory_space<vmem>>
      %dma_start3A_527 = tpu.memref_squeeze %dma_start3A_526 : memref<1x128xi32, #tpu.memory_space<vmem>> -> memref<128xi32, #tpu.memory_space<vmem>>
      %dma_start3A_528 = arith.constant 0 : i32
      %dma_start3A_529 = arith.constant 0 : i32
      %dma_start3A_530 = tpu.memref_slice %arg2[%dma_start3A_528, %dma_start3A_529] : memref<20480x128xf32, #tpu.memory_space<hbm>> -> memref<20480x128xf32, #tpu.memory_space<hbm>>
      tpu.enqueue_indirect_dma source(%dma_start3A_530 : memref<20480x128xf32, #tpu.memory_space<hbm>>) target(%arg12 : memref<128x128xf32, #tpu.memory_space<vmem>>) offsets(%dma_start3A_527 : memref<128xi32, #tpu.memory_space<vmem>>) semaphore(%arg14 : memref<!tpu.dma_semaphore, #tpu.memory_space<semaphore_mem>>)
      %dma_wait3A_531 = arith.constant 1 : i32
      %dma_wait3A_532 = arith.constant 0 : i32
      %dma_wait3A_533 = tpu.memref_slice %arg9[%dma_wait3A_531, %dma_wait3A_532] : memref<8x128xi32, #tpu.memory_space<vmem>> -> memref<1x128xi32, #tpu.memory_space<vmem>>
      %dma_wait3A_534 = tpu.memref_squeeze %dma_wait3A_533 : memref<1x128xi32, #tpu.memory_space<vmem>> -> memref<128xi32, #tpu.memory_space<vmem>>
      %dma_wait3A_535 = arith.constant 0 : i32
      %dma_wait3A_536 = arith.constant 0 : i32
      %dma_wait3A_537 = tpu.memref_slice %arg2[%dma_wait3A_535, %dma_wait3A_536] : memref<20480x128xf32, #tpu.memory_space<hbm>> -> memref<20480x128xf32, #tpu.memory_space<hbm>>
      tpu.wait_indirect_dma semaphore(%arg15 : memref<!tpu.dma_semaphore, #tpu.memory_space<semaphore_mem>>) src(%dma_wait3A_537 : memref<20480x128xf32, #tpu.memory_space<hbm>>) dst(%arg13 : memref<128x128xf32, #tpu.memory_space<vmem>>)
      %run_scoped3A_538 = arith.constant 1 : i32
      "tpu.region"() ({
        %run_scoped3A_634 = tpu.sem_alloc : memref<!tpu.dma_semaphore, #tpu.memory_space<semaphore_mem>>
        %dma_start3A_635 = arith.constant 0 : i32
        %dma_start3A_636 = tpu.memref_slice %arg11[%run_scoped3A_538, %dma_start3A_635] : memref<8x128xi32, #tpu.memory_space<vmem>> -> memref<1x128xi32, #tpu.memory_space<vmem>>
        %dma_start3A_637 = tpu.memref_squeeze %dma_start3A_636 : memref<1x128xi32, #tpu.memory_space<vmem>> -> memref<128xi32, #tpu.memory_space<vmem>>
        %dma_start3A_638 = arith.constant 0 : i32
        %dma_start3A_639 = arith.constant 0 : i32
        %dma_start3A_640 = tpu.memref_slice %arg18[%dma_start3A_638, %dma_start3A_639] : memref<10000x128xf32, #tpu.memory_space<vmem_shared>> -> memref<10000x128xf32, #tpu.memory_space<vmem_shared>>
        tpu.enqueue_indirect_dma source(%arg13 : memref<128x128xf32, #tpu.memory_space<vmem>>) target(%dma_start3A_640 : memref<10000x128xf32, #tpu.memory_space<vmem_shared>>) offsets(%dma_start3A_637 : memref<128xi32, #tpu.memory_space<vmem>>) semaphore(%run_scoped3A_634 : memref<!tpu.dma_semaphore, #tpu.memory_space<semaphore_mem>>) {add = true}
        %dma_wait3A_641 = arith.constant 0 : i32
        %dma_wait3A_642 = tpu.memref_slice %arg11[%run_scoped3A_538, %dma_wait3A_641] : memref<8x128xi32, #tpu.memory_space<vmem>> -> memref<1x128xi32, #tpu.memory_space<vmem>>
        %dma_wait3A_643 = tpu.memref_squeeze %dma_wait3A_642 : memref<1x128xi32, #tpu.memory_space<vmem>> -> memref<128xi32, #tpu.memory_space<vmem>>
        %dma_wait3A_644 = arith.constant 0 : i32
        %dma_wait3A_645 = arith.constant 0 : i32
        %dma_wait3A_646 = tpu.memref_slice %arg18[%dma_wait3A_644, %dma_wait3A_645] : memref<10000x128xf32, #tpu.memory_space<vmem_shared>> -> memref<10000x128xf32, #tpu.memory_space<vmem_shared>>
        tpu.wait_indirect_dma semaphore(%run_scoped3A_634 : memref<!tpu.dma_semaphore, #tpu.memory_space<semaphore_mem>>) src(%arg13 : memref<128x128xf32, #tpu.memory_space<vmem>>) dst(%dma_wait3A_646 : memref<10000x128xf32, #tpu.memory_space<vmem_shared>>)
        tpu.yield
      }) : () -> ()
      %dma_start3A_539 = arith.constant 3 : i32
      %dma_start3A_540 = arith.constant 0 : i32
      %dma_start3A_541 = tpu.memref_slice %arg9[%dma_start3A_539, %dma_start3A_540] : memref<8x128xi32, #tpu.memory_space<vmem>> -> memref<1x128xi32, #tpu.memory_space<vmem>>
      %dma_start3A_542 = tpu.memref_squeeze %dma_start3A_541 : memref<1x128xi32, #tpu.memory_space<vmem>> -> memref<128xi32, #tpu.memory_space<vmem>>
      %dma_start3A_543 = arith.constant 0 : i32
      %dma_start3A_544 = arith.constant 0 : i32
      %dma_start3A_545 = tpu.memref_slice %arg2[%dma_start3A_543, %dma_start3A_544] : memref<20480x128xf32, #tpu.memory_space<hbm>> -> memref<20480x128xf32, #tpu.memory_space<hbm>>
      tpu.enqueue_indirect_dma source(%dma_start3A_545 : memref<20480x128xf32, #tpu.memory_space<hbm>>) target(%arg13 : memref<128x128xf32, #tpu.memory_space<vmem>>) offsets(%dma_start3A_542 : memref<128xi32, #tpu.memory_space<vmem>>) semaphore(%arg15 : memref<!tpu.dma_semaphore, #tpu.memory_space<semaphore_mem>>)
      %convert_element_type3A_546 = arith.extui %lt3A_361 : i1 to i32
      %cond3A_547 = arith.constant 0 : i32
      %cond3A_548 = arith.cmpi ne, %convert_element_type3A_546, %cond3A_547 : i32
      scf.if %cond3A_548 {
        %mul3A_634 = arith.constant 2 : i32
        %mul3A_635 = arith.muli %mul3A_634, %scan3A_360 : i32
        %add3A_636 = arith.constant 2 : i32
        %add3A_637 = arith.addi %mul3A_635, %add3A_636 : i32
        %mul3A_638 = arith.constant 8 : i32
        %mul3A_639 = arith.muli %add3A_637, %mul3A_638 : i32
        %multiple_of3A_640 = tpu.assume_multiple %mul3A_639, 8 : i32
        %dma_start3A_641 = arith.constant 0 : i32
        %dma_start3A_642 = tpu.memref_slice %arg3[%arg0, %arg1, %multiple_of3A_640, %dma_start3A_641] : memref<2x16x160x128xi32, #tpu.memory_space<hbm>> -> memref<1x1x8x128xi32, #tpu.memory_space<hbm>>
        %dma_start3A_643 = tpu.memref_squeeze %dma_start3A_642 : memref<1x1x8x128xi32, #tpu.memory_space<hbm>> -> memref<8x128xi32, #tpu.memory_space<hbm>>
        %dma_start3A_644 = arith.constant 0 : i32
        %dma_start3A_645 = tpu.memref_slice %arg3[%arg0, %arg1, %multiple_of3A_640, %dma_start3A_644] : memref<2x16x160x128xi32, #tpu.memory_space<hbm>> -> memref<1x1x8x128xi32, #tpu.memory_space<hbm>>
        %dma_start3A_646 = tpu.memref_squeeze %dma_start3A_645 : memref<1x1x8x128xi32, #tpu.memory_space<hbm>> -> memref<8x128xi32, #tpu.memory_space<hbm>>
        tpu.enqueue_dma source(%dma_start3A_646 : memref<8x128xi32, #tpu.memory_space<hbm>>) target(%arg8 : memref<8x128xi32, #tpu.memory_space<vmem>>) target_semaphore(%arg16 : memref<!tpu.dma_semaphore, #tpu.memory_space<semaphore_mem>>)
        %dma_start3A_647 = arith.constant 0 : i32
        %dma_start3A_648 = tpu.memref_slice %arg4[%arg0, %arg1, %multiple_of3A_640, %dma_start3A_647] : memref<2x16x160x128xi32, #tpu.memory_space<hbm>> -> memref<1x1x8x128xi32, #tpu.memory_space<hbm>>
        %dma_start3A_649 = tpu.memref_squeeze %dma_start3A_648 : memref<1x1x8x128xi32, #tpu.memory_space<hbm>> -> memref<8x128xi32, #tpu.memory_space<hbm>>
        %dma_start3A_650 = arith.constant 0 : i32
        %dma_start3A_651 = tpu.memref_slice %arg4[%arg0, %arg1, %multiple_of3A_640, %dma_start3A_650] : memref<2x16x160x128xi32, #tpu.memory_space<hbm>> -> memref<1x1x8x128xi32, #tpu.memory_space<hbm>>
        %dma_start3A_652 = tpu.memref_squeeze %dma_start3A_651 : memref<1x1x8x128xi32, #tpu.memory_space<hbm>> -> memref<8x128xi32, #tpu.memory_space<hbm>>
        tpu.enqueue_dma source(%dma_start3A_652 : memref<8x128xi32, #tpu.memory_space<hbm>>) target(%arg10 : memref<8x128xi32, #tpu.memory_space<vmem>>) target_semaphore(%arg16 : memref<!tpu.dma_semaphore, #tpu.memory_space<semaphore_mem>>)
      } else {
      }
      %dma_wait3A_549 = arith.constant 2 : i32
      %dma_wait3A_550 = arith.constant 0 : i32
      %dma_wait3A_551 = tpu.memref_slice %arg9[%dma_wait3A_549, %dma_wait3A_550] : memref<8x128xi32, #tpu.memory_space<vmem>> -> memref<1x128xi32, #tpu.memory_space<vmem>>
      %dma_wait3A_552 = tpu.memref_squeeze %dma_wait3A_551 : memref<1x128xi32, #tpu.memory_space<vmem>> -> memref<128xi32, #tpu.memory_space<vmem>>
      %dma_wait3A_553 = arith.constant 0 : i32
      %dma_wait3A_554 = arith.constant 0 : i32
      %dma_wait3A_555 = tpu.memref_slice %arg2[%dma_wait3A_553, %dma_wait3A_554] : memref<20480x128xf32, #tpu.memory_space<hbm>> -> memref<20480x128xf32, #tpu.memory_space<hbm>>
      tpu.wait_indirect_dma semaphore(%arg14 : memref<!tpu.dma_semaphore, #tpu.memory_space<semaphore_mem>>) src(%dma_wait3A_555 : memref<20480x128xf32, #tpu.memory_space<hbm>>) dst(%arg12 : memref<128x128xf32, #tpu.memory_space<vmem>>)
      %run_scoped3A_556 = arith.constant 2 : i32
      "tpu.region"() ({
        %run_scoped3A_634 = tpu.sem_alloc : memref<!tpu.dma_semaphore, #tpu.memory_space<semaphore_mem>>
        %dma_start3A_635 = arith.constant 0 : i32
        %dma_start3A_636 = tpu.memref_slice %arg11[%run_scoped3A_556, %dma_start3A_635] : memref<8x128xi32, #tpu.memory_space<vmem>> -> memref<1x128xi32, #tpu.memory_space<vmem>>
        %dma_start3A_637 = tpu.memref_squeeze %dma_start3A_636 : memref<1x128xi32, #tpu.memory_space<vmem>> -> memref<128xi32, #tpu.memory_space<vmem>>
        %dma_start3A_638 = arith.constant 0 : i32
        %dma_start3A_639 = arith.constant 0 : i32
        %dma_start3A_640 = tpu.memref_slice %arg18[%dma_start3A_638, %dma_start3A_639] : memref<10000x128xf32, #tpu.memory_space<vmem_shared>> -> memref<10000x128xf32, #tpu.memory_space<vmem_shared>>
        tpu.enqueue_indirect_dma source(%arg12 : memref<128x128xf32, #tpu.memory_space<vmem>>) target(%dma_start3A_640 : memref<10000x128xf32, #tpu.memory_space<vmem_shared>>) offsets(%dma_start3A_637 : memref<128xi32, #tpu.memory_space<vmem>>) semaphore(%run_scoped3A_634 : memref<!tpu.dma_semaphore, #tpu.memory_space<semaphore_mem>>) {add = true}
        %dma_wait3A_641 = arith.constant 0 : i32
        %dma_wait3A_642 = tpu.memref_slice %arg11[%run_scoped3A_556, %dma_wait3A_641] : memref<8x128xi32, #tpu.memory_space<vmem>> -> memref<1x128xi32, #tpu.memory_space<vmem>>
        %dma_wait3A_643 = tpu.memref_squeeze %dma_wait3A_642 : memref<1x128xi32, #tpu.memory_space<vmem>> -> memref<128xi32, #tpu.memory_space<vmem>>
        %dma_wait3A_644 = arith.constant 0 : i32
        %dma_wait3A_645 = arith.constant 0 : i32
        %dma_wait3A_646 = tpu.memref_slice %arg18[%dma_wait3A_644, %dma_wait3A_645] : memref<10000x128xf32, #tpu.memory_space<vmem_shared>> -> memref<10000x128xf32, #tpu.memory_space<vmem_shared>>
        tpu.wait_indirect_dma semaphore(%run_scoped3A_634 : memref<!tpu.dma_semaphore, #tpu.memory_space<semaphore_mem>>) src(%arg12 : memref<128x128xf32, #tpu.memory_space<vmem>>) dst(%dma_wait3A_646 : memref<10000x128xf32, #tpu.memory_space<vmem_shared>>)
        tpu.yield
      }) : () -> ()
      %dma_start3A_557 = arith.constant 4 : i32
      %dma_start3A_558 = arith.constant 0 : i32
      %dma_start3A_559 = tpu.memref_slice %arg9[%dma_start3A_557, %dma_start3A_558] : memref<8x128xi32, #tpu.memory_space<vmem>> -> memref<1x128xi32, #tpu.memory_space<vmem>>
      %dma_start3A_560 = tpu.memref_squeeze %dma_start3A_559 : memref<1x128xi32, #tpu.memory_space<vmem>> -> memref<128xi32, #tpu.memory_space<vmem>>
      %dma_start3A_561 = arith.constant 0 : i32
      %dma_start3A_562 = arith.constant 0 : i32
      %dma_start3A_563 = tpu.memref_slice %arg2[%dma_start3A_561, %dma_start3A_562] : memref<20480x128xf32, #tpu.memory_space<hbm>> -> memref<20480x128xf32, #tpu.memory_space<hbm>>
      tpu.enqueue_indirect_dma source(%dma_start3A_563 : memref<20480x128xf32, #tpu.memory_space<hbm>>) target(%arg12 : memref<128x128xf32, #tpu.memory_space<vmem>>) offsets(%dma_start3A_560 : memref<128xi32, #tpu.memory_space<vmem>>) semaphore(%arg14 : memref<!tpu.dma_semaphore, #tpu.memory_space<semaphore_mem>>)
      %dma_wait3A_564 = arith.constant 3 : i32
      %dma_wait3A_565 = arith.constant 0 : i32
      %dma_wait3A_566 = tpu.memref_slice %arg9[%dma_wait3A_564, %dma_wait3A_565] : memref<8x128xi32, #tpu.memory_space<vmem>> -> memref<1x128xi32, #tpu.memory_space<vmem>>
      %dma_wait3A_567 = tpu.memref_squeeze %dma_wait3A_566 : memref<1x128xi32, #tpu.memory_space<vmem>> -> memref<128xi32, #tpu.memory_space<vmem>>
      %dma_wait3A_568 = arith.constant 0 : i32
      %dma_wait3A_569 = arith.constant 0 : i32
      %dma_wait3A_570 = tpu.memref_slice %arg2[%dma_wait3A_568, %dma_wait3A_569] : memref<20480x128xf32, #tpu.memory_space<hbm>> -> memref<20480x128xf32, #tpu.memory_space<hbm>>
      tpu.wait_indirect_dma semaphore(%arg15 : memref<!tpu.dma_semaphore, #tpu.memory_space<semaphore_mem>>) src(%dma_wait3A_570 : memref<20480x128xf32, #tpu.memory_space<hbm>>) dst(%arg13 : memref<128x128xf32, #tpu.memory_space<vmem>>)
      %run_scoped3A_571 = arith.constant 3 : i32
      "tpu.region"() ({
        %run_scoped3A_634 = tpu.sem_alloc : memref<!tpu.dma_semaphore, #tpu.memory_space<semaphore_mem>>
        %dma_start3A_635 = arith.constant 0 : i32
        %dma_start3A_636 = tpu.memref_slice %arg11[%run_scoped3A_571, %dma_start3A_635] : memref<8x128xi32, #tpu.memory_space<vmem>> -> memref<1x128xi32, #tpu.memory_space<vmem>>
        %dma_start3A_637 = tpu.memref_squeeze %dma_start3A_636 : memref<1x128xi32, #tpu.memory_space<vmem>> -> memref<128xi32, #tpu.memory_space<vmem>>
        %dma_start3A_638 = arith.constant 0 : i32
        %dma_start3A_639 = arith.constant 0 : i32
        %dma_start3A_640 = tpu.memref_slice %arg18[%dma_start3A_638, %dma_start3A_639] : memref<10000x128xf32, #tpu.memory_space<vmem_shared>> -> memref<10000x128xf32, #tpu.memory_space<vmem_shared>>
        tpu.enqueue_indirect_dma source(%arg13 : memref<128x128xf32, #tpu.memory_space<vmem>>) target(%dma_start3A_640 : memref<10000x128xf32, #tpu.memory_space<vmem_shared>>) offsets(%dma_start3A_637 : memref<128xi32, #tpu.memory_space<vmem>>) semaphore(%run_scoped3A_634 : memref<!tpu.dma_semaphore, #tpu.memory_space<semaphore_mem>>) {add = true}
        %dma_wait3A_641 = arith.constant 0 : i32
        %dma_wait3A_642 = tpu.memref_slice %arg11[%run_scoped3A_571, %dma_wait3A_641] : memref<8x128xi32, #tpu.memory_space<vmem>> -> memref<1x128xi32, #tpu.memory_space<vmem>>
        %dma_wait3A_643 = tpu.memref_squeeze %dma_wait3A_642 : memref<1x128xi32, #tpu.memory_space<vmem>> -> memref<128xi32, #tpu.memory_space<vmem>>
        %dma_wait3A_644 = arith.constant 0 : i32
        %dma_wait3A_645 = arith.constant 0 : i32
        %dma_wait3A_646 = tpu.memref_slice %arg18[%dma_wait3A_644, %dma_wait3A_645] : memref<10000x128xf32, #tpu.memory_space<vmem_shared>> -> memref<10000x128xf32, #tpu.memory_space<vmem_shared>>
        tpu.wait_indirect_dma semaphore(%run_scoped3A_634 : memref<!tpu.dma_semaphore, #tpu.memory_space<semaphore_mem>>) src(%arg13 : memref<128x128xf32, #tpu.memory_space<vmem>>) dst(%dma_wait3A_646 : memref<10000x128xf32, #tpu.memory_space<vmem_shared>>)
        tpu.yield
      }) : () -> ()
      %dma_start3A_572 = arith.constant 5 : i32
      %dma_start3A_573 = arith.constant 0 : i32
      %dma_start3A_574 = tpu.memref_slice %arg9[%dma_start3A_572, %dma_start3A_573] : memref<8x128xi32, #tpu.memory_space<vmem>> -> memref<1x128xi32, #tpu.memory_space<vmem>>
      %dma_start3A_575 = tpu.memref_squeeze %dma_start3A_574 : memref<1x128xi32, #tpu.memory_space<vmem>> -> memref<128xi32, #tpu.memory_space<vmem>>
      %dma_start3A_576 = arith.constant 0 : i32
      %dma_start3A_577 = arith.constant 0 : i32
      %dma_start3A_578 = tpu.memref_slice %arg2[%dma_start3A_576, %dma_start3A_577] : memref<20480x128xf32, #tpu.memory_space<hbm>> -> memref<20480x128xf32, #tpu.memory_space<hbm>>
      tpu.enqueue_indirect_dma source(%dma_start3A_578 : memref<20480x128xf32, #tpu.memory_space<hbm>>) target(%arg13 : memref<128x128xf32, #tpu.memory_space<vmem>>) offsets(%dma_start3A_575 : memref<128xi32, #tpu.memory_space<vmem>>) semaphore(%arg15 : memref<!tpu.dma_semaphore, #tpu.memory_space<semaphore_mem>>)
      %dma_wait3A_579 = arith.constant 4 : i32
      %dma_wait3A_580 = arith.constant 0 : i32
      %dma_wait3A_581 = tpu.memref_slice %arg9[%dma_wait3A_579, %dma_wait3A_580] : memref<8x128xi32, #tpu.memory_space<vmem>> -> memref<1x128xi32, #tpu.memory_space<vmem>>
      %dma_wait3A_582 = tpu.memref_squeeze %dma_wait3A_581 : memref<1x128xi32, #tpu.memory_space<vmem>> -> memref<128xi32, #tpu.memory_space<vmem>>
      %dma_wait3A_583 = arith.constant 0 : i32
      %dma_wait3A_584 = arith.constant 0 : i32
      %dma_wait3A_585 = tpu.memref_slice %arg2[%dma_wait3A_583, %dma_wait3A_584] : memref<20480x128xf32, #tpu.memory_space<hbm>> -> memref<20480x128xf32, #tpu.memory_space<hbm>>
      tpu.wait_indirect_dma semaphore(%arg14 : memref<!tpu.dma_semaphore, #tpu.memory_space<semaphore_mem>>) src(%dma_wait3A_585 : memref<20480x128xf32, #tpu.memory_space<hbm>>) dst(%arg12 : memref<128x128xf32, #tpu.memory_space<vmem>>)
      %run_scoped3A_586 = arith.constant 4 : i32
      "tpu.region"() ({
        %run_scoped3A_634 = tpu.sem_alloc : memref<!tpu.dma_semaphore, #tpu.memory_space<semaphore_mem>>
        %dma_start3A_635 = arith.constant 0 : i32
        %dma_start3A_636 = tpu.memref_slice %arg11[%run_scoped3A_586, %dma_start3A_635] : memref<8x128xi32, #tpu.memory_space<vmem>> -> memref<1x128xi32, #tpu.memory_space<vmem>>
        %dma_start3A_637 = tpu.memref_squeeze %dma_start3A_636 : memref<1x128xi32, #tpu.memory_space<vmem>> -> memref<128xi32, #tpu.memory_space<vmem>>
        %dma_start3A_638 = arith.constant 0 : i32
        %dma_start3A_639 = arith.constant 0 : i32
        %dma_start3A_640 = tpu.memref_slice %arg18[%dma_start3A_638, %dma_start3A_639] : memref<10000x128xf32, #tpu.memory_space<vmem_shared>> -> memref<10000x128xf32, #tpu.memory_space<vmem_shared>>
        tpu.enqueue_indirect_dma source(%arg12 : memref<128x128xf32, #tpu.memory_space<vmem>>) target(%dma_start3A_640 : memref<10000x128xf32, #tpu.memory_space<vmem_shared>>) offsets(%dma_start3A_637 : memref<128xi32, #tpu.memory_space<vmem>>) semaphore(%run_scoped3A_634 : memref<!tpu.dma_semaphore, #tpu.memory_space<semaphore_mem>>) {add = true}
        %dma_wait3A_641 = arith.constant 0 : i32
        %dma_wait3A_642 = tpu.memref_slice %arg11[%run_scoped3A_586, %dma_wait3A_641] : memref<8x128xi32, #tpu.memory_space<vmem>> -> memref<1x128xi32, #tpu.memory_space<vmem>>
        %dma_wait3A_643 = tpu.memref_squeeze %dma_wait3A_642 : memref<1x128xi32, #tpu.memory_space<vmem>> -> memref<128xi32, #tpu.memory_space<vmem>>
        %dma_wait3A_644 = arith.constant 0 : i32
        %dma_wait3A_645 = arith.constant 0 : i32
        %dma_wait3A_646 = tpu.memref_slice %arg18[%dma_wait3A_644, %dma_wait3A_645] : memref<10000x128xf32, #tpu.memory_space<vmem_shared>> -> memref<10000x128xf32, #tpu.memory_space<vmem_shared>>
        tpu.wait_indirect_dma semaphore(%run_scoped3A_634 : memref<!tpu.dma_semaphore, #tpu.memory_space<semaphore_mem>>) src(%arg12 : memref<128x128xf32, #tpu.memory_space<vmem>>) dst(%dma_wait3A_646 : memref<10000x128xf32, #tpu.memory_space<vmem_shared>>)
        tpu.yield
      }) : () -> ()
      %dma_start3A_587 = arith.constant 6 : i32
      %dma_start3A_588 = arith.constant 0 : i32
      %dma_start3A_589 = tpu.memref_slice %arg9[%dma_start3A_587, %dma_start3A_588] : memref<8x128xi32, #tpu.memory_space<vmem>> -> memref<1x128xi32, #tpu.memory_space<vmem>>
      %dma_start3A_590 = tpu.memref_squeeze %dma_start3A_589 : memref<1x128xi32, #tpu.memory_space<vmem>> -> memref<128xi32, #tpu.memory_space<vmem>>
      %dma_start3A_591 = arith.constant 0 : i32
      %dma_start3A_592 = arith.constant 0 : i32
      %dma_start3A_593 = tpu.memref_slice %arg2[%dma_start3A_591, %dma_start3A_592] : memref<20480x128xf32, #tpu.memory_space<hbm>> -> memref<20480x128xf32, #tpu.memory_space<hbm>>
      tpu.enqueue_indirect_dma source(%dma_start3A_593 : memref<20480x128xf32, #tpu.memory_space<hbm>>) target(%arg12 : memref<128x128xf32, #tpu.memory_space<vmem>>) offsets(%dma_start3A_590 : memref<128xi32, #tpu.memory_space<vmem>>) semaphore(%arg14 : memref<!tpu.dma_semaphore, #tpu.memory_space<semaphore_mem>>)
      %dma_wait3A_594 = arith.constant 5 : i32
      %dma_wait3A_595 = arith.constant 0 : i32
      %dma_wait3A_596 = tpu.memref_slice %arg9[%dma_wait3A_594, %dma_wait3A_595] : memref<8x128xi32, #tpu.memory_space<vmem>> -> memref<1x128xi32, #tpu.memory_space<vmem>>
      %dma_wait3A_597 = tpu.memref_squeeze %dma_wait3A_596 : memref<1x128xi32, #tpu.memory_space<vmem>> -> memref<128xi32, #tpu.memory_space<vmem>>
      %dma_wait3A_598 = arith.constant 0 : i32
      %dma_wait3A_599 = arith.constant 0 : i32
      %dma_wait3A_600 = tpu.memref_slice %arg2[%dma_wait3A_598, %dma_wait3A_599] : memref<20480x128xf32, #tpu.memory_space<hbm>> -> memref<20480x128xf32, #tpu.memory_space<hbm>>
      tpu.wait_indirect_dma semaphore(%arg15 : memref<!tpu.dma_semaphore, #tpu.memory_space<semaphore_mem>>) src(%dma_wait3A_600 : memref<20480x128xf32, #tpu.memory_space<hbm>>) dst(%arg13 : memref<128x128xf32, #tpu.memory_space<vmem>>)
      %run_scoped3A_601 = arith.constant 5 : i32
      "tpu.region"() ({
        %run_scoped3A_634 = tpu.sem_alloc : memref<!tpu.dma_semaphore, #tpu.memory_space<semaphore_mem>>
        %dma_start3A_635 = arith.constant 0 : i32
        %dma_start3A_636 = tpu.memref_slice %arg11[%run_scoped3A_601, %dma_start3A_635] : memref<8x128xi32, #tpu.memory_space<vmem>> -> memref<1x128xi32, #tpu.memory_space<vmem>>
        %dma_start3A_637 = tpu.memref_squeeze %dma_start3A_636 : memref<1x128xi32, #tpu.memory_space<vmem>> -> memref<128xi32, #tpu.memory_space<vmem>>
        %dma_start3A_638 = arith.constant 0 : i32
        %dma_start3A_639 = arith.constant 0 : i32
        %dma_start3A_640 = tpu.memref_slice %arg18[%dma_start3A_638, %dma_start3A_639] : memref<10000x128xf32, #tpu.memory_space<vmem_shared>> -> memref<10000x128xf32, #tpu.memory_space<vmem_shared>>
        tpu.enqueue_indirect_dma source(%arg13 : memref<128x128xf32, #tpu.memory_space<vmem>>) target(%dma_start3A_640 : memref<10000x128xf32, #tpu.memory_space<vmem_shared>>) offsets(%dma_start3A_637 : memref<128xi32, #tpu.memory_space<vmem>>) semaphore(%run_scoped3A_634 : memref<!tpu.dma_semaphore, #tpu.memory_space<semaphore_mem>>) {add = true}
        %dma_wait3A_641 = arith.constant 0 : i32
        %dma_wait3A_642 = tpu.memref_slice %arg11[%run_scoped3A_601, %dma_wait3A_641] : memref<8x128xi32, #tpu.memory_space<vmem>> -> memref<1x128xi32, #tpu.memory_space<vmem>>
        %dma_wait3A_643 = tpu.memref_squeeze %dma_wait3A_642 : memref<1x128xi32, #tpu.memory_space<vmem>> -> memref<128xi32, #tpu.memory_space<vmem>>
        %dma_wait3A_644 = arith.constant 0 : i32
        %dma_wait3A_645 = arith.constant 0 : i32
        %dma_wait3A_646 = tpu.memref_slice %arg18[%dma_wait3A_644, %dma_wait3A_645] : memref<10000x128xf32, #tpu.memory_space<vmem_shared>> -> memref<10000x128xf32, #tpu.memory_space<vmem_shared>>
        tpu.wait_indirect_dma semaphore(%run_scoped3A_634 : memref<!tpu.dma_semaphore, #tpu.memory_space<semaphore_mem>>) src(%arg13 : memref<128x128xf32, #tpu.memory_space<vmem>>) dst(%dma_wait3A_646 : memref<10000x128xf32, #tpu.memory_space<vmem_shared>>)
        tpu.yield
      }) : () -> ()
      %dma_start3A_602 = arith.constant 7 : i32
      %dma_start3A_603 = arith.constant 0 : i32
      %dma_start3A_604 = tpu.memref_slice %arg9[%dma_start3A_602, %dma_start3A_603] : memref<8x128xi32, #tpu.memory_space<vmem>> -> memref<1x128xi32, #tpu.memory_space<vmem>>
      %dma_start3A_605 = tpu.memref_squeeze %dma_start3A_604 : memref<1x128xi32, #tpu.memory_space<vmem>> -> memref<128xi32, #tpu.memory_space<vmem>>
      %dma_start3A_606 = arith.constant 0 : i32
      %dma_start3A_607 = arith.constant 0 : i32
      %dma_start3A_608 = tpu.memref_slice %arg2[%dma_start3A_606, %dma_start3A_607] : memref<20480x128xf32, #tpu.memory_space<hbm>> -> memref<20480x128xf32, #tpu.memory_space<hbm>>
      tpu.enqueue_indirect_dma source(%dma_start3A_608 : memref<20480x128xf32, #tpu.memory_space<hbm>>) target(%arg13 : memref<128x128xf32, #tpu.memory_space<vmem>>) offsets(%dma_start3A_605 : memref<128xi32, #tpu.memory_space<vmem>>) semaphore(%arg15 : memref<!tpu.dma_semaphore, #tpu.memory_space<semaphore_mem>>)
      %convert_element_type3A_609 = arith.extui %lt3A_361 : i1 to i32
      %cond3A_610 = arith.constant 0 : i32
      %cond3A_611 = arith.cmpi ne, %convert_element_type3A_609, %cond3A_610 : i32
      scf.if %cond3A_611 {
        %dma_wait3A_634 = arith.constant 0 : i32
        %dma_wait3A_635 = arith.constant 0 : i32
        %dma_wait3A_636 = tpu.memref_slice %arg3[%arg0, %arg1, %dma_wait3A_634, %dma_wait3A_635] : memref<2x16x160x128xi32, #tpu.memory_space<hbm>> -> memref<1x1x8x128xi32, #tpu.memory_space<hbm>>
        %dma_wait3A_637 = tpu.memref_squeeze %dma_wait3A_636 : memref<1x1x8x128xi32, #tpu.memory_space<hbm>> -> memref<8x128xi32, #tpu.memory_space<hbm>>
        %dma_wait3A_638 = arith.constant 0 : i32
        %dma_wait3A_639 = arith.constant 0 : i32
        %dma_wait3A_640 = tpu.memref_slice %arg3[%arg0, %arg1, %dma_wait3A_638, %dma_wait3A_639] : memref<2x16x160x128xi32, #tpu.memory_space<hbm>> -> memref<1x1x8x128xi32, #tpu.memory_space<hbm>>
        %dma_wait3A_641 = tpu.memref_squeeze %dma_wait3A_640 : memref<1x1x8x128xi32, #tpu.memory_space<hbm>> -> memref<8x128xi32, #tpu.memory_space<hbm>>
        tpu.wait_dma2 semaphore(%arg16 : memref<!tpu.dma_semaphore, #tpu.memory_space<semaphore_mem>>) src(%dma_wait3A_641 : memref<8x128xi32, #tpu.memory_space<hbm>>) dst(%arg8 : memref<8x128xi32, #tpu.memory_space<vmem>>)
        %dma_wait3A_642 = arith.constant 0 : i32
        %dma_wait3A_643 = arith.constant 0 : i32
        %dma_wait3A_644 = tpu.memref_slice %arg4[%arg0, %arg1, %dma_wait3A_642, %dma_wait3A_643] : memref<2x16x160x128xi32, #tpu.memory_space<hbm>> -> memref<1x1x8x128xi32, #tpu.memory_space<hbm>>
        %dma_wait3A_645 = tpu.memref_squeeze %dma_wait3A_644 : memref<1x1x8x128xi32, #tpu.memory_space<hbm>> -> memref<8x128xi32, #tpu.memory_space<hbm>>
        %dma_wait3A_646 = arith.constant 0 : i32
        %dma_wait3A_647 = arith.constant 0 : i32
        %dma_wait3A_648 = tpu.memref_slice %arg4[%arg0, %arg1, %dma_wait3A_646, %dma_wait3A_647] : memref<2x16x160x128xi32, #tpu.memory_space<hbm>> -> memref<1x1x8x128xi32, #tpu.memory_space<hbm>>
        %dma_wait3A_649 = tpu.memref_squeeze %dma_wait3A_648 : memref<1x1x8x128xi32, #tpu.memory_space<hbm>> -> memref<8x128xi32, #tpu.memory_space<hbm>>
        tpu.wait_dma2 semaphore(%arg16 : memref<!tpu.dma_semaphore, #tpu.memory_space<semaphore_mem>>) src(%dma_wait3A_649 : memref<8x128xi32, #tpu.memory_space<hbm>>) dst(%arg10 : memref<8x128xi32, #tpu.memory_space<vmem>>)
      } else {
      }
      %dma_wait3A_612 = arith.constant 6 : i32
      %dma_wait3A_613 = arith.constant 0 : i32
      %dma_wait3A_614 = tpu.memref_slice %arg9[%dma_wait3A_612, %dma_wait3A_613] : memref<8x128xi32, #tpu.memory_space<vmem>> -> memref<1x128xi32, #tpu.memory_space<vmem>>
      %dma_wait3A_615 = tpu.memref_squeeze %dma_wait3A_614 : memref<1x128xi32, #tpu.memory_space<vmem>> -> memref<128xi32, #tpu.memory_space<vmem>>
      %dma_wait3A_616 = arith.constant 0 : i32
      %dma_wait3A_617 = arith.constant 0 : i32
      %dma_wait3A_618 = tpu.memref_slice %arg2[%dma_wait3A_616, %dma_wait3A_617] : memref<20480x128xf32, #tpu.memory_space<hbm>> -> memref<20480x128xf32, #tpu.memory_space<hbm>>
      tpu.wait_indirect_dma semaphore(%arg14 : memref<!tpu.dma_semaphore, #tpu.memory_space<semaphore_mem>>) src(%dma_wait3A_618 : memref<20480x128xf32, #tpu.memory_space<hbm>>) dst(%arg12 : memref<128x128xf32, #tpu.memory_space<vmem>>)
      %run_scoped3A_619 = arith.constant 6 : i32
      "tpu.region"() ({
        %run_scoped3A_634 = tpu.sem_alloc : memref<!tpu.dma_semaphore, #tpu.memory_space<semaphore_mem>>
        %dma_start3A_635 = arith.constant 0 : i32
        %dma_start3A_636 = tpu.memref_slice %arg11[%run_scoped3A_619, %dma_start3A_635] : memref<8x128xi32, #tpu.memory_space<vmem>> -> memref<1x128xi32, #tpu.memory_space<vmem>>
        %dma_start3A_637 = tpu.memref_squeeze %dma_start3A_636 : memref<1x128xi32, #tpu.memory_space<vmem>> -> memref<128xi32, #tpu.memory_space<vmem>>
        %dma_start3A_638 = arith.constant 0 : i32
        %dma_start3A_639 = arith.constant 0 : i32
        %dma_start3A_640 = tpu.memref_slice %arg18[%dma_start3A_638, %dma_start3A_639] : memref<10000x128xf32, #tpu.memory_space<vmem_shared>> -> memref<10000x128xf32, #tpu.memory_space<vmem_shared>>
        tpu.enqueue_indirect_dma source(%arg12 : memref<128x128xf32, #tpu.memory_space<vmem>>) target(%dma_start3A_640 : memref<10000x128xf32, #tpu.memory_space<vmem_shared>>) offsets(%dma_start3A_637 : memref<128xi32, #tpu.memory_space<vmem>>) semaphore(%run_scoped3A_634 : memref<!tpu.dma_semaphore, #tpu.memory_space<semaphore_mem>>) {add = true}
        %dma_wait3A_641 = arith.constant 0 : i32
        %dma_wait3A_642 = tpu.memref_slice %arg11[%run_scoped3A_619, %dma_wait3A_641] : memref<8x128xi32, #tpu.memory_space<vmem>> -> memref<1x128xi32, #tpu.memory_space<vmem>>
        %dma_wait3A_643 = tpu.memref_squeeze %dma_wait3A_642 : memref<1x128xi32, #tpu.memory_space<vmem>> -> memref<128xi32, #tpu.memory_space<vmem>>
        %dma_wait3A_644 = arith.constant 0 : i32
        %dma_wait3A_645 = arith.constant 0 : i32
        %dma_wait3A_646 = tpu.memref_slice %arg18[%dma_wait3A_644, %dma_wait3A_645] : memref<10000x128xf32, #tpu.memory_space<vmem_shared>> -> memref<10000x128xf32, #tpu.memory_space<vmem_shared>>
        tpu.wait_indirect_dma semaphore(%run_scoped3A_634 : memref<!tpu.dma_semaphore, #tpu.memory_space<semaphore_mem>>) src(%arg12 : memref<128x128xf32, #tpu.memory_space<vmem>>) dst(%dma_wait3A_646 : memref<10000x128xf32, #tpu.memory_space<vmem_shared>>)
        tpu.yield
      }) : () -> ()
      %convert_element_type3A_620 = arith.extui %lt3A_361 : i1 to i32
      %cond3A_621 = arith.constant 0 : i32
      %cond3A_622 = arith.cmpi ne, %convert_element_type3A_620, %cond3A_621 : i32
      scf.if %cond3A_622 {
        %dma_start3A_634 = arith.constant 0 : i32
        %dma_start3A_635 = arith.constant 0 : i32
        %dma_start3A_636 = tpu.memref_slice %arg8[%dma_start3A_634, %dma_start3A_635] : memref<8x128xi32, #tpu.memory_space<vmem>> -> memref<1x128xi32, #tpu.memory_space<vmem>>
        %dma_start3A_637 = tpu.memref_squeeze %dma_start3A_636 : memref<1x128xi32, #tpu.memory_space<vmem>> -> memref<128xi32, #tpu.memory_space<vmem>>
        %dma_start3A_638 = arith.constant 0 : i32
        %dma_start3A_639 = arith.constant 0 : i32
        %dma_start3A_640 = tpu.memref_slice %arg2[%dma_start3A_638, %dma_start3A_639] : memref<20480x128xf32, #tpu.memory_space<hbm>> -> memref<20480x128xf32, #tpu.memory_space<hbm>>
        tpu.enqueue_indirect_dma source(%dma_start3A_640 : memref<20480x128xf32, #tpu.memory_space<hbm>>) target(%arg12 : memref<128x128xf32, #tpu.memory_space<vmem>>) offsets(%dma_start3A_637 : memref<128xi32, #tpu.memory_space<vmem>>) semaphore(%arg14 : memref<!tpu.dma_semaphore, #tpu.memory_space<semaphore_mem>>)
      } else {
      }
      %dma_wait3A_623 = arith.constant 7 : i32
      %dma_wait3A_624 = arith.constant 0 : i32
      %dma_wait3A_625 = tpu.memref_slice %arg9[%dma_wait3A_623, %dma_wait3A_624] : memref<8x128xi32, #tpu.memory_space<vmem>> -> memref<1x128xi32, #tpu.memory_space<vmem>>
      %dma_wait3A_626 = tpu.memref_squeeze %dma_wait3A_625 : memref<1x128xi32, #tpu.memory_space<vmem>> -> memref<128xi32, #tpu.memory_space<vmem>>
      %dma_wait3A_627 = arith.constant 0 : i32
      %dma_wait3A_628 = arith.constant 0 : i32
      %dma_wait3A_629 = tpu.memref_slice %arg2[%dma_wait3A_627, %dma_wait3A_628] : memref<20480x128xf32, #tpu.memory_space<hbm>> -> memref<20480x128xf32, #tpu.memory_space<hbm>>
      tpu.wait_indirect_dma semaphore(%arg15 : memref<!tpu.dma_semaphore, #tpu.memory_space<semaphore_mem>>) src(%dma_wait3A_629 : memref<20480x128xf32, #tpu.memory_space<hbm>>) dst(%arg13 : memref<128x128xf32, #tpu.memory_space<vmem>>)
      %run_scoped3A_630 = arith.constant 7 : i32
      "tpu.region"() ({
        %run_scoped3A_634 = tpu.sem_alloc : memref<!tpu.dma_semaphore, #tpu.memory_space<semaphore_mem>>
        %dma_start3A_635 = arith.constant 0 : i32
        %dma_start3A_636 = tpu.memref_slice %arg11[%run_scoped3A_630, %dma_start3A_635] : memref<8x128xi32, #tpu.memory_space<vmem>> -> memref<1x128xi32, #tpu.memory_space<vmem>>
        %dma_start3A_637 = tpu.memref_squeeze %dma_start3A_636 : memref<1x128xi32, #tpu.memory_space<vmem>> -> memref<128xi32, #tpu.memory_space<vmem>>
        %dma_start3A_638 = arith.constant 0 : i32
        %dma_start3A_639 = arith.constant 0 : i32
        %dma_start3A_640 = tpu.memref_slice %arg18[%dma_start3A_638, %dma_start3A_639] : memref<10000x128xf32, #tpu.memory_space<vmem_shared>> -> memref<10000x128xf32, #tpu.memory_space<vmem_shared>>
        tpu.enqueue_indirect_dma source(%arg13 : memref<128x128xf32, #tpu.memory_space<vmem>>) target(%dma_start3A_640 : memref<10000x128xf32, #tpu.memory_space<vmem_shared>>) offsets(%dma_start3A_637 : memref<128xi32, #tpu.memory_space<vmem>>) semaphore(%run_scoped3A_634 : memref<!tpu.dma_semaphore, #tpu.memory_space<semaphore_mem>>) {add = true}
        %dma_wait3A_641 = arith.constant 0 : i32
        %dma_wait3A_642 = tpu.memref_slice %arg11[%run_scoped3A_630, %dma_wait3A_641] : memref<8x128xi32, #tpu.memory_space<vmem>> -> memref<1x128xi32, #tpu.memory_space<vmem>>
        %dma_wait3A_643 = tpu.memref_squeeze %dma_wait3A_642 : memref<1x128xi32, #tpu.memory_space<vmem>> -> memref<128xi32, #tpu.memory_space<vmem>>
        %dma_wait3A_644 = arith.constant 0 : i32
        %dma_wait3A_645 = arith.constant 0 : i32
        %dma_wait3A_646 = tpu.memref_slice %arg18[%dma_wait3A_644, %dma_wait3A_645] : memref<10000x128xf32, #tpu.memory_space<vmem_shared>> -> memref<10000x128xf32, #tpu.memory_space<vmem_shared>>
        tpu.wait_indirect_dma semaphore(%run_scoped3A_634 : memref<!tpu.dma_semaphore, #tpu.memory_space<semaphore_mem>>) src(%arg13 : memref<128x128xf32, #tpu.memory_space<vmem>>) dst(%dma_wait3A_646 : memref<10000x128xf32, #tpu.memory_space<vmem_shared>>)
        tpu.yield
      }) : () -> ()
      %convert_element_type3A_631 = arith.extui %lt3A_361 : i1 to i32
      %cond3A_632 = arith.constant 0 : i32
      %cond3A_633 = arith.cmpi ne, %convert_element_type3A_631, %cond3A_632 : i32
      scf.if %cond3A_633 {
        %dma_start3A_634 = arith.constant 1 : i32
        %dma_start3A_635 = arith.constant 0 : i32
        %dma_start3A_636 = tpu.memref_slice %arg8[%dma_start3A_634, %dma_start3A_635] : memref<8x128xi32, #tpu.memory_space<vmem>> -> memref<1x128xi32, #tpu.memory_space<vmem>>
        %dma_start3A_637 = tpu.memref_squeeze %dma_start3A_636 : memref<1x128xi32, #tpu.memory_space<vmem>> -> memref<128xi32, #tpu.memory_space<vmem>>
        %dma_start3A_638 = arith.constant 0 : i32
        %dma_start3A_639 = arith.constant 0 : i32
        %dma_start3A_640 = tpu.memref_slice %arg2[%dma_start3A_638, %dma_start3A_639] : memref<20480x128xf32, #tpu.memory_space<hbm>> -> memref<20480x128xf32, #tpu.memory_space<hbm>>
        tpu.enqueue_indirect_dma source(%dma_start3A_640 : memref<20480x128xf32, #tpu.memory_space<hbm>>) target(%arg13 : memref<128x128xf32, #tpu.memory_space<vmem>>) offsets(%dma_start3A_637 : memref<128xi32, #tpu.memory_space<vmem>>) semaphore(%arg15 : memref<!tpu.dma_semaphore, #tpu.memory_space<semaphore_mem>>)
      } else {
      }
    }
    %scan3A_348 = arith.constant 9 : i32
    %barrier3A_349 = arith.constant 0 : index
    tpu.barrier barrier_id(%barrier3A_349)
    %eq3A_350 = arith.constant 0 : i32
    %eq3A_351 = arith.cmpi eq, %arg0, %eq3A_350 : i32
    %convert_element_type3A_352 = arith.extui %eq3A_351 : i1 to i32
    %cond3A_353 = arith.constant 0 : i32
    %cond3A_354 = arith.cmpi ne, %convert_element_type3A_352, %cond3A_353 : i32
    scf.if %cond3A_354 {
      "tpu.region"() ({
        %run_scoped3A_365 = tpu.sem_alloc : memref<!tpu.dma_semaphore, #tpu.memory_space<semaphore_mem>>
        %dma_start3A_366 = arith.constant 0 : i32
        %dma_start3A_367 = tpu.memref_slice %arg7[%multiple_of3A, %dma_start3A_366] : memref<10000x128xf32, #tpu.memory_space<hbm>> -> memref<624x128xf32, #tpu.memory_space<hbm>>
        %dma_start3A_368 = arith.constant 0 : i32
        %dma_start3A_369 = tpu.memref_slice %arg18[%multiple_of3A, %dma_start3A_368] : memref<10000x128xf32, #tpu.memory_space<vmem_shared>> -> memref<624x128xf32, #tpu.memory_space<vmem_shared>>
        tpu.enqueue_dma source(%dma_start3A_369 : memref<624x128xf32, #tpu.memory_space<vmem_shared>>) target(%dma_start3A_367 : memref<624x128xf32, #tpu.memory_space<hbm>>) target_semaphore(%run_scoped3A_365 : memref<!tpu.dma_semaphore, #tpu.memory_space<semaphore_mem>>)
        %dma_wait3A_370 = arith.constant 0 : i32
        %dma_wait3A_371 = tpu.memref_slice %arg7[%multiple_of3A, %dma_wait3A_370] : memref<10000x128xf32, #tpu.memory_space<hbm>> -> memref<624x128xf32, #tpu.memory_space<hbm>>
        %dma_wait3A_372 = arith.constant 0 : i32
        %dma_wait3A_373 = tpu.memref_slice %arg18[%multiple_of3A, %dma_wait3A_372] : memref<10000x128xf32, #tpu.memory_space<vmem_shared>> -> memref<624x128xf32, #tpu.memory_space<vmem_shared>>
        tpu.wait_dma2 semaphore(%run_scoped3A_365 : memref<!tpu.dma_semaphore, #tpu.memory_space<semaphore_mem>>) src(%dma_wait3A_373 : memref<624x128xf32, #tpu.memory_space<vmem_shared>>) dst(%dma_wait3A_371 : memref<624x128xf32, #tpu.memory_space<hbm>>)
        tpu.yield
      }) : () -> ()
      %eq3A_360 = arith.constant 15 : i32
      %eq3A_361 = arith.cmpi eq, %arg1, %eq3A_360 : i32
      %convert_element_type3A_362 = arith.extui %eq3A_361 : i1 to i32
      %cond3A_363 = arith.constant 0 : i32
      %cond3A_364 = arith.cmpi ne, %convert_element_type3A_362, %cond3A_363 : i32
      scf.if %cond3A_364 {
        "tpu.region"() ({
          %run_scoped3A_365 = tpu.sem_alloc : memref<!tpu.dma_semaphore, #tpu.memory_space<semaphore_mem>>
          %dma_start3A_366 = arith.constant 9984 : i32
          %dma_start3A_367 = arith.constant 0 : i32
          %dma_start3A_368 = tpu.memref_slice %arg7[%dma_start3A_366, %dma_start3A_367] : memref<10000x128xf32, #tpu.memory_space<hbm>> -> memref<16x128xf32, #tpu.memory_space<hbm>>
          %dma_start3A_369 = arith.constant 9984 : i32
          %dma_start3A_370 = arith.constant 0 : i32
          %dma_start3A_371 = tpu.memref_slice %arg18[%dma_start3A_369, %dma_start3A_370] : memref<10000x128xf32, #tpu.memory_space<vmem_shared>> -> memref<16x128xf32, #tpu.memory_space<vmem_shared>>
          tpu.enqueue_dma source(%dma_start3A_371 : memref<16x128xf32, #tpu.memory_space<vmem_shared>>) target(%dma_start3A_368 : memref<16x128xf32, #tpu.memory_space<hbm>>) target_semaphore(%run_scoped3A_365 : memref<!tpu.dma_semaphore, #tpu.memory_space<semaphore_mem>>)
          %dma_wait3A_372 = arith.constant 9984 : i32
          %dma_wait3A_373 = arith.constant 0 : i32
          %dma_wait3A_374 = tpu.memref_slice %arg7[%dma_wait3A_372, %dma_wait3A_373] : memref<10000x128xf32, #tpu.memory_space<hbm>> -> memref<16x128xf32, #tpu.memory_space<hbm>>
          %dma_wait3A_375 = arith.constant 9984 : i32
          %dma_wait3A_376 = arith.constant 0 : i32
          %dma_wait3A_377 = tpu.memref_slice %arg18[%dma_wait3A_375, %dma_wait3A_376] : memref<10000x128xf32, #tpu.memory_space<vmem_shared>> -> memref<16x128xf32, #tpu.memory_space<vmem_shared>>
          tpu.wait_dma2 semaphore(%run_scoped3A_365 : memref<!tpu.dma_semaphore, #tpu.memory_space<semaphore_mem>>) src(%dma_wait3A_377 : memref<16x128xf32, #tpu.memory_space<vmem_shared>>) dst(%dma_wait3A_374 : memref<16x128xf32, #tpu.memory_space<hbm>>)
          tpu.yield
        }) : () -> ()
      } else {
      }
    } else {
    }
    %eq3A_355 = arith.constant 1 : i32
    %eq3A_356 = arith.cmpi eq, %arg0, %eq3A_355 : i32
    %convert_element_type3A_357 = arith.extui %eq3A_356 : i1 to i32
    %cond3A_358 = arith.constant 0 : i32
    %cond3A_359 = arith.cmpi ne, %convert_element_type3A_357, %cond3A_358 : i32
    scf.if %cond3A_359 {
      "tpu.region"() ({
        %run_scoped3A_365 = tpu.sem_alloc : memref<!tpu.dma_semaphore, #tpu.memory_space<semaphore_mem>>
        %dma_start3A_366 = arith.constant 0 : i32
        %dma_start3A_367 = tpu.memref_slice %arg6[%multiple_of3A, %dma_start3A_366] : memref<10000x128xf32, #tpu.memory_space<hbm>> -> memref<624x128xf32, #tpu.memory_space<hbm>>
        %dma_start3A_368 = arith.constant 0 : i32
        %dma_start3A_369 = tpu.memref_slice %arg18[%multiple_of3A, %dma_start3A_368] : memref<10000x128xf32, #tpu.memory_space<vmem_shared>> -> memref<624x128xf32, #tpu.memory_space<vmem_shared>>
        tpu.enqueue_dma source(%dma_start3A_369 : memref<624x128xf32, #tpu.memory_space<vmem_shared>>) target(%dma_start3A_367 : memref<624x128xf32, #tpu.memory_space<hbm>>) target_semaphore(%run_scoped3A_365 : memref<!tpu.dma_semaphore, #tpu.memory_space<semaphore_mem>>)
        %dma_wait3A_370 = arith.constant 0 : i32
        %dma_wait3A_371 = tpu.memref_slice %arg6[%multiple_of3A, %dma_wait3A_370] : memref<10000x128xf32, #tpu.memory_space<hbm>> -> memref<624x128xf32, #tpu.memory_space<hbm>>
        %dma_wait3A_372 = arith.constant 0 : i32
        %dma_wait3A_373 = tpu.memref_slice %arg18[%multiple_of3A, %dma_wait3A_372] : memref<10000x128xf32, #tpu.memory_space<vmem_shared>> -> memref<624x128xf32, #tpu.memory_space<vmem_shared>>
        tpu.wait_dma2 semaphore(%run_scoped3A_365 : memref<!tpu.dma_semaphore, #tpu.memory_space<semaphore_mem>>) src(%dma_wait3A_373 : memref<624x128xf32, #tpu.memory_space<vmem_shared>>) dst(%dma_wait3A_371 : memref<624x128xf32, #tpu.memory_space<hbm>>)
        tpu.yield
      }) : () -> ()
      %eq3A_360 = arith.constant 15 : i32
      %eq3A_361 = arith.cmpi eq, %arg1, %eq3A_360 : i32
      %convert_element_type3A_362 = arith.extui %eq3A_361 : i1 to i32
      %cond3A_363 = arith.constant 0 : i32
      %cond3A_364 = arith.cmpi ne, %convert_element_type3A_362, %cond3A_363 : i32
      scf.if %cond3A_364 {
        "tpu.region"() ({
          %run_scoped3A_365 = tpu.sem_alloc : memref<!tpu.dma_semaphore, #tpu.memory_space<semaphore_mem>>
          %dma_start3A_366 = arith.constant 9984 : i32
          %dma_start3A_367 = arith.constant 0 : i32
          %dma_start3A_368 = tpu.memref_slice %arg6[%dma_start3A_366, %dma_start3A_367] : memref<10000x128xf32, #tpu.memory_space<hbm>> -> memref<16x128xf32, #tpu.memory_space<hbm>>
          %dma_start3A_369 = arith.constant 9984 : i32
          %dma_start3A_370 = arith.constant 0 : i32
          %dma_start3A_371 = tpu.memref_slice %arg18[%dma_start3A_369, %dma_start3A_370] : memref<10000x128xf32, #tpu.memory_space<vmem_shared>> -> memref<16x128xf32, #tpu.memory_space<vmem_shared>>
          tpu.enqueue_dma source(%dma_start3A_371 : memref<16x128xf32, #tpu.memory_space<vmem_shared>>) target(%dma_start3A_368 : memref<16x128xf32, #tpu.memory_space<hbm>>) target_semaphore(%run_scoped3A_365 : memref<!tpu.dma_semaphore, #tpu.memory_space<semaphore_mem>>)
          %dma_wait3A_372 = arith.constant 9984 : i32
          %dma_wait3A_373 = arith.constant 0 : i32
          %dma_wait3A_374 = tpu.memref_slice %arg6[%dma_wait3A_372, %dma_wait3A_373] : memref<10000x128xf32, #tpu.memory_space<hbm>> -> memref<16x128xf32, #tpu.memory_space<hbm>>
          %dma_wait3A_375 = arith.constant 9984 : i32
          %dma_wait3A_376 = arith.constant 0 : i32
          %dma_wait3A_377 = tpu.memref_slice %arg18[%dma_wait3A_375, %dma_wait3A_376] : memref<10000x128xf32, #tpu.memory_space<vmem_shared>> -> memref<16x128xf32, #tpu.memory_space<vmem_shared>>
          tpu.wait_dma2 semaphore(%run_scoped3A_365 : memref<!tpu.dma_semaphore, #tpu.memory_space<semaphore_mem>>) src(%dma_wait3A_377 : memref<16x128xf32, #tpu.memory_space<vmem_shared>>) dst(%dma_wait3A_374 : memref<16x128xf32, #tpu.memory_space<hbm>>)
          tpu.yield
        }) : () -> ()
      } else {
      }
    } else {
    }
    return
  }
}

module attributes {stable_mosaic.version = 14 : i64} {
  func.func @body(%arg0: i32, %arg1: memref<256x128xf32, #tpu.memory_space<vmem>>, %arg2: memref<256x128xf32, #tpu.memory_space<vmem>>, %arg3: memref<128x128xf32, #tpu.memory_space<vmem>>, %arg4: memref<128x128xf32, #tpu.memory_space<vmem>>, %arg5: memref<128x128xf32, #tpu.memory_space<vmem>>, %arg6: memref<128x128xf32, #tpu.memory_space<vmem>>, %arg7: memref<2x256x128xf32, #tpu.memory_space<vmem>>, %arg8: memref<2x256x128xf32, #tpu.memory_space<vmem>>) attributes {dimension_semantics = [#tpu.dimension_semantics<arbitrary>], iteration_bounds = array<i64: 40>, scalar_prefetch = 0 : i64, scratch_operands = 0 : i64, tpu.core_type = #tpu.core_type<tc>, window_params = [{transform_indices = @transform_0, window_bounds = array<i64: 256, 128>}, {transform_indices = @transform_1, window_bounds = array<i64: 256, 128>}, {pipeline_mode = #tpu.pipeline_mode<synchronous>, transform_indices = @transform_2, window_bounds = array<i64: 128, 128>}, {pipeline_mode = #tpu.pipeline_mode<synchronous>, transform_indices = @transform_3, window_bounds = array<i64: 128, 128>}, {pipeline_mode = #tpu.pipeline_mode<synchronous>, transform_indices = @transform_4, window_bounds = array<i64: 128, 128>}, {pipeline_mode = #tpu.pipeline_mode<synchronous>, transform_indices = @transform_5, window_bounds = array<i64: 128, 128>}, {transform_indices = @transform_6, window_bounds = array<i64: 2, 256, 128>}, {transform_indices = @transform_7, window_bounds = array<i64: 2, 256, 128>}]} {
    %get3A = arith.constant 0 : index
    %get3A_0 = arith.constant 0 : index
    %get3A_1 = vector.load %arg1[%get3A, %get3A_0] : memref<256x128xf32, #tpu.memory_space<vmem>>, vector<256x128xf32>
    %get3A_2 = arith.constant 0 : index
    %get3A_3 = arith.constant 0 : index
    %get3A_4 = vector.load %arg2[%get3A_2, %get3A_3] : memref<256x128xf32, #tpu.memory_space<vmem>>, vector<256x128xf32>
    %get3A_5 = arith.constant 0 : index
    %get3A_6 = arith.constant 0 : index
    %get3A_7 = vector.load %arg3[%get3A_5, %get3A_6] : memref<128x128xf32, #tpu.memory_space<vmem>>, vector<128x128xf32>
    %dot_general3A = arith.constant dense<0.000000e+00> : vector<256x128xf32>
    %dot_general3A_8 = tpu.matmul %get3A_1, %get3A_7, %dot_general3A {dimension_numbers = #tpu.dot_dimension_numbers<[1], [0], [0], [1], [0, 0, 1, 1], [], []>, transpose_lhs_hint = false} : vector<256x128xf32>, vector<128x128xf32>, vector<256x128xf32> -> vector<256x128xf32>
    %swap3A = arith.constant 0 : index
    %swap3A_9 = arith.constant 0 : index
    %swap3A_10 = arith.constant 0 : index
    %swap3A_11 = vector.load %arg7[%swap3A, %swap3A_9, %swap3A_10] : memref<2x256x128xf32, #tpu.memory_space<vmem>>, vector<1x256x128xf32>
    %swap3A_12 = vector.shape_cast %swap3A_11 : vector<1x256x128xf32> to vector<256x128xf32>
    %swap3A_13 = vector.shape_cast %dot_general3A_8 : vector<256x128xf32> to vector<1x256x128xf32>
    tpu.vector_store %arg7[%swap3A, %swap3A_9, %swap3A_10], %swap3A_13 {strides = array<i32>} : memref<2x256x128xf32, #tpu.memory_space<vmem>>, vector<1x256x128xf32>,
    %get3A_14 = arith.constant 0 : index
    %get3A_15 = arith.constant 0 : index
    %get3A_16 = vector.load %arg5[%get3A_14, %get3A_15] : memref<128x128xf32, #tpu.memory_space<vmem>>, vector<128x128xf32>
    %dot_general3A_17 = arith.constant dense<0.000000e+00> : vector<256x128xf32>
    %dot_general3A_18 = tpu.matmul %get3A_4, %get3A_16, %dot_general3A_17 {dimension_numbers = #tpu.dot_dimension_numbers<[1], [0], [0], [1], [0, 0, 1, 1], [], []>, transpose_lhs_hint = false} : vector<256x128xf32>, vector<128x128xf32>, vector<256x128xf32> -> vector<256x128xf32>
    %swap3A_19 = arith.constant 1 : index
    %swap3A_20 = arith.constant 0 : index
    %swap3A_21 = arith.constant 0 : index
    %swap3A_22 = vector.load %arg7[%swap3A_19, %swap3A_20, %swap3A_21] : memref<2x256x128xf32, #tpu.memory_space<vmem>>, vector<1x256x128xf32>
    %swap3A_23 = vector.shape_cast %swap3A_22 : vector<1x256x128xf32> to vector<256x128xf32>
    %swap3A_24 = vector.shape_cast %dot_general3A_18 : vector<256x128xf32> to vector<1x256x128xf32>
    tpu.vector_store %arg7[%swap3A_19, %swap3A_20, %swap3A_21], %swap3A_24 {strides = array<i32>} : memref<2x256x128xf32, #tpu.memory_space<vmem>>, vector<1x256x128xf32>,
    %get3A_25 = arith.constant 0 : index
    %get3A_26 = arith.constant 0 : index
    %get3A_27 = vector.load %arg4[%get3A_25, %get3A_26] : memref<128x128xf32, #tpu.memory_space<vmem>>, vector<128x128xf32>
    %dot_general3A_28 = arith.constant dense<0.000000e+00> : vector<256x128xf32>
    %dot_general3A_29 = tpu.matmul %get3A_4, %get3A_27, %dot_general3A_28 {dimension_numbers = #tpu.dot_dimension_numbers<[1], [0], [0], [1], [0, 0, 1, 1], [], []>, transpose_lhs_hint = false} : vector<256x128xf32>, vector<128x128xf32>, vector<256x128xf32> -> vector<256x128xf32>
    %swap3A_30 = arith.constant 0 : index
    %swap3A_31 = arith.constant 0 : index
    %swap3A_32 = arith.constant 0 : index
    %swap3A_33 = vector.load %arg8[%swap3A_30, %swap3A_31, %swap3A_32] : memref<2x256x128xf32, #tpu.memory_space<vmem>>, vector<1x256x128xf32>
    %swap3A_34 = vector.shape_cast %swap3A_33 : vector<1x256x128xf32> to vector<256x128xf32>
    %swap3A_35 = vector.shape_cast %dot_general3A_29 : vector<256x128xf32> to vector<1x256x128xf32>
    tpu.vector_store %arg8[%swap3A_30, %swap3A_31, %swap3A_32], %swap3A_35 {strides = array<i32>} : memref<2x256x128xf32, #tpu.memory_space<vmem>>, vector<1x256x128xf32>,
    %get3A_36 = arith.constant 0 : index
    %get3A_37 = arith.constant 0 : index
    %get3A_38 = vector.load %arg6[%get3A_36, %get3A_37] : memref<128x128xf32, #tpu.memory_space<vmem>>, vector<128x128xf32>
    %dot_general3A_39 = arith.constant dense<0.000000e+00> : vector<256x128xf32>
    %dot_general3A_40 = tpu.matmul %get3A_1, %get3A_38, %dot_general3A_39 {dimension_numbers = #tpu.dot_dimension_numbers<[1], [0], [0], [1], [0, 0, 1, 1], [], []>, transpose_lhs_hint = false} : vector<256x128xf32>, vector<128x128xf32>, vector<256x128xf32> -> vector<256x128xf32>
    %swap3A_41 = arith.constant 1 : index
    %swap3A_42 = arith.constant 0 : index
    %swap3A_43 = arith.constant 0 : index
    %swap3A_44 = vector.load %arg8[%swap3A_41, %swap3A_42, %swap3A_43] : memref<2x256x128xf32, #tpu.memory_space<vmem>>, vector<1x256x128xf32>
    %swap3A_45 = vector.shape_cast %swap3A_44 : vector<1x256x128xf32> to vector<256x128xf32>
    %swap3A_46 = vector.shape_cast %dot_general3A_40 : vector<256x128xf32> to vector<1x256x128xf32>
    tpu.vector_store %arg8[%swap3A_41, %swap3A_42, %swap3A_43], %swap3A_46 {strides = array<i32>} : memref<2x256x128xf32, #tpu.memory_space<vmem>>, vector<1x256x128xf32>,
    return
  }
  func.func @transform_0(%arg0: i32) -> (i32, i32) {
    %c0_i32 = arith.constant 0 : i32
    %c0_i32_0 = arith.constant 0 : i32
    return %arg0, %c0_i32 : i32, i32
  }
  func.func @transform_1(%arg0: i32) -> (i32, i32) {
    %c0_i32 = arith.constant 0 : i32
    %c0_i32_0 = arith.constant 0 : i32
    return %arg0, %c0_i32 : i32, i32
  }
  func.func @transform_2(%arg0: i32) -> (i32, i32) {
    %c0_i32 = arith.constant 0 : i32
    %c0_i32_0 = arith.constant 0 : i32
    %c0_i32_1 = arith.constant 0 : i32
    return %c0_i32, %c0_i32_0 : i32, i32
  }
  func.func @transform_3(%arg0: i32) -> (i32, i32) {
    %c0_i32 = arith.constant 0 : i32
    %c0_i32_0 = arith.constant 0 : i32
    %c0_i32_1 = arith.constant 0 : i32
    return %c0_i32, %c0_i32_0 : i32, i32
  }
  func.func @transform_4(%arg0: i32) -> (i32, i32) {
    %c0_i32 = arith.constant 0 : i32
    %c0_i32_0 = arith.constant 0 : i32
    %c0_i32_1 = arith.constant 0 : i32
    return %c0_i32, %c0_i32_0 : i32, i32
  }
  func.func @transform_5(%arg0: i32) -> (i32, i32) {
    %c0_i32 = arith.constant 0 : i32
    %c0_i32_0 = arith.constant 0 : i32
    %c0_i32_1 = arith.constant 0 : i32
    return %c0_i32, %c0_i32_0 : i32, i32
  }
  func.func @transform_6(%arg0: i32) -> (i32, i32, i32) {
    %c0_i32 = arith.constant 0 : i32
    %c0_i32_0 = arith.constant 0 : i32
    %c0_i32_1 = arith.constant 0 : i32
    return %c0_i32, %arg0, %c0_i32_0 : i32, i32, i32
  }
  func.func @transform_7(%arg0: i32) -> (i32, i32, i32) {
    %c0_i32 = arith.constant 0 : i32
    %c0_i32_0 = arith.constant 0 : i32
    %c0_i32_1 = arith.constant 0 : i32
    return %c0_i32, %arg0, %c0_i32_0 : i32, i32, i32
  }
}

</mosaic_0001>

<sc_bundles>
// kernel: kernel.4.cloned.1.call-start
scs
__scs_entry_jumppad:
0x0: {  	(pc) =	sbr.rel $0x88, $3  }
0x1: {  	(tag) =	ssettag $0x0;
	lr =	simm.s32 $0x1  }
0x2: {  	[smem:$0x3F99] =	sst lr;
	_ =	strace $0xD0000000  }
0x3: {  	_ = 	snop  }
0x4: {  	_ = 	snop  }
0x5: {  	_ = 	snop  }
0x6: {  	_ = 	snop  }
0x7: {  	_ = 	snop  }
__scs_overlays_trampoline_lowered:
0x8: {  	[smem:$0x3FA8] =	sst s0  }
0x9: {  	[smem:$0x3FA9] =	sst s1  }
0xa: {  	[smem:$0x3FAA] =	sst s2  }
0xb: {  	[smem:$0x3FAB] =	sst s3  }
0xc: {  	[smem:$0x3FAC] =	sst s4  }
0xd: {  	[smem:$0x3FAD] =	sst s5  }
0xe: {  	[smem:$0x3FAE] =	sst s6  }
0xf: {  	[smem:$0x3FAF] =	sst s7  }
0x10: {  	[smem:$0x3FB0] =	sst s8  }
0x11: {  	[smem:$0x3FB1] =	sst s9;
	s0 =	simm.s32 @!p0 $0x0  }
0x12: {  	s1 =	sld [smem:$0x3F97];
	s0 =	simm.s32 @p0 $0x1  }
0x13: {  	[smem:$0x3FB2] =	sst s0;
	s0 =	simm.s32 @!p1 $0x0  }
0x14: {  	s2 =	sld [smem:$0x3F96];
	s0 =	simm.s32 @p1 $0x1  }
0x15: {  	[smem:$0x3FB3] =	sst s0;
	s0 =	simm.s32 @!p2 $0x0  }
0x16: {  	s3 =	sld [smem:$0x3FDB];
	s0 =	simm.s32 @p2 $0x1  }
0x17: {  	s4 =	simm.s32 $0x1BF5;
	[smem:$0x3FB5] =	sst s0  }
0x18: {  	s0 =	sld [smem:$0x3F98];
	_ =	swait.ge [sflag:s4], $0x0  }
0x19: {  	s7 =	sld [smem:$0x3F99]  }
0x1a: {  	s8 =	sadd.s32 $0xFFFFE003, lr  }
0x1b: {  	s9 =	sadd.s32 $0xFFFFFEF7, lr;
	s5 =	simm.s32 $0xFFFFFFFF;
	p2 =	slt.u32 s8, $0xFFFFF086  }
0x1c: {  	p1 =	slt.u32 s9, $0xF7A;
	s5 =	simm.s32 @!p2 $0x0  }
0x1d: {  	s5 =	simm.s32 @p1 $0x1;
	p0 =	seq.s32 s7, s2  }
0x1e: {  	s7 =	smul.u32 @!p0 $0xF7A, s2;
	p2 =	seq.s32 @!p0 s5, $0x0  }
0x1f: {  	s9 =	smul.u32 $0xF7A, s1;
	s8 =	simm.s32 @!p0 $0x1BF5;
	p2 =	por !p2, p0  }
0x20: {  	[sflag:s8] =	ssyncset.s32 @!p0 $0xFFFFF086;
	s6 =	sadd.s32 @!p0 s3, s7;
	s7 =	simm.s32 @!p0 $0x108  }
0x21: {  	s3 =	sadd.s32 s3, s9;
	s6 =	sadd.s32 @!p0 $0x88, s6;
	s7 =	simm.s32 @p2 $0x1082  }
0x22: {  	[simem:s7], [sflag:s8] =	dma.local @!p0 [hbm:s6], $0xF7A  }
0x23: {  	s9 =	sor.u32 $0xD0000000, s2;
	s6 =	simm.s32 $0x108;
	_ =	swait.ge @!p0 [sflag:s8], $0x0  }
0x24: {  	s3 =	sadd.s32 $0x88, s3;
	s6 =	simm.s32 @!p1 $0x1082;
	[sflag:s4] =	ssyncset.s32 $0xFFFFF086  }
0x25: {  	[simem:s6], [sflag:s4] =	dma.local [hbm:s3], $0xF7A  }
0x26: {  	[smem:$0x3F99] =	sst s1;
	(tag) =	ssettag s2;
	_ =	strace s9  }
0x27: {  	s1 =	sld [smem:$0x3FA9]  }
0x28: {  	s2 =	sld [smem:$0x3FAA]  }
0x29: {  	s4 =	sld [smem:$0x3FAC]  }
0x2a: {  	p0 =	seq.s32 s5, $0x0;
	s5 =	sld [smem:$0x3FAD]  }
0x2b: {  	s6 =	sld [smem:$0x3FAE]  }
0x2c: {  	s7 =	sld [smem:$0x3FAF]  }
0x2d: {  	s3 =	simm.s32 $0x108;
	s8 =	sld [smem:$0x3FB0]  }
0x2e: {  	s3 =	simm.s32 @!p0 $0x1082;
	s9 =	sld [smem:$0x3FB1]  }
0x2f: {  	lr =	sadd.s32 s0, s3;
	s0 =	sld [smem:$0x3FA8]  }
0x30: {  	s3 =	sld [smem:$0x3FAB]  }
0x31: {  	[smem:$0x3FB4] =	sst s10  }
0x32: {  	s10 =	sld [smem:$0x3FB2];
	_ =	sdelay $0x3  }
0x33: {  	p0 =	seq.s32 s10, $0x1;
	s10 =	sld [smem:$0x3FB4];
	_ =	sdelay $0x3  }
0x34: {  	[smem:$0x3FB4] =	sst s10  }
0x35: {  	s10 =	sld [smem:$0x3FB3];
	_ =	sdelay $0x3  }
0x36: {  	p1 =	seq.s32 s10, $0x1;
	s10 =	sld [smem:$0x3FB4];
	_ =	sdelay $0x3  }
0x37: {  	[smem:$0x3FB4] =	sst s10  }
0x38: {  	s10 =	sld [smem:$0x3FB5]  }
0x39: {  	_ = 	snop;
	(pc) =	sbr.ind lr, $3  }
0x3a: {  	_ = 	snop  }
0x3b: {  	_ = 	snop  }
0x3c: {  	p2 =	seq.s32 s10, $0x1;
	s10 =	sld [smem:$0x3FB4]  }
0x3d: {  	_ =	shalt  }
0x3e: {  	_ =	shalt  }
0x3f: {  	_ =	shalt  }
0x40: {  	_ =	shalt  }
0x41: {  	_ =	shalt  }
0x42: {  	_ =	shalt  }
0x43: {  	_ =	shalt  }
0x44: {  	_ =	shalt  }
0x45: {  	_ =	shalt  }
0x46: {  	_ =	shalt  }
0x47: {  	_ =	shalt  }
0x48: {  	_ =	shalt  }
0x49: {  	_ =	shalt  }
0x4a: {  	_ =	shalt  }
0x4b: {  	_ =	shalt  }
0x4c: {  	_ =	shalt  }
0x4d: {  	_ =	shalt  }
0x4e: {  	_ =	shalt  }
0x4f: {  	_ =	shalt  }
0x50: {  	_ =	shalt  }
0x51: {  	_ =	shalt  }
0x52: {  	_ =	shalt  }
0x53: {  	_ =	shalt  }
0x54: {  	_ =	shalt  }
0x55: {  	_ =	shalt  }
0x56: {  	_ =	shalt  }
0x57: {  	_ =	shalt  }
0x58: {  	_ =	shalt  }
0x59: {  	_ =	shalt  }
0x5a: {  	_ =	shalt  }
0x5b: {  	_ =	shalt  }
0x5c: {  	_ =	shalt  }
0x5d: {  	_ =	shalt  }
0x5e: {  	_ =	shalt  }
0x5f: {  	_ =	shalt  }
0x60: {  	_ =	shalt  }
0x61: {  	_ =	shalt  }
0x62: {  	_ =	shalt  }
0x63: {  	_ =	shalt  }
0x64: {  	_ =	shalt  }
0x65: {  	_ =	shalt  }
0x66: {  	_ =	shalt  }
0x67: {  	_ =	shalt  }
0x68: {  	_ =	shalt  }
0x69: {  	_ =	shalt  }
0x6a: {  	_ =	shalt  }
0x6b: {  	_ =	shalt  }
0x6c: {  	_ =	shalt  }
0x6d: {  	_ =	shalt  }
0x6e: {  	_ =	shalt  }
0x6f: {  	_ =	shalt  }
0x70: {  	_ =	shalt  }
0x71: {  	_ =	shalt  }
0x72: {  	_ =	shalt  }
0x73: {  	_ =	shalt  }
0x74: {  	_ =	shalt  }
0x75: {  	_ =	shalt  }
0x76: {  	_ =	shalt  }
0x77: {  	_ =	shalt  }
0x78: {  	_ =	shalt  }
0x79: {  	_ =	shalt  }
0x7a: {  	_ =	shalt  }
0x7b: {  	_ =	shalt  }
0x7c: {  	_ =	shalt  }
0x7d: {  	_ =	shalt  }
0x7e: {  	_ =	shalt  }
0x7f: {  	_ =	shalt  }
0x80: {  	_ =	shalt  }
0x81: {  	_ =	shalt  }
0x82: {  	_ =	shalt  }
0x83: {  	_ =	shalt  }
0x84: {  	_ =	shalt  }
0x85: {  	_ =	shalt  }
0x86: {  	_ =	shalt  }
0x87: {  	_ =	shalt  }
.Lfunc_end0:
.L_simem_size_0:
called_computation_lowered:
.L_overlay_start_0:
0x88: {  	s2 =	sld [smem:$0x3FD9]  }
0x89: {  	s3 =	sld [smem:$0x3FFE];
	_ =	sdelay $0x1  }
0x8a: {  	s1 =	srdreg.scid  }
0x8b: {  	s0 =	sand.u32 $0x1, s1  }
0x8c: {  	s14 =	sshll.u32 s0, $0xA;
	s2 =	sadd.s32 s3, s2  }
0x8d: {  	s2 =	sadd.s32 s2, s14  }
0x8e: {  	[smem:$0x3FC0] =	sst s2  }
0x8f: {  	_ = 	snop  }
0x90: {  	s2 =	sld [smem:$0x3FD0];
	_ =	sdelay $0x2  }
0x91: {  	s15 =	simm.s32 $0xA;
	s4 =	simm.s32 $0x10  }
0x92: {  	[smem:s4], [sflag:s15] =	dma.local [hbm:s2], $0x1  }
0x93: {  	_ =	swait.eq [sflag:s15], $0x1  }
0x94: {  	[sflag:s15] =	ssyncset.done $0x0  }
0x95: {  	s16 =	sld [smem:$0x10];
	[sflag:s15] =	ssyncadd.s32 $0xFFFFFFFF  }
0x96: {  	s17 =	sld [smem:$0x11];
	(tm) =	ssettm $0x1  }
0x97: {  	s18 =	sld [smem:$0x3FFB];
	_ =	sdelay $0x3  }
0x98: {  	_ =	strace s18  }
0x99: {  	s4 =	sld [smem:$0x3FFC];
	_ =	sdelay $0x3  }
0x9a: {  	_ =	strace s4  }
0x9b: {  	s4 =	sld [smem:$0x3FFD];
	_ =	sdelay $0x3  }
0x9c: {  	_ =	strace s4  }
0x9d: {  	_ =	strace $0x8FFFFFFF  }
0x9e: {  	s19 =	sld [smem:$0x3FDB];
	_ =	sdelay $0x1  }
0x9f: {  	s5 =	simm.s32 $_scs_section_size  }
0xa0: {  	s6 =	simm.s32 $_size__tile_overlayer_lowered;
	s7 =	simm.s32 $_tile_overlayer_lowered  }
0xa1: {  	s22 =	simm.s32 $0x1BFF;
	s21 =	sshll.u32 s7, $0x1;
	s4 =	sadd.s32 s5, s19  }
0xa2: {  	s8 =	simm.s32 $0x0;
	s20 =	sshll.u32 s6, $0x1;
	s6 =	sadd.s32 s21, s4  }
0xa3: {  	[timem:s8], [sflag:s22] =	dma.local [hbm:s6], s20  }
0xa4: {  	_ =	swait.ge [sflag:s22], s20  }
0xa5: {  	s5 =	ssub.s32 $0x0, s20;
	[sflag:s22] =	ssyncset.done $0x0  }
0xa6: {  	[sflag:s22] =	ssyncadd.s32 s5;
	_ =	sdelay $0x1  }
0xa7: {  	s23 =	simm.s32 $0x1B8B  }
0xa8: {  	_ =	swait.ge [sflag:s23], $0x1  }
0xa9: {  	[sflag:s23] =	ssyncset.done $0x0  }
0xaa: {  	s25 =	simm.s32 $0x1B8E;
	s24 =	sld [smem:$0x3FFE];
	[sflag:s23] =	ssyncadd.s32 $0xFFFFFFFF  }
0xab: {  	s26 =	simm.s32 $execute0_lowered;
	[smem:$0x3FD2] =	sst s25  }
0xac: {  	s6 =	sshll.u32 s26, $0x1;
	_ =	strace $0x80000046;
	[dreg:$0x1] =	wrdreg $0xFFFFFFFF  }
0xad: {  	s28 =	simm.s32 $_size_execute0_lowered;
	s4 =	sadd.s32 s4, s6;
	[dreg:$0x0] =	wrdreg $0x0  }
0xae: {  	s6 =	sshll.u32 s28, $0x1;
	[dreg:$0x2] =	wrdreg s4  }
0xaf: {  	[dreg:$0x3] =	wrdreg s6  }
0xb0: {  	[dreg:$0x4] =	wrdreg $0xC0  }
0xb1: {  	_ =	task [dreg:s8], $0x5FFFF  }
0xb2: {  	[dreg:$0x1] =	wrdreg $0xFFFFFFFF  }
0xb3: {  	[dreg:$0x0] =	wrdreg $0x60  }
0xb4: {  	[dreg:$0x2] =	wrdreg s24  }
0xb5: {  	[dreg:$0x3] =	wrdreg s16  }
0xb6: {  	[dreg:$0x4] =	wrdreg s17  }
0xb7: {  	[dreg:$0x5] =	wrdreg $0x90000  }
0xb8: {  	[dreg:$0x6] =	wrdreg $0x9  }
0xb9: {  	_ =	task.clear_ibuf [dreg:s8], $0x7FFFF;
	_ =	strace $0x90000046  }
0xba: {  	s29 =	simm.s32 $0x9;
	_ =	strace $0x80000048  }
0xbb: {  	_ =	swait.ge [sflag:s29], $0x1  }
0xbc: {  	[sflag:s29] =	ssyncadd.s32 $0xFFFFFFFF  }
0xbd: {  	_ =	strace $0x90000048  }
0xbe: {  	_ =	sfence  }
0xbf: {  	s30 =	sld [smem:$0x0];
	_ =	sdelay $0x2  }
0xc0: {  	s31 =	sshll.u32 s1, $0xD;
	s1 =	sshrl.u32 s1, $0x2  }
0xc1: {  	s3 =	sand.u32 $0x4000, s31;
	s1 =	sadd.s32 s1, s30  }
0xc2: {  	s0 =	sor.u32 s3, s0;
	s1 =	sshll.u32 s1, $0x11  }
0xc3: {  	s0 =	sor.u32 s1, s0  }
0xc4: {  	s0 =	sadd.s32 $0x8F2B, s0  }
0xc5: {  	[sflag:s0] =	ssyncadd.remote.s32 $0x1  }
0xc6: {  	_ =	sfence.sel $0xFFFF  }
0xc7: {  	[dreg:$0x0] =	wrdreg $0xFFFFFFFF;
	(pc) =	sbr.abs _section_cstart, $3  }
0xc8: {  	[dreg:$0x1] =	wrdreg $0xFFFFFFFF  }
0xc9: {  	_ =	task.clear_ibuf [dreg:s8], $0x2FFFF;
	_ =	strace $0x9FFFFFFF  }
0xca: {  	(tm) =	ssettm $0x7FFFFFFF  }
0xcb: {  	_ =	shalt  }
tec
execute0_lowered:
.L_overlay_start_1:
0x0: {  	(tag) =	ssettag $0x1  }
0x1: {  	s0 =	rddreg [dreg:$0x0]  }
0x2: {  	s14 =	rddreg [dreg:$0x1]  }
0x3: {  	s15 =	rddreg [dreg:$0x2]  }
0x4: {  	s3 =	rddreg [dreg:$0x3];
	s4 =	simm.s32 $0x0  }
0x5: {  	s1 =	srdreg.scid;
	s16 =	stileid.u32;
	s29 =	simm.s32 $0x80  }
0x6: {  	s30 =	simm.s32 $0x1000;
	s31 =	simm.s32 $0x5000;
	[smem:$0x7FF] =	sst s4  }
0x7: {  	s6 =	sadd.s32 $0x78800, s0;
	s1 =	sand.u32 $0x1, s1;
	s9 =	smul.u32 $0x13800, s16  }
0x8: {  	s2 =	sadd.s32 $0x800, s0;
	s7 =	sadd.s32 $0x14800, s0;
	s11 =	smul.u32 $0x4E000, s16  }
0x9: {  	s0 =	sadd.s32 $0x28800, s0;
	s13 =	smul.u32 $0x5000, s16;
	s26 =	sshll.u32 s16, $0x6  }
0xa: {  	p1 =	sne.s32 s16, $0xF;
	p2 =	seq.s32 s16, $0xF;
	s16 =	simm.s32 $0xE80  }
0xb: {  	_ =	strace $0x80000047;
	s5 =	smul.u32 $0x140000, s1;
	s8 =	ssub.s32 $0x2, s1  }
0xc: {  	s12 =	smul.u32 $0x50000, s1;
	s26 =	sor.u32 $0x1C05, s26;
	p0 =	seq.s32 s1, $0x1  }
0xd: {  	s10 =	sshrl.u32 s8, $0x1;
	s11 =	sshrl.u32 s11, $0x2;
	s22 =	sshrl.u32 s9, $0x3  }
0xe: {  	[dreg:$0x7] =	wrdreg s26;
	s8 =	ssub.s32 s8, s10;
	s25 =	sadd.s32 s9, s5  }
0xf: {  	s11 =	sadd.s32 s11, s3;
	s5 =	sshrl.u32 s5, $0x3;
	s28 =	sadd.s32 s13, s12  }
0x10: {  	s12 =	sadd.s32 $0x138000, s3;
	s23 =	sadd.s32 s15, s22;
	[dreg:$0x5] =	wrdreg s11  }
0x11: {  	s15 =	simm.s32 $0x700;
	s10 =	sshrl.u32 s25, $0x3;
	[dreg:$0x8] =	wrdreg s12  }
0x12: {  	s13 =	sshrl.u32 s28, $0x3;
	[dreg:$0x10] =	wrdreg s23;
	s24 =	sadd.s32 $0x1000, s28  }
0x13: {  	s25 =	sor.u32 $0xC00, s28;
	s28 =	smax.u32 s8, $0x1;
	s8 =	simm.s32 $0xD00  }
0x14: {  	s11 =	simm.s32 $0x600;
	s12 =	simm.s32 $0xD80;
	s10 =	sadd.s32 s0, s10  }
0x15: {  	s0 =	sadd.s32 s0, s5;
	s17 =	sadd.s32 s2, s13;
	s18 =	sor.u32 $0x80, s13  }
0x16: {  	s19 =	sadd.s32 s7, s13;
	s5 =	sor.u32 $0x100, s13;
	[dreg:$0x12] =	wrdreg s28  }
0x17: {  	s1 =	sshrl.u32 s25, $0x3;
	s25 =	simm.s32 $0x5;
	[dreg:$0x6] =	wrdreg s10  }
0x18: {  	s13 =	simm.s32 $0x680;
	s0 =	sadd.s32 $0x27000, s0;
	[dreg:$0xa] =	wrdreg s17  }
0x19: {  	[dreg:$0xb] =	wrdreg s19;
	s20 =	sadd.s32 s2, s18;
	s21 =	sadd.s32 s2, s5  }
0x1a: {  	s5 =	sadd.s32 s7, s5;
	s23 =	sadd.s32 s1, s7;
	[dreg:$0x9] =	wrdreg s0  }
0x1b: {  	s19 =	simm.s32 $0x400;
	s17 =	simm.s32 $0x780;
	[dreg:$0xc] =	wrdreg s20  }
0x1c: {  	s10 =	simm.s32 $0xF80;
	s0 =	sadd.s32 s7, s18;
	[dreg:$0xe] =	wrdreg s21  }
.Ltmp0:
0x1d: {  	[dreg:$0xf] =	wrdreg s5;
	s20 =	simm.s32 $0x4;
	(pc) =	sbr.rel .LBB2_1-.Ltmp0, $4  }
0x1e: {  	s18 =	simm.s32 $0x0;
	[dreg:$0xd] =	wrdreg s0;
	s0 =	sadd.s32 s14, s22  }
0x1f: {  	s14 =	simm.s32 $0xE00;
	[dreg:$0x11] =	wrdreg s0;
	s0 =	sshrl.u32 s24, $0x3  }
0x20: {  	s24 =	sadd.s32 s1, s2;
	s1 =	simm.s32 $0x2;
	s21 =	sadd.s32 s0, s7  }
0x21: {  	s22 =	sadd.s32 s0, s2;
	s0 =	simm.s32 $0x1;
	s7 =	simm.s32 $0xC00  }
.LBB2_7:
0x22: {  	s5 =	rddreg [dreg:$0x8]  }
0x23: {  	s2 =	sadd.s32 $0x27000, s9;
	s5 =	sshrl.u32 s5, $0x3  }
0x24: {  	[hbm:s2], [sflag:s26] =	dma.local [spmem:s5], $0x100  }
0x25: {  	_ =	swait.ge [sflag:s25], $0x100  }
0x26: {  	[sflag:s25] =	ssyncset.done $0x0  }
0x27: {  	[sflag:s25] =	ssyncadd.s32 $0xFFFFFF00  }
.LBB2_8:
0x28: {  	s18 =	sadd.s32 $0x1, s18;
	s2 =	rddreg [dreg:$0x12]  }
0x29: {  	p3 =	sne.s32 s18, s2  }
.Ltmp1:
0x2a: {  	_ = 	snop;
	(pc) =	sbr.rel @!p3 .LBB2_9-.Ltmp1, $1  }
0x2b: {  	_ =	sdelay $0x3  }
.LBB2_1:
0x2c: {  	[dreg:$0x13] =	wrdreg s18  }
0x2d: {  	s2 =	rddreg [dreg:$0x5]  }
0x2e: {  	s9 =	rddreg [dreg:$0x6];
	s5 =	sshrl.u32 s2, $0x3  }
0x2f: {  	[dreg:$0x14] =	wrdreg s5  }
0x30: {  	[spmem:s5], [sflag:s26] =	dma.local [hbm:s9], $0x2700  }
0x31: {  	_ =	swait.ge [sflag:s25], $0x2700  }
0x32: {  	[sflag:s25] =	ssyncset.done $0x0;
	s2 =	rddreg [dreg:$0x8]  }
0x33: {  	[sflag:s25] =	ssyncadd.s32 $0xFFFFD900;
	s9 =	sshrl.u32 @!p1 s2, $0x3;
	s2 =	rddreg [dreg:$0x9]  }
0x34: {  	[spmem:s9], [sflag:s26] =	dma.local @!p1 [hbm:s2], $0x100  }
0x35: {  	s9 =	simm.s32 @!p1 $0x5  }
0x36: {  	_ =	swait.ge @!p1 [sflag:s9], $0x100  }
0x37: {  	[sflag:s9] =	ssyncset.done @!p1 $0x0  }
0x38: {  	[sflag:s9] =	ssyncadd.s32 @!p1 $0xFFFFFF00  }
0x39: {  	[bflag:$0x0] =	sbarrier.arrive $0xFFFF  }
0x3a: {  	s18 =	rddreg [dreg:$0xa]  }
0x3b: {  	[tilespmem:s4], [sflag:$0x3] =	stream.linear.gather [hbm4b:s18+s4], $0x400, $0x38;
	[tilespmem:$0x1C880] =	vst v63  }
0x3c: {  	s5 =	simm.s32 $0x800;
	s9 =	simm.s32 $0x3;
	s26 =	rddreg [dreg:$0xb]  }
0x3d: {  	[tilespmem:s5], [sflag:$0x3] =	stream.linear.gather [hbm4b:s26+s4], $0x400, $0x38;
	[tilespmem:$0x1C880] =	vst v63  }
0x3e: {  	_ =	swait.ge [sflag:s9], $0x400  }
0x3f: {  	[sflag:s9] =	ssyncset.done $0x0  }
0x40: {  	[sflag:s9] =	ssyncadd.s32 $0xFFFFFC00  }
0x41: {  	_ =	swait.ge [sflag:s9], $0x400  }
0x42: {  	[sflag:s9] =	ssyncset.done $0x0  }
0x43: {  	[sflag:s9] =	ssyncadd.s32 $0xFFFFFC00  }
0x44: {  	[tilespmem:s30], [sflag:$0x1] =	stream.indirect.gather [hbm4b:s6+s29], $0x80, s4, s29, $0xb8;
	[tilespmem:$0x1C880] =	vst v63  }
0x45: {  	_ = 	snop  }
0x46: {  	[tilespmem:s31], [sflag:$0x2] =	stream.indirect.gather [hbm4b:s6+s29], $0x80, s29, s29, $0xb8;
	[tilespmem:$0x1C880] =	vst v63  }
0x47: {  	_ =	swait.ge [sflag:s0], $0x4000  }
0x48: {  	[sflag:s0] =	ssyncset.done $0x0  }
0x49: {  	[sflag:s0] =	ssyncadd.s32 $0xFFFFC000  }
0x4a: {  	[spmem:s3] =	stream.indirect.scatter.add.f32 [tilespmem:s30], [sflag:$0x5], $0x80, s5, s29, $0xb8;
	[tilespmem:$0x1C880] =	vst v63  }
0x4b: {  	_ =	swait.ge [sflag:s25], $0x4000  }
0x4c: {  	[sflag:s25] =	ssyncset.done $0x0  }
0x4d: {  	s28 =	simm.s32 $0x100;
	[sflag:s25] =	ssyncadd.s32 $0xFFFFC000  }
0x4e: {  	[tilespmem:s30], [sflag:$0x1] =	stream.indirect.gather [hbm4b:s6+s29], $0x80, s28, s29, $0xb8;
	[tilespmem:$0x1C880] =	vst v63  }
0x4f: {  	_ =	swait.ge [sflag:s1], $0x4000  }
0x50: {  	[sflag:s1] =	ssyncset.done $0x0  }
0x51: {  	s18 =	simm.s32 $0x880;
	[sflag:s1] =	ssyncadd.s32 $0xFFFFC000  }
0x52: {  	[spmem:s3] =	stream.indirect.scatter.add.f32 [tilespmem:s31], [sflag:$0x5], $0x80, s18, s29, $0xb8;
	[tilespmem:$0x1C880] =	vst v63  }
0x53: {  	_ =	swait.ge [sflag:s25], $0x4000  }
0x54: {  	[sflag:s25] =	ssyncset.done $0x0  }
0x55: {  	s26 =	simm.s32 $0x180;
	[sflag:s25] =	ssyncadd.s32 $0xFFFFC000  }
0x56: {  	[tilespmem:s31], [sflag:$0x2] =	stream.indirect.gather [hbm4b:s6+s29], $0x80, s26, s29, $0xb8;
	[tilespmem:$0x1C880] =	vst v63  }
0x57: {  	s28 =	rddreg [dreg:$0xc]  }
0x58: {  	[tilespmem:s19], [sflag:$0x4] =	stream.linear.gather [hbm4b:s28+s4], $0x400, $0x38;
	[tilespmem:$0x1C880] =	vst v63  }
0x59: {  	s18 =	rddreg [dreg:$0xd]  }
0x5a: {  	[tilespmem:s7], [sflag:$0x4] =	stream.linear.gather [hbm4b:s18+s4], $0x400, $0x38;
	[tilespmem:$0x1C880] =	vst v63  }
0x5b: {  	_ =	swait.ge [sflag:s0], $0x4000  }
0x5c: {  	[sflag:s0] =	ssyncset.done $0x0  }
0x5d: {  	s26 =	simm.s32 $0x900;
	[sflag:s0] =	ssyncadd.s32 $0xFFFFC000  }
0x5e: {  	[spmem:s3] =	stream.indirect.scatter.add.f32 [tilespmem:s30], [sflag:$0x5], $0x80, s26, s29, $0xb8;
	[tilespmem:$0x1C880] =	vst v63  }
0x5f: {  	_ =	swait.ge [sflag:s25], $0x4000  }
0x60: {  	[sflag:s25] =	ssyncset.done $0x0  }
0x61: {  	s28 =	simm.s32 $0x200;
	[sflag:s25] =	ssyncadd.s32 $0xFFFFC000  }
0x62: {  	[tilespmem:s30], [sflag:$0x1] =	stream.indirect.gather [hbm4b:s6+s29], $0x80, s28, s29, $0xb8;
	[tilespmem:$0x1C880] =	vst v63  }
0x63: {  	_ =	swait.ge [sflag:s1], $0x4000  }
0x64: {  	[sflag:s1] =	ssyncset.done $0x0  }
0x65: {  	s18 =	simm.s32 $0x980;
	[sflag:s1] =	ssyncadd.s32 $0xFFFFC000  }
0x66: {  	[spmem:s3] =	stream.indirect.scatter.add.f32 [tilespmem:s31], [sflag:$0x5], $0x80, s18, s29, $0xb8;
	[tilespmem:$0x1C880] =	vst v63  }
0x67: {  	_ =	swait.ge [sflag:s25], $0x4000  }
0x68: {  	[sflag:s25] =	ssyncset.done $0x0  }
0x69: {  	s26 =	simm.s32 $0x280;
	[sflag:s25] =	ssyncadd.s32 $0xFFFFC000  }
0x6a: {  	[tilespmem:s31], [sflag:$0x2] =	stream.indirect.gather [hbm4b:s6+s29], $0x80, s26, s29, $0xb8;
	[tilespmem:$0x1C880] =	vst v63  }
0x6b: {  	_ =	swait.ge [sflag:s0], $0x4000  }
0x6c: {  	[sflag:s0] =	ssyncset.done $0x0  }
0x6d: {  	s28 =	simm.s32 $0xA00;
	[sflag:s0] =	ssyncadd.s32 $0xFFFFC000  }
0x6e: {  	[spmem:s3] =	stream.indirect.scatter.add.f32 [tilespmem:s30], [sflag:$0x5], $0x80, s28, s29, $0xb8;
	[tilespmem:$0x1C880] =	vst v63  }
0x6f: {  	_ =	swait.ge [sflag:s25], $0x4000  }
0x70: {  	[sflag:s25] =	ssyncset.done $0x0  }
0x71: {  	s18 =	simm.s32 $0x300;
	[sflag:s25] =	ssyncadd.s32 $0xFFFFC000  }
0x72: {  	[tilespmem:s30], [sflag:$0x1] =	stream.indirect.gather [hbm4b:s6+s29], $0x80, s18, s29, $0xb8;
	[tilespmem:$0x1C880] =	vst v63  }
0x73: {  	_ =	swait.ge [sflag:s1], $0x4000  }
0x74: {  	[sflag:s1] =	ssyncset.done $0x0  }
0x75: {  	s26 =	simm.s32 $0xA80;
	[sflag:s1] =	ssyncadd.s32 $0xFFFFC000  }
0x76: {  	[spmem:s3] =	stream.indirect.scatter.add.f32 [tilespmem:s31], [sflag:$0x5], $0x80, s26, s29, $0xb8;
	[tilespmem:$0x1C880] =	vst v63  }
0x77: {  	_ =	swait.ge [sflag:s25], $0x4000  }
0x78: {  	[sflag:s25] =	ssyncset.done $0x0  }
0x79: {  	s28 =	simm.s32 $0x380;
	[sflag:s25] =	ssyncadd.s32 $0xFFFFC000  }
0x7a: {  	[tilespmem:s31], [sflag:$0x2] =	stream.indirect.gather [hbm4b:s6+s29], $0x80, s28, s29, $0xb8;
	[tilespmem:$0x1C880] =	vst v63  }
0x7b: {  	_ =	swait.ge [sflag:s20], $0x400  }
0x7c: {  	[sflag:s20] =	ssyncset.done $0x0  }
0x7d: {  	[sflag:s20] =	ssyncadd.s32 $0xFFFFFC00  }
0x7e: {  	_ =	swait.ge [sflag:s20], $0x400  }
0x7f: {  	[sflag:s20] =	ssyncset.done $0x0  }
0x80: {  	[sflag:s20] =	ssyncadd.s32 $0xFFFFFC00  }
0x81: {  	_ =	swait.ge [sflag:s0], $0x4000  }
0x82: {  	[sflag:s0] =	ssyncset.done $0x0  }
0x83: {  	s18 =	simm.s32 $0xB00;
	[sflag:s0] =	ssyncadd.s32 $0xFFFFC000  }
0x84: {  	[spmem:s3] =	stream.indirect.scatter.add.f32 [tilespmem:s30], [sflag:$0x5], $0x80, s18, s29, $0xb8;
	[tilespmem:$0x1C880] =	vst v63  }
0x85: {  	_ =	swait.ge [sflag:s25], $0x4000  }
0x86: {  	[sflag:s25] =	ssyncset.done $0x0  }
0x87: {  	[sflag:s25] =	ssyncadd.s32 $0xFFFFC000  }
0x88: {  	[tilespmem:s30], [sflag:$0x1] =	stream.indirect.gather [hbm4b:s6+s29], $0x80, s19, s29, $0xb8;
	[tilespmem:$0x1C880] =	vst v63  }
0x89: {  	_ =	swait.ge [sflag:s1], $0x4000  }
0x8a: {  	[sflag:s1] =	ssyncset.done $0x0  }
0x8b: {  	s26 =	simm.s32 $0xB80;
	[sflag:s1] =	ssyncadd.s32 $0xFFFFC000  }
0x8c: {  	[spmem:s3] =	stream.indirect.scatter.add.f32 [tilespmem:s31], [sflag:$0x5], $0x80, s26, s29, $0xb8;
	[tilespmem:$0x1C880] =	vst v63  }
0x8d: {  	_ =	swait.ge [sflag:s25], $0x4000  }
0x8e: {  	[sflag:s25] =	ssyncset.done $0x0  }
0x8f: {  	s28 =	simm.s32 $0x480;
	[sflag:s25] =	ssyncadd.s32 $0xFFFFC000  }
0x90: {  	[tilespmem:s31], [sflag:$0x2] =	stream.indirect.gather [hbm4b:s6+s29], $0x80, s28, s29, $0xb8;
	[tilespmem:$0x1C880] =	vst v63  }
0x91: {  	_ =	swait.ge [sflag:s0], $0x4000  }
0x92: {  	[sflag:s0] =	ssyncset.done $0x0  }
0x93: {  	[sflag:s0] =	ssyncadd.s32 $0xFFFFC000  }
0x94: {  	[spmem:s3] =	stream.indirect.scatter.add.f32 [tilespmem:s30], [sflag:$0x5], $0x80, s7, s29, $0xb8;
	[tilespmem:$0x1C880] =	vst v63  }
0x95: {  	_ =	swait.ge [sflag:s25], $0x4000  }
0x96: {  	[sflag:s25] =	ssyncset.done $0x0  }
0x97: {  	s18 =	simm.s32 $0x500;
	[sflag:s25] =	ssyncadd.s32 $0xFFFFC000  }
0x98: {  	[tilespmem:s30], [sflag:$0x1] =	stream.indirect.gather [hbm4b:s6+s29], $0x80, s18, s29, $0xb8;
	[tilespmem:$0x1C880] =	vst v63  }
0x99: {  	_ =	swait.ge [sflag:s1], $0x4000  }
0x9a: {  	[sflag:s1] =	ssyncset.done $0x0  }
0x9b: {  	s26 =	simm.s32 $0xC80;
	[sflag:s1] =	ssyncadd.s32 $0xFFFFC000  }
0x9c: {  	[spmem:s3] =	stream.indirect.scatter.add.f32 [tilespmem:s31], [sflag:$0x5], $0x80, s26, s29, $0xb8;
	[tilespmem:$0x1C880] =	vst v63  }
0x9d: {  	_ =	swait.ge [sflag:s25], $0x4000  }
0x9e: {  	[sflag:s25] =	ssyncset.done $0x0  }
0x9f: {  	s28 =	simm.s32 $0x580;
	[sflag:s25] =	ssyncadd.s32 $0xFFFFC000  }
0xa0: {  	[tilespmem:s31], [sflag:$0x2] =	stream.indirect.gather [hbm4b:s6+s29], $0x80, s28, s29, $0xb8;
	[tilespmem:$0x1C880] =	vst v63  }
0xa1: {  	s18 =	rddreg [dreg:$0xe]  }
0xa2: {  	[tilespmem:s4], [sflag:$0x3] =	stream.linear.gather [hbm4b:s18+s4], $0x400, $0x38;
	[tilespmem:$0x1C880] =	vst v63  }
0xa3: {  	s26 =	rddreg [dreg:$0xf]  }
0xa4: {  	[tilespmem:s5], [sflag:$0x3] =	stream.linear.gather [hbm4b:s26+s4], $0x400, $0x38;
	[tilespmem:$0x1C880] =	vst v63  }
0xa5: {  	_ =	swait.ge [sflag:s0], $0x4000  }
0xa6: {  	[sflag:s0] =	ssyncset.done $0x0  }
0xa7: {  	[sflag:s0] =	ssyncadd.s32 $0xFFFFC000  }
0xa8: {  	[spmem:s3] =	stream.indirect.scatter.add.f32 [tilespmem:s30], [sflag:$0x5], $0x80, s8, s29, $0xb8;
	[tilespmem:$0x1C880] =	vst v63  }
0xa9: {  	_ =	swait.ge [sflag:s25], $0x4000  }
0xaa: {  	[sflag:s25] =	ssyncset.done $0x0  }
0xab: {  	[sflag:s25] =	ssyncadd.s32 $0xFFFFC000  }
0xac: {  	[tilespmem:s30], [sflag:$0x1] =	stream.indirect.gather [hbm4b:s6+s29], $0x80, s11, s29, $0xb8;
	[tilespmem:$0x1C880] =	vst v63  }
0xad: {  	_ =	swait.ge [sflag:s1], $0x4000  }
0xae: {  	[sflag:s1] =	ssyncset.done $0x0  }
0xaf: {  	[sflag:s1] =	ssyncadd.s32 $0xFFFFC000  }
0xb0: {  	[spmem:s3] =	stream.indirect.scatter.add.f32 [tilespmem:s31], [sflag:$0x5], $0x80, s12, s29, $0xb8;
	[tilespmem:$0x1C880] =	vst v63  }
0xb1: {  	_ =	swait.ge [sflag:s25], $0x4000  }
0xb2: {  	[sflag:s25] =	ssyncset.done $0x0  }
0xb3: {  	[sflag:s25] =	ssyncadd.s32 $0xFFFFC000  }
0xb4: {  	[tilespmem:s31], [sflag:$0x2] =	stream.indirect.gather [hbm4b:s6+s29], $0x80, s13, s29, $0xb8;
	[tilespmem:$0x1C880] =	vst v63  }
0xb5: {  	_ =	swait.ge [sflag:s0], $0x4000  }
0xb6: {  	[sflag:s0] =	ssyncset.done $0x0  }
0xb7: {  	[sflag:s0] =	ssyncadd.s32 $0xFFFFC000  }
0xb8: {  	[spmem:s3] =	stream.indirect.scatter.add.f32 [tilespmem:s30], [sflag:$0x5], $0x80, s14, s29, $0xb8;
	[tilespmem:$0x1C880] =	vst v63  }
0xb9: {  	_ =	swait.ge [sflag:s25], $0x4000  }
0xba: {  	[sflag:s25] =	ssyncset.done $0x0  }
0xbb: {  	[sflag:s25] =	ssyncadd.s32 $0xFFFFC000  }
0xbc: {  	[tilespmem:s30], [sflag:$0x1] =	stream.indirect.gather [hbm4b:s6+s29], $0x80, s15, s29, $0xb8;
	[tilespmem:$0x1C880] =	vst v63  }
0xbd: {  	_ =	swait.ge [sflag:s1], $0x4000  }
0xbe: {  	[sflag:s1] =	ssyncset.done $0x0  }
0xbf: {  	[sflag:s1] =	ssyncadd.s32 $0xFFFFC000  }
0xc0: {  	[spmem:s3] =	stream.indirect.scatter.add.f32 [tilespmem:s31], [sflag:$0x5], $0x80, s16, s29, $0xb8;
	[tilespmem:$0x1C880] =	vst v63  }
0xc1: {  	_ =	swait.ge [sflag:s25], $0x4000  }
0xc2: {  	[sflag:s25] =	ssyncset.done $0x0  }
0xc3: {  	[sflag:s25] =	ssyncadd.s32 $0xFFFFC000  }
0xc4: {  	[tilespmem:s31], [sflag:$0x2] =	stream.indirect.gather [hbm4b:s6+s29], $0x80, s17, s29, $0xb8;
	[tilespmem:$0x1C880] =	vst v63  }
0xc5: {  	_ =	swait.ge [sflag:s9], $0x400  }
0xc6: {  	[sflag:s9] =	ssyncset.done $0x0  }
0xc7: {  	[sflag:s9] =	ssyncadd.s32 $0xFFFFFC00  }
0xc8: {  	_ =	swait.ge [sflag:s9], $0x400  }
0xc9: {  	[sflag:s9] =	ssyncset.done $0x0  }
0xca: {  	[sflag:s9] =	ssyncadd.s32 $0xFFFFFC00  }
0xcb: {  	_ =	swait.ge [sflag:s0], $0x4000  }
0xcc: {  	[sflag:s0] =	ssyncset.done $0x0  }
0xcd: {  	s28 =	simm.s32 $0xF00;
	[sflag:s0] =	ssyncadd.s32 $0xFFFFC000  }
0xce: {  	[spmem:s3] =	stream.indirect.scatter.add.f32 [tilespmem:s30], [sflag:$0x5], $0x80, s28, s29, $0xb8;
	[tilespmem:$0x1C880] =	vst v63  }
0xcf: {  	_ =	swait.ge [sflag:s25], $0x4000  }
0xd0: {  	[sflag:s25] =	ssyncset.done $0x0  }
0xd1: {  	[sflag:s25] =	ssyncadd.s32 $0xFFFFC000  }
0xd2: {  	[tilespmem:s30], [sflag:$0x1] =	stream.indirect.gather [hbm4b:s6+s29], $0x80, s4, s29, $0xb8;
	[tilespmem:$0x1C880] =	vst v63  }
0xd3: {  	_ =	swait.ge [sflag:s1], $0x4000  }
0xd4: {  	[sflag:s1] =	ssyncset.done $0x0  }
0xd5: {  	[sflag:s1] =	ssyncadd.s32 $0xFFFFC000  }
0xd6: {  	[spmem:s3] =	stream.indirect.scatter.add.f32 [tilespmem:s31], [sflag:$0x5], $0x80, s10, s29, $0xb8;
	[tilespmem:$0x1C880] =	vst v63  }
0xd7: {  	_ =	swait.ge [sflag:s25], $0x4000  }
0xd8: {  	[sflag:s25] =	ssyncset.done $0x0  }
0xd9: {  	s18 =	simm.s32 $0x800;
	s9 =	simm.s32 $0x0;
	[sflag:s25] =	ssyncadd.s32 $0xFFFFC000  }
0xda: {  	[tilespmem:s31], [sflag:$0x2] =	stream.indirect.gather [hbm4b:s6+s29], $0x80, s29, s29, $0xb8;
	[tilespmem:$0x1C880] =	vst v63  }
.LBB2_2:
0xdb: {  	_ =	swait.ge [sflag:s0], $0x4000  }
0xdc: {  	[sflag:s0] =	ssyncset.done $0x0  }
0xdd: {  	[sflag:s0] =	ssyncadd.s32 $0xFFFFC000  }
0xde: {  	[spmem:s3] =	stream.indirect.scatter.add.f32 [tilespmem:s30], [sflag:$0x5], $0x80, s18, s29, $0xb8;
	[tilespmem:$0x1C880] =	vst v63  }
0xdf: {  	_ =	swait.ge [sflag:s25], $0x4000  }
0xe0: {  	[sflag:s25] =	ssyncset.done $0x0  }
0xe1: {  	s2 =	simm.s32 $0x100;
	[sflag:s25] =	ssyncadd.s32 $0xFFFFC000  }
0xe2: {  	[tilespmem:s30], [sflag:$0x1] =	stream.indirect.gather [hbm4b:s6+s29], $0x80, s2, s29, $0xb8;
	[tilespmem:$0x1C880] =	vst v63  }
0xe3: {  	_ =	swait.ge [sflag:s1], $0x4000  }
0xe4: {  	[sflag:s1] =	ssyncset.done $0x0  }
0xe5: {  	s26 =	simm.s32 $0x880;
	[sflag:s1] =	ssyncadd.s32 $0xFFFFC000  }
0xe6: {  	[spmem:s3] =	stream.indirect.scatter.add.f32 [tilespmem:s31], [sflag:$0x5], $0x80, s26, s29, $0xb8;
	[tilespmem:$0x1C880] =	vst v63  }
0xe7: {  	_ =	swait.ge [sflag:s25], $0x4000  }
0xe8: {  	[sflag:s25] =	ssyncset.done $0x0  }
0xe9: {  	s28 =	simm.s32 $0x180;
	[sflag:s25] =	ssyncadd.s32 $0xFFFFC000  }
0xea: {  	[tilespmem:s31], [sflag:$0x2] =	stream.indirect.gather [hbm4b:s6+s29], $0x80, s28, s29, $0xb8;
	[tilespmem:$0x1C880] =	vst v63  }
0xeb: {  	s28 =	sadd.s32 s9, s24  }
0xec: {  	[tilespmem:s19], [sflag:$0x4] =	stream.linear.gather [hbm4b:s28+s4], $0x400, $0x38;
	[tilespmem:$0x1C880] =	vst v63  }
0xed: {  	s5 =	sadd.s32 s9, s23  }
0xee: {  	[tilespmem:s7], [sflag:$0x4] =	stream.linear.gather [hbm4b:s5+s4], $0x400, $0x38;
	[tilespmem:$0x1C880] =	vst v63  }
0xef: {  	_ =	swait.ge [sflag:s0], $0x4000  }
0xf0: {  	[sflag:s0] =	ssyncset.done $0x0  }
0xf1: {  	s26 =	simm.s32 $0x900;
	[sflag:s0] =	ssyncadd.s32 $0xFFFFC000  }
0xf2: {  	[spmem:s3] =	stream.indirect.scatter.add.f32 [tilespmem:s30], [sflag:$0x5], $0x80, s26, s29, $0xb8;
	[tilespmem:$0x1C880] =	vst v63  }
0xf3: {  	_ =	swait.ge [sflag:s25], $0x4000  }
0xf4: {  	[sflag:s25] =	ssyncset.done $0x0  }
0xf5: {  	s28 =	simm.s32 $0x200;
	[sflag:s25] =	ssyncadd.s32 $0xFFFFC000  }
0xf6: {  	[tilespmem:s30], [sflag:$0x1] =	stream.indirect.gather [hbm4b:s6+s29], $0x80, s28, s29, $0xb8;
	[tilespmem:$0x1C880] =	vst v63  }
0xf7: {  	_ =	swait.ge [sflag:s1], $0x4000  }
0xf8: {  	[sflag:s1] =	ssyncset.done $0x0  }
0xf9: {  	s5 =	simm.s32 $0x980;
	[sflag:s1] =	ssyncadd.s32 $0xFFFFC000  }
0xfa: {  	[spmem:s3] =	stream.indirect.scatter.add.f32 [tilespmem:s31], [sflag:$0x5], $0x80, s5, s29, $0xb8;
	[tilespmem:$0x1C880] =	vst v63  }
0xfb: {  	_ =	swait.ge [sflag:s25], $0x4000  }
0xfc: {  	[sflag:s25] =	ssyncset.done $0x0  }
0xfd: {  	s26 =	simm.s32 $0x280;
	[sflag:s25] =	ssyncadd.s32 $0xFFFFC000  }
0xfe: {  	[tilespmem:s31], [sflag:$0x2] =	stream.indirect.gather [hbm4b:s6+s29], $0x80, s26, s29, $0xb8;
	[tilespmem:$0x1C880] =	vst v63  }
0xff: {  	_ =	swait.ge [sflag:s0], $0x4000  }
0x100: {  	[sflag:s0] =	ssyncset.done $0x0  }
0x101: {  	s28 =	simm.s32 $0xA00;
	[sflag:s0] =	ssyncadd.s32 $0xFFFFC000  }
0x102: {  	[spmem:s3] =	stream.indirect.scatter.add.f32 [tilespmem:s30], [sflag:$0x5], $0x80, s28, s29, $0xb8;
	[tilespmem:$0x1C880] =	vst v63  }
0x103: {  	_ =	swait.ge [sflag:s25], $0x4000  }
0x104: {  	[sflag:s25] =	ssyncset.done $0x0  }
0x105: {  	s5 =	simm.s32 $0x300;
	[sflag:s25] =	ssyncadd.s32 $0xFFFFC000  }
0x106: {  	[tilespmem:s30], [sflag:$0x1] =	stream.indirect.gather [hbm4b:s6+s29], $0x80, s5, s29, $0xb8;
	[tilespmem:$0x1C880] =	vst v63  }
0x107: {  	_ =	swait.ge [sflag:s1], $0x4000  }
0x108: {  	[sflag:s1] =	ssyncset.done $0x0  }
0x109: {  	s26 =	simm.s32 $0xA80;
	[sflag:s1] =	ssyncadd.s32 $0xFFFFC000  }
0x10a: {  	[spmem:s3] =	stream.indirect.scatter.add.f32 [tilespmem:s31], [sflag:$0x5], $0x80, s26, s29, $0xb8;
	[tilespmem:$0x1C880] =	vst v63  }
0x10b: {  	_ =	swait.ge [sflag:s25], $0x4000  }
0x10c: {  	[sflag:s25] =	ssyncset.done $0x0  }
0x10d: {  	s28 =	simm.s32 $0x380;
	[sflag:s25] =	ssyncadd.s32 $0xFFFFC000  }
0x10e: {  	[tilespmem:s31], [sflag:$0x2] =	stream.indirect.gather [hbm4b:s6+s29], $0x80, s28, s29, $0xb8;
	[tilespmem:$0x1C880] =	vst v63  }
0x10f: {  	_ =	swait.ge [sflag:s20], $0x400  }
0x110: {  	[sflag:s20] =	ssyncset.done $0x0  }
0x111: {  	[sflag:s20] =	ssyncadd.s32 $0xFFFFFC00  }
0x112: {  	_ =	swait.ge [sflag:s20], $0x400  }
0x113: {  	[sflag:s20] =	ssyncset.done $0x0  }
0x114: {  	[sflag:s20] =	ssyncadd.s32 $0xFFFFFC00  }
0x115: {  	_ =	swait.ge [sflag:s0], $0x4000  }
0x116: {  	[sflag:s0] =	ssyncset.done $0x0  }
0x117: {  	s5 =	simm.s32 $0xB00;
	[sflag:s0] =	ssyncadd.s32 $0xFFFFC000  }
0x118: {  	[spmem:s3] =	stream.indirect.scatter.add.f32 [tilespmem:s30], [sflag:$0x5], $0x80, s5, s29, $0xb8;
	[tilespmem:$0x1C880] =	vst v63  }
0x119: {  	_ =	swait.ge [sflag:s25], $0x4000  }
0x11a: {  	[sflag:s25] =	ssyncset.done $0x0  }
0x11b: {  	[sflag:s25] =	ssyncadd.s32 $0xFFFFC000  }
0x11c: {  	[tilespmem:s30], [sflag:$0x1] =	stream.indirect.gather [hbm4b:s6+s29], $0x80, s19, s29, $0xb8;
	[tilespmem:$0x1C880] =	vst v63  }
0x11d: {  	_ =	swait.ge [sflag:s1], $0x4000  }
0x11e: {  	[sflag:s1] =	ssyncset.done $0x0  }
0x11f: {  	s26 =	simm.s32 $0xB80;
	[sflag:s1] =	ssyncadd.s32 $0xFFFFC000  }
0x120: {  	[spmem:s3] =	stream.indirect.scatter.add.f32 [tilespmem:s31], [sflag:$0x5], $0x80, s26, s29, $0xb8;
	[tilespmem:$0x1C880] =	vst v63  }
0x121: {  	_ =	swait.ge [sflag:s25], $0x4000  }
0x122: {  	[sflag:s25] =	ssyncset.done $0x0  }
0x123: {  	s28 =	simm.s32 $0x480;
	[sflag:s25] =	ssyncadd.s32 $0xFFFFC000  }
0x124: {  	[tilespmem:s31], [sflag:$0x2] =	stream.indirect.gather [hbm4b:s6+s29], $0x80, s28, s29, $0xb8;
	[tilespmem:$0x1C880] =	vst v63  }
0x125: {  	_ =	swait.ge [sflag:s0], $0x4000  }
0x126: {  	[sflag:s0] =	ssyncset.done $0x0  }
0x127: {  	[sflag:s0] =	ssyncadd.s32 $0xFFFFC000  }
0x128: {  	[spmem:s3] =	stream.indirect.scatter.add.f32 [tilespmem:s30], [sflag:$0x5], $0x80, s7, s29, $0xb8;
	[tilespmem:$0x1C880] =	vst v63  }
0x129: {  	_ =	swait.ge [sflag:s25], $0x4000  }
0x12a: {  	[sflag:s25] =	ssyncset.done $0x0  }
0x12b: {  	s5 =	simm.s32 $0x500;
	[sflag:s25] =	ssyncadd.s32 $0xFFFFC000  }
0x12c: {  	[tilespmem:s30], [sflag:$0x1] =	stream.indirect.gather [hbm4b:s6+s29], $0x80, s5, s29, $0xb8;
	[tilespmem:$0x1C880] =	vst v63  }
0x12d: {  	_ =	swait.ge [sflag:s1], $0x4000  }
0x12e: {  	[sflag:s1] =	ssyncset.done $0x0  }
0x12f: {  	s26 =	simm.s32 $0xC80;
	[sflag:s1] =	ssyncadd.s32 $0xFFFFC000  }
0x130: {  	[spmem:s3] =	stream.indirect.scatter.add.f32 [tilespmem:s31], [sflag:$0x5], $0x80, s26, s29, $0xb8;
	[tilespmem:$0x1C880] =	vst v63  }
0x131: {  	_ =	swait.ge [sflag:s25], $0x4000  }
0x132: {  	[sflag:s25] =	ssyncset.done $0x0  }
0x133: {  	p3 =	seq.s32 s9, $0x800;
	s28 =	simm.s32 $0x580;
	[sflag:s25] =	ssyncadd.s32 $0xFFFFC000  }
0x134: {  	[tilespmem:s31], [sflag:$0x2] =	stream.indirect.gather [hbm4b:s6+s29], $0x80, s28, s29, $0xb8;
	[tilespmem:$0x1C880] =	vst v63  }
0x135: {  	s5 =	sadd.s32 @!p3 s9, s22;
	s28 =	simm.s32 @!p3 $0x0  }
0x136: {  	[tilespmem:s28], [sflag:$0x3] =	stream.linear.gather @!p3 [hbm4b:s5+s28], $0x400, $0x38;
	[tilespmem:$0x1C880] =	vst v63  }
0x137: {  	s26 =	simm.s32 @!p3 $0x800;
	s5 =	sadd.s32 @!p3 s9, s21  }
0x138: {  	[tilespmem:s26], [sflag:$0x3] =	stream.linear.gather @!p3 [hbm4b:s5+s28], $0x400, $0x38;
	[tilespmem:$0x1C880] =	vst v63  }
0x139: {  	_ =	swait.ge [sflag:s0], $0x4000  }
0x13a: {  	[sflag:s0] =	ssyncset.done $0x0  }
0x13b: {  	[sflag:s0] =	ssyncadd.s32 $0xFFFFC000  }
0x13c: {  	[spmem:s3] =	stream.indirect.scatter.add.f32 [tilespmem:s30], [sflag:$0x5], $0x80, s8, s29, $0xb8;
	[tilespmem:$0x1C880] =	vst v63  }
0x13d: {  	_ =	swait.ge [sflag:s25], $0x4000  }
0x13e: {  	[sflag:s25] =	ssyncset.done $0x0  }
0x13f: {  	[sflag:s25] =	ssyncadd.s32 $0xFFFFC000  }
0x140: {  	[tilespmem:s30], [sflag:$0x1] =	stream.indirect.gather [hbm4b:s6+s29], $0x80, s11, s29, $0xb8;
	[tilespmem:$0x1C880] =	vst v63  }
0x141: {  	_ =	swait.ge [sflag:s1], $0x4000  }
0x142: {  	[sflag:s1] =	ssyncset.done $0x0  }
0x143: {  	[sflag:s1] =	ssyncadd.s32 $0xFFFFC000  }
0x144: {  	[spmem:s3] =	stream.indirect.scatter.add.f32 [tilespmem:s31], [sflag:$0x5], $0x80, s12, s29, $0xb8;
	[tilespmem:$0x1C880] =	vst v63  }
0x145: {  	_ =	swait.ge [sflag:s25], $0x4000  }
0x146: {  	[sflag:s25] =	ssyncset.done $0x0  }
0x147: {  	[sflag:s25] =	ssyncadd.s32 $0xFFFFC000  }
0x148: {  	[tilespmem:s31], [sflag:$0x2] =	stream.indirect.gather [hbm4b:s6+s29], $0x80, s13, s29, $0xb8;
	[tilespmem:$0x1C880] =	vst v63  }
0x149: {  	_ =	swait.ge [sflag:s0], $0x4000  }
0x14a: {  	[sflag:s0] =	ssyncset.done $0x0  }
0x14b: {  	[sflag:s0] =	ssyncadd.s32 $0xFFFFC000  }
0x14c: {  	[spmem:s3] =	stream.indirect.scatter.add.f32 [tilespmem:s30], [sflag:$0x5], $0x80, s14, s29, $0xb8;
	[tilespmem:$0x1C880] =	vst v63  }
0x14d: {  	_ =	swait.ge [sflag:s25], $0x4000  }
0x14e: {  	[sflag:s25] =	ssyncset.done $0x0  }
0x14f: {  	[sflag:s25] =	ssyncadd.s32 $0xFFFFC000  }
0x150: {  	[tilespmem:s30], [sflag:$0x1] =	stream.indirect.gather [hbm4b:s6+s29], $0x80, s15, s29, $0xb8;
	[tilespmem:$0x1C880] =	vst v63  }
0x151: {  	_ =	swait.ge [sflag:s1], $0x4000  }
0x152: {  	[sflag:s1] =	ssyncset.done $0x0  }
0x153: {  	[sflag:s1] =	ssyncadd.s32 $0xFFFFC000  }
0x154: {  	[spmem:s3] =	stream.indirect.scatter.add.f32 [tilespmem:s31], [sflag:$0x5], $0x80, s16, s29, $0xb8;
	[tilespmem:$0x1C880] =	vst v63  }
0x155: {  	_ =	swait.ge [sflag:s25], $0x4000  }
0x156: {  	[sflag:s25] =	ssyncset.done $0x0  }
0x157: {  	s5 =	simm.s32 @p3 $0x1;
	[sflag:s25] =	ssyncadd.s32 $0xFFFFC000  }
0x158: {  	[tilespmem:s31], [sflag:$0x2] =	stream.indirect.gather [hbm4b:s6+s29], $0x80, s17, s29, $0xb8;
	[tilespmem:$0x1C880] =	vst v63  }
0x159: {  	_ =	swait.ge @p3 [sflag:s5], $0x4000  }
0x15a: {  	s2 =	simm.s32 @p3 $0x1000;
	[sflag:s5] =	ssyncset.done @p3 $0x0  }
0x15b: {  	s26 =	simm.s32 @p3 $0xF00;
	[sflag:s5] =	ssyncadd.s32 @p3 $0xFFFFC000;
	s5 =	simm.s32 @p3 $0x80  }
0x15c: {  	[spmem:s3] =	stream.indirect.scatter.add.f32 @p3 [tilespmem:s2], [sflag:$0x5], $0x80, s26, s5, $0xb8;
	[tilespmem:$0x1C880] =	vst v63  }
0x15d: {  	s2 =	simm.s32 @p3 $0x5  }
0x15e: {  	_ =	swait.ge @p3 [sflag:s2], $0x4000  }
0x15f: {  	[sflag:s2] =	ssyncset.done @p3 $0x0  }
0x160: {  	[sflag:s2] =	ssyncadd.s32 @p3 $0xFFFFC000;
	s2 =	simm.s32 @!p3 $0x3  }
0x161: {  	_ =	swait.ge @!p3 [sflag:s2], $0x400  }
0x162: {  	[sflag:s2] =	ssyncset.done @!p3 $0x0  }
0x163: {  	[sflag:s2] =	ssyncadd.s32 @!p3 $0xFFFFFC00  }
0x164: {  	_ =	swait.ge @!p3 [sflag:s2], $0x400  }
0x165: {  	[sflag:s2] =	ssyncset.done @!p3 $0x0  }
0x166: {  	[sflag:s2] =	ssyncadd.s32 @!p3 $0xFFFFFC00;
	s2 =	simm.s32 @!p3 $0x1  }
0x167: {  	_ =	swait.ge @!p3 [sflag:s2], $0x4000  }
0x168: {  	s5 =	simm.s32 @!p3 $0xF00;
	[sflag:s2] =	ssyncset.done @!p3 $0x0  }
0x169: {  	s26 =	simm.s32 @!p3 $0x1000;
	[sflag:s2] =	ssyncadd.s32 @!p3 $0xFFFFC000;
	s2 =	simm.s32 @!p3 $0x80  }
0x16a: {  	[spmem:s3] =	stream.indirect.scatter.add.f32 @!p3 [tilespmem:s26], [sflag:$0x5], $0x80, s5, s2, $0xb8;
	[tilespmem:$0x1C880] =	vst v63  }
0x16b: {  	s5 =	simm.s32 @!p3 $0x5  }
0x16c: {  	_ =	swait.ge @!p3 [sflag:s5], $0x4000  }
0x16d: {  	[sflag:s5] =	ssyncset.done @!p3 $0x0  }
0x16e: {  	[sflag:s5] =	ssyncadd.s32 @!p3 $0xFFFFC000  }
0x16f: {  	[tilespmem:s26], [sflag:$0x1] =	stream.indirect.gather @!p3 [hbm4b:s6+s2], $0x80, s28, s2, $0xb8;
	[tilespmem:$0x1C880] =	vst v63  }
0x170: {  	_ =	swait.ge [sflag:s1], $0x4000  }
0x171: {  	[sflag:s1] =	ssyncset.done $0x0  }
.Ltmp2:
0x172: {  	[sflag:s1] =	ssyncadd.s32 $0xFFFFC000;
	(pc) =	sbr.rel @p3 .LBB2_4-.Ltmp2, $4  }
0x173: {  	[spmem:s3] =	stream.indirect.scatter.add.f32 [tilespmem:s31], [sflag:$0x5], $0x80, s10, s29, $0xb8;
	[tilespmem:$0x1C880] =	vst v63  }
0x174: {  	_ =	swait.ge [sflag:s25], $0x4000  }
0x175: {  	[sflag:s25] =	ssyncset.done $0x0  }
0x176: {  	[sflag:s25] =	ssyncadd.s32 $0xFFFFC000  }
.Ltmp3:
0x177: {  	(pc) =	sbr.rel .LBB2_2-.Ltmp3, $3  }
0x178: {  	_ =	sdelay $0x1  }
0x179: {  	[tilespmem:s31], [sflag:$0x2] =	stream.indirect.gather [hbm4b:s6+s29], $0x80, s29, s29, $0xb8;
	[tilespmem:$0x1C880] =	vst v63  }
0x17a: {  	s9 =	sadd.s32 $0x100, s9  }
.LBB2_4:
.Ltmp4:
0x17b: {  	(pc) =	sbr.rel @!p0 .LBB2_5-.Ltmp4, $3  }
0x17c: {  	_ =	sdelay $0x1  }
0x17d: {  	[bflag:$0x0] =	sbarrier.arrive $0xFFFF  }
0x17e: {  	s26 =	rddreg [dreg:$0x7]  }
0x17f: {  	s2 =	rddreg [dreg:$0x11]  }
0x180: {  	s5 =	rddreg [dreg:$0x14]  }
0x181: {  	[hbm:s2], [sflag:s26] =	dma.local [spmem:s5], $0x2700  }
.Ltmp5:
0x182: {  	_ = 	snop;
	(pc) =	sbr.rel @p1 .LBB2_8-.Ltmp5, $4  }
.Ltmp6:
0x183: {  	_ =	swait.ge [sflag:s25], $0x2700;
	(pc) =	sbr.rel @!p1 .LBB2_7-.Ltmp6, $4  }
0x184: {  	[sflag:s25] =	ssyncset.done $0x0  }
0x185: {  	s18 =	rddreg [dreg:$0x13];
	[sflag:s25] =	ssyncadd.s32 $0xFFFFD900  }
0x186: {  	s9 =	rddreg [dreg:$0x1]  }
0x187: {  	_ = 	snop  }
.LBB2_5:
0x188: {  	s2 =	rddreg [dreg:$0x10]  }
0x189: {  	s5 =	rddreg [dreg:$0x14]  }
0x18a: {  	[hbm:s2], [sflag:s26] =	dma.local [spmem:s5], $0x2700  }
.Ltmp7:
0x18b: {  	_ = 	snop;
	(pc) =	sbr.rel @p2 .LBB2_7-.Ltmp7, $4  }
.Ltmp8:
0x18c: {  	_ =	swait.ge [sflag:s25], $0x2700;
	(pc) =	sbr.rel @!p2 .LBB2_8-.Ltmp8, $4  }
0x18d: {  	[sflag:s25] =	ssyncset.done $0x0  }
0x18e: {  	s18 =	rddreg [dreg:$0x13];
	[sflag:s25] =	ssyncadd.s32 $0xFFFFD900  }
0x18f: {  	s9 =	rddreg [dreg:$0x2]  }
0x190: {  	_ = 	snop  }
.LBB2_9:
0x191: {  	_ =	sfence.sel $0x180000  }
0x192: {  	[bflag:$0x0] =	sbarrier.arrive $0xFFFF  }
0x193: {  	_ =	strace $0x90000047  }
0x194: {  	s0 =	stileid.u32;
	[bflag:$0x2] =	sbarrier.arrive $0xFFFF  }
0x195: {  	p0 =	sne.s32 s0, $0x0;
	s0 =	rddreg [dreg:$0x4]  }
0x196: {  	s0 =	sadd.s32 @!p0 $0x100000, s0  }
0x197: {  	[sflag:s0] =	ssyncadd.tile.s32 @!p0 $0x1;
	_ =	shalt  }
.Lfunc_end2:
_tile_overlayer_lowered:
.L_overlay_start_2:
0x198: {  	(tag) =	ssettag $0x2  }
0x199: {  	s0 =	rddreg [dreg:$0x0];
	s2 =	stileid.u32  }
0x19a: {  	s1 =	rddreg [dreg:$0x1];
	p0 =	sne.s32 s2, $0x0  }
0x19b: {  	s3 =	rddreg [dreg:$0x2];
	[bflag:$0x3] =	sbarrier.arrive $0xFFFF;
	s2 =	simm.s32 @!p0 $0x1C05  }
0x19c: {  	[timem:s3], [sflag:s2] =	dma.local @!p0 [hbm:s0], s1  }
0x19d: {  	s0 =	simm.s32 @!p0 $0x5  }
0x19e: {  	_ =	swait.ge @!p0 [sflag:s0], s1  }
0x19f: {  	s1 =	ssub.s32 @!p0 $0x0, s1;
	[sflag:s0] =	ssyncset.done @!p0 $0x0  }
0x1a0: {  	[sflag:s0] =	ssyncadd.s32 @!p0 s1  }
0x1a1: {  	[bflag:$0x3] =	sbarrier.arrive $0xFFFF  }
0x1a2: {  	_ =	shalt  }

</sc_bundles>
